<compile_context>
chip_gen: v7x
topology: tpu7x:2x2x1
jax: 0.10.2.dev20260603
libtpu: 0.0.44.dev20260713+nightly
codegen_flags: <defaults>
</compile_context>

<pallas_src>
import jax
import jax.numpy as jnp
from jax import lax
from jax.experimental import pallas as pl
from jax.experimental.pallas import tpu as pltpu
from jax.experimental.pallas import tpu_sc as plsc

N = 10000
D = 128
E = 320000

NC = 2
NS = 16
NW = NC * NS
CH = 64
NSLOT = 4
EP = 327680
EPT = EP // NW
RPT = EPT // CH
NP = 10240
ROWS_PT = NP // NS


def _seg_body(x_hbm, src_hbm, dst_hbm, out0, out1, acc, srcv,
              *rest):
    bufs = rest[0:NSLOT]
    dis = rest[NSLOT:2 * NSLOT]
    sg = rest[2 * NSLOT:3 * NSLOT]
    si = rest[3 * NSLOT:4 * NSLOT]
    ss = rest[4 * NSLOT:5 * NSLOT]
    b0 = bufs[0]
    c = lax.axis_index("c")
    s = lax.axis_index("s")
    wid = c * NS + s

    def _zrow(r, carry):
        for jc in range(D // 16):
            b0[r, pl.ds(jc * 16, 16)] = jnp.zeros((16,), jnp.float32)
        return carry

    lax.fori_loop(0, CH, _zrow, 0)
    row0 = pl.multiple_of(s * ROWS_PT, 8)
    for off in range(0, ROWS_PT, CH):
        pltpu.sync_copy(b0, acc.at[pl.ds(row0 + off, CH)])
    plsc.subcore_barrier()

    ebase = pl.multiple_of(wid * EPT, 8)
    pltpu.sync_copy(src_hbm.at[pl.ds(ebase, EPT)], srcv)

    def _issue(j, sl):
        pltpu.async_copy(dst_hbm.at[pl.ds(ebase + j * CH, CH)], dis[sl],
                         si[sl])
        pltpu.async_copy(x_hbm.at[srcv.at[pl.ds(j * CH, CH)]], bufs[sl],
                         sg[sl])

    def _wait_in(j, sl):
        pltpu.make_async_copy(dst_hbm.at[pl.ds(ebase + j * CH, CH)],
                              dis[sl], si[sl]).wait()
        pltpu.make_async_copy(x_hbm.at[srcv.at[pl.ds(j * CH, CH)]],
                              bufs[sl], sg[sl]).wait()

    def _scat(sl):
        return pltpu.async_copy(bufs[sl], acc.at[dis[sl]], ss[sl], add=True)

    for sl in range(NSLOT):
        _issue(sl, sl)

    def _group(k, carry):
        j = NSLOT * k
        ds = []
        for sl in range(NSLOT):
            _wait_in(j + sl, sl)
            ds.append(_scat(sl))
        for sl in range(NSLOT):
            ds[sl].wait()
            _issue(j + sl + NSLOT, sl)
        return carry

    lax.fori_loop(0, RPT // NSLOT - 1, _group, 0)
    jlast = RPT - NSLOT
    ds = []
    for sl in range(NSLOT):
        _wait_in(jlast + sl, sl)
        ds.append(_scat(sl))
    for d in ds:
        d.wait()
    plsc.subcore_barrier()

    @pl.when(c == 0)
    def _():
        pltpu.sync_copy(acc.at[pl.ds(row0, ROWS_PT)],
                        out0.at[pl.ds(row0, ROWS_PT)])

    @pl.when(c == 1)
    def _():
        pltpu.sync_copy(acc.at[pl.ds(row0, ROWS_PT)],
                        out1.at[pl.ds(row0, ROWS_PT)])


_segsum = pl.kernel(
    _seg_body,
    out_type=(jax.ShapeDtypeStruct((NP, D), jnp.float32),
              jax.ShapeDtypeStruct((NP, D), jnp.float32)),
    mesh=plsc.VectorSubcoreMesh(core_axis_name="c", subcore_axis_name="s"),
    scratch_types=(
        [pltpu.VMEM_SHARED((NP, D), jnp.float32)]
        + [pltpu.VMEM((EPT,), jnp.int32)]
        + [pltpu.VMEM((CH, D), jnp.float32)] * NSLOT
        + [pltpu.VMEM((CH,), jnp.int32)] * NSLOT
        + [pltpu.SemaphoreType.DMA] * (3 * NSLOT)
    ),
)


def _mm_body(a_ref, b_ref, o_ref):
    o_ref[...] = jnp.dot(a_ref[...], b_ref[...],
                         preferred_element_type=jnp.float32)


_mm = pl.pallas_call(
    _mm_body,
    out_shape=jax.ShapeDtypeStruct((D, D), jnp.float32),
)

_BR = 2000


def _add_body(a_ref, b_ref, o_ref):
    o_ref[...] = a_ref[...] + b_ref[...]


_add = pl.pallas_call(
    _add_body,
    grid=(N // _BR,),
    in_specs=[pl.BlockSpec((_BR, D), lambda i: (i, 0)),
              pl.BlockSpec((_BR, D), lambda i: (i, 0))],
    out_specs=pl.BlockSpec((_BR, D), lambda i: (i, 0)),
    out_shape=jax.ShapeDtypeStruct((N, D), jnp.float32),
)


def _final_body(q0_ref, q1_ref, w_ref, o_ref):
    t = q0_ref[...] + q1_ref[...]
    y = jnp.dot(t, w_ref[...], preferred_element_type=jnp.float32)
    m = jnp.max(y, axis=-1, keepdims=True)
    lse = jnp.log(jnp.sum(jnp.exp(y - m), axis=-1, keepdims=True))
    o_ref[...] = y - m - lse


_final = pl.pallas_call(
    _final_body,
    grid=(N // _BR,),
    in_specs=[pl.BlockSpec((_BR, D), lambda i: (i, 0)),
              pl.BlockSpec((_BR, D), lambda i: (i, 0)),
              pl.BlockSpec((D, D), lambda i: (0, 0))],
    out_specs=pl.BlockSpec((_BR, D), lambda i: (i, 0)),
    out_shape=jax.ShapeDtypeStruct((N, D), jnp.float32),
)


def kernel(x, edge_index, W0, W1):
    src = edge_index[0].astype(jnp.int32)
    dst = edge_index[1].astype(jnp.int32)
    pad = EP - E
    pad_src = jnp.arange(pad, dtype=jnp.int32) % N
    pad_dst = N + jnp.arange(pad, dtype=jnp.int32) % (NP - N)
    src_p = jnp.concatenate([src, pad_src])
    dst_p = jnp.concatenate([dst, pad_dst])
    w = _mm(W0, W1)
    p0, p1 = _segsum(x, src_p, dst_p)
    t1 = _add(p0, p1)
    q0, q1 = _segsum(t1, src_p, dst_p)
    return _final(q0, q1, w)

# --- scband reference (transcript-rebuilt; emitter-appended) ---
"""Pipeline reference for scband-sgc-76922864272070 (READ-ONLY COPY).

The authoritative reference and input builder live on the scoring server;
editing this copy changes nothing except your own understanding.
"""

import jax, jax.numpy as jnp
import numpy as np

N_NODES = 10000
N_EDGES = 320000
D_IN = 128
D_HID = 128
D_OUT = 128


def _glorot(key, shape):
    fan_in, fan_out = shape[0], shape[1]
    limit = np.sqrt(6.0 / (fan_in + fan_out))
    return jax.random.uniform(key, shape, dtype=jnp.float32, minval=-limit, maxval=limit)


def setup_inputs(seed: int = 0) -> dict:
    key = jax.random.key(seed)
    k_x, k_e, k_w0, k_w1 = jax.random.split(key, 4)
    x = jax.random.normal(k_x, (N_NODES, D_IN), dtype=jnp.float32)
    edge_index = jax.random.randint(k_e, (2, N_EDGES), 0, N_NODES, dtype=jnp.int64)
    W0 = _glorot(k_w0, (D_IN, D_HID))
    W1 = _glorot(k_w1, (D_HID, D_OUT))
    return {"x": x, "edge_index": edge_index, "W0": W0, "W1": W1}


def reference(x, edge_index, W0, W1):
    # SGC with 2 GCNConv layers (normalize=False, bias=False -> no self-loops,
    # no degree normalization): each layer is linear transform + sum-aggregation
    # over incoming edges. Dropout p=0.0 is identity.
    src = edge_index[0]
    dst = edge_index[1]
    n = x.shape[0]
    # layer 1
    h = x @ W0
    x1 = jax.ops.segment_sum(jnp.take(h, src, axis=0), dst, num_segments=n)
    # layer 2
    h2 = x1 @ W1
    x2 = jax.ops.segment_sum(jnp.take(h2, src, axis=0), dst, num_segments=n)
    return jax.nn.log_softmax(x2, axis=-1)

if __name__ == "__main__":
    import jax
    _d = setup_inputs()
    print(jax.jit(kernel)(*tuple(_d.values())))

</pallas_src>

<mosaic_0001>
#map = affine_map<(d0, d1) -> (0, 0)>
#map1 = affine_map<(d0, d1) -> (0)>
module attributes {stable_mosaic.version = 14 : i64} {
  func.func @_seg_body(%arg0: i32, %arg1: i32, %arg2: memref<10000x128xf32, #tpu.memory_space<hbm>>, %arg3: memref<327680xi32, #tpu.memory_space<hbm>>, %arg4: memref<327680xi32, #tpu.memory_space<hbm>>, %arg5: memref<10240x128xf32, #tpu.memory_space<hbm>>, %arg6: memref<10240x128xf32, #tpu.memory_space<hbm>>, %arg7: memref<10240x128xf32, #tpu.memory_space<vmem_shared>>, %arg8: memref<10240xi32, #tpu.memory_space<vmem>>, %arg9: memref<64x128xf32, #tpu.memory_space<vmem>>, %arg10: memref<64x128xf32, #tpu.memory_space<vmem>>, %arg11: memref<64x128xf32, #tpu.memory_space<vmem>>, %arg12: memref<64x128xf32, #tpu.memory_space<vmem>>, %arg13: memref<64xi32, #tpu.memory_space<vmem>>, %arg14: memref<64xi32, #tpu.memory_space<vmem>>, %arg15: memref<64xi32, #tpu.memory_space<vmem>>, %arg16: memref<64xi32, #tpu.memory_space<vmem>>, %arg17: memref<!tpu.dma_semaphore, #tpu.memory_space<semaphore_mem>>, %arg18: memref<!tpu.dma_semaphore, #tpu.memory_space<semaphore_mem>>, %arg19: memref<!tpu.dma_semaphore, #tpu.memory_space<semaphore_mem>>, %arg20: memref<!tpu.dma_semaphore, #tpu.memory_space<semaphore_mem>>, %arg21: memref<!tpu.dma_semaphore, #tpu.memory_space<semaphore_mem>>, %arg22: memref<!tpu.dma_semaphore, #tpu.memory_space<semaphore_mem>>, %arg23: memref<!tpu.dma_semaphore, #tpu.memory_space<semaphore_mem>>, %arg24: memref<!tpu.dma_semaphore, #tpu.memory_space<semaphore_mem>>, %arg25: memref<!tpu.dma_semaphore, #tpu.memory_space<semaphore_mem>>, %arg26: memref<!tpu.dma_semaphore, #tpu.memory_space<semaphore_mem>>, %arg27: memref<!tpu.dma_semaphore, #tpu.memory_space<semaphore_mem>>, %arg28: memref<!tpu.dma_semaphore, #tpu.memory_space<semaphore_mem>>) attributes {dimension_semantics = [#tpu.dimension_semantics<core_parallel>, #tpu.dimension_semantics<subcore_parallel>], iteration_bounds = array<i64: 2, 16>, scalar_prefetch = 0 : i64, scratch_operands = 22 : i64, tpu.core_type = #tpu.core_type<sc_vector_subcore>, window_params = [{transform_indices = #map}, {transform_indices = #map1}, {transform_indices = #map1}, {transform_indices = #map}, {transform_indices = #map}]} {
    %mul3A = arith.constant 16 : i32
    %mul3A_0 = arith.muli %arg0, %mul3A : i32
    %add3A = arith.addi %mul3A_0, %arg1 : i32
    %scan3A = arith.constant 0 : i32
    %scan3A_1 = arith.constant 0 : i32
    %scan3A_2 = arith.constant 64 : i32
    %scan3A_3 = arith.addi %scan3A_1, %scan3A_2 : i32
    %scan3A_4 = arith.constant 1 : i32
    scf.for %scan3A_139 = %scan3A_1 to %scan3A_3 step %scan3A_4  : i32 {
      %broadcast_in_dim3A = arith.constant 0.000000e+00 : f32
      %broadcast_in_dim3A_140 = vector.broadcast %broadcast_in_dim3A : f32 to vector<16xf32>
      %swap3A = arith.index_cast %scan3A_139 : i32 to index
      %swap3A_141 = arith.constant 0 : index
      %swap3A_142 = tpu.vector_load %arg9[%swap3A, %swap3A_141] {strides = array<i32>} : memref<64x128xf32, #tpu.memory_space<vmem>>, vector<1x16xf32>,
      %swap3A_143 = vector.shape_cast %swap3A_142 : vector<1x16xf32> to vector<16xf32>
      %swap3A_144 = vector.shape_cast %broadcast_in_dim3A_140 : vector<16xf32> to vector<1x16xf32>
      tpu.vector_store %arg9[%swap3A, %swap3A_141], %swap3A_144 {strides = array<i32>} : memref<64x128xf32, #tpu.memory_space<vmem>>, vector<1x16xf32>,
      %broadcast_in_dim3A_145 = arith.constant 0.000000e+00 : f32
      %broadcast_in_dim3A_146 = vector.broadcast %broadcast_in_dim3A_145 : f32 to vector<16xf32>
      %swap3A_147 = arith.index_cast %scan3A_139 : i32 to index
      %swap3A_148 = arith.constant 16 : index
      %swap3A_149 = tpu.vector_load %arg9[%swap3A_147, %swap3A_148] {strides = array<i32>} : memref<64x128xf32, #tpu.memory_space<vmem>>, vector<1x16xf32>,
      %swap3A_150 = vector.shape_cast %swap3A_149 : vector<1x16xf32> to vector<16xf32>
      %swap3A_151 = vector.shape_cast %broadcast_in_dim3A_146 : vector<16xf32> to vector<1x16xf32>
      tpu.vector_store %arg9[%swap3A_147, %swap3A_148], %swap3A_151 {strides = array<i32>} : memref<64x128xf32, #tpu.memory_space<vmem>>, vector<1x16xf32>,
      %broadcast_in_dim3A_152 = arith.constant 0.000000e+00 : f32
      %broadcast_in_dim3A_153 = vector.broadcast %broadcast_in_dim3A_152 : f32 to vector<16xf32>
      %swap3A_154 = arith.index_cast %scan3A_139 : i32 to index
      %swap3A_155 = arith.constant 32 : index
      %swap3A_156 = tpu.vector_load %arg9[%swap3A_154, %swap3A_155] {strides = array<i32>} : memref<64x128xf32, #tpu.memory_space<vmem>>, vector<1x16xf32>,
      %swap3A_157 = vector.shape_cast %swap3A_156 : vector<1x16xf32> to vector<16xf32>
      %swap3A_158 = vector.shape_cast %broadcast_in_dim3A_153 : vector<16xf32> to vector<1x16xf32>
      tpu.vector_store %arg9[%swap3A_154, %swap3A_155], %swap3A_158 {strides = array<i32>} : memref<64x128xf32, #tpu.memory_space<vmem>>, vector<1x16xf32>,
      %broadcast_in_dim3A_159 = arith.constant 0.000000e+00 : f32
      %broadcast_in_dim3A_160 = vector.broadcast %broadcast_in_dim3A_159 : f32 to vector<16xf32>
      %swap3A_161 = arith.index_cast %scan3A_139 : i32 to index
      %swap3A_162 = arith.constant 48 : index
      %swap3A_163 = tpu.vector_load %arg9[%swap3A_161, %swap3A_162] {strides = array<i32>} : memref<64x128xf32, #tpu.memory_space<vmem>>, vector<1x16xf32>,
      %swap3A_164 = vector.shape_cast %swap3A_163 : vector<1x16xf32> to vector<16xf32>
      %swap3A_165 = vector.shape_cast %broadcast_in_dim3A_160 : vector<16xf32> to vector<1x16xf32>
      tpu.vector_store %arg9[%swap3A_161, %swap3A_162], %swap3A_165 {strides = array<i32>} : memref<64x128xf32, #tpu.memory_space<vmem>>, vector<1x16xf32>,
      %broadcast_in_dim3A_166 = arith.constant 0.000000e+00 : f32
      %broadcast_in_dim3A_167 = vector.broadcast %broadcast_in_dim3A_166 : f32 to vector<16xf32>
      %swap3A_168 = arith.index_cast %scan3A_139 : i32 to index
      %swap3A_169 = arith.constant 64 : index
      %swap3A_170 = tpu.vector_load %arg9[%swap3A_168, %swap3A_169] {strides = array<i32>} : memref<64x128xf32, #tpu.memory_space<vmem>>, vector<1x16xf32>,
      %swap3A_171 = vector.shape_cast %swap3A_170 : vector<1x16xf32> to vector<16xf32>
      %swap3A_172 = vector.shape_cast %broadcast_in_dim3A_167 : vector<16xf32> to vector<1x16xf32>
      tpu.vector_store %arg9[%swap3A_168, %swap3A_169], %swap3A_172 {strides = array<i32>} : memref<64x128xf32, #tpu.memory_space<vmem>>, vector<1x16xf32>,
      %broadcast_in_dim3A_173 = arith.constant 0.000000e+00 : f32
      %broadcast_in_dim3A_174 = vector.broadcast %broadcast_in_dim3A_173 : f32 to vector<16xf32>
      %swap3A_175 = arith.index_cast %scan3A_139 : i32 to index
      %swap3A_176 = arith.constant 80 : index
      %swap3A_177 = tpu.vector_load %arg9[%swap3A_175, %swap3A_176] {strides = array<i32>} : memref<64x128xf32, #tpu.memory_space<vmem>>, vector<1x16xf32>,
      %swap3A_178 = vector.shape_cast %swap3A_177 : vector<1x16xf32> to vector<16xf32>
      %swap3A_179 = vector.shape_cast %broadcast_in_dim3A_174 : vector<16xf32> to vector<1x16xf32>
      tpu.vector_store %arg9[%swap3A_175, %swap3A_176], %swap3A_179 {strides = array<i32>} : memref<64x128xf32, #tpu.memory_space<vmem>>, vector<1x16xf32>,
      %broadcast_in_dim3A_180 = arith.constant 0.000000e+00 : f32
      %broadcast_in_dim3A_181 = vector.broadcast %broadcast_in_dim3A_180 : f32 to vector<16xf32>
      %swap3A_182 = arith.index_cast %scan3A_139 : i32 to index
      %swap3A_183 = arith.constant 96 : index
      %swap3A_184 = tpu.vector_load %arg9[%swap3A_182, %swap3A_183] {strides = array<i32>} : memref<64x128xf32, #tpu.memory_space<vmem>>, vector<1x16xf32>,
      %swap3A_185 = vector.shape_cast %swap3A_184 : vector<1x16xf32> to vector<16xf32>
      %swap3A_186 = vector.shape_cast %broadcast_in_dim3A_181 : vector<16xf32> to vector<1x16xf32>
      tpu.vector_store %arg9[%swap3A_182, %swap3A_183], %swap3A_186 {strides = array<i32>} : memref<64x128xf32, #tpu.memory_space<vmem>>, vector<1x16xf32>,
      %broadcast_in_dim3A_187 = arith.constant 0.000000e+00 : f32
      %broadcast_in_dim3A_188 = vector.broadcast %broadcast_in_dim3A_187 : f32 to vector<16xf32>
      %swap3A_189 = arith.index_cast %scan3A_139 : i32 to index
      %swap3A_190 = arith.constant 112 : index
      %swap3A_191 = tpu.vector_load %arg9[%swap3A_189, %swap3A_190] {strides = array<i32>} : memref<64x128xf32, #tpu.memory_space<vmem>>, vector<1x16xf32>,
      %swap3A_192 = vector.shape_cast %swap3A_191 : vector<1x16xf32> to vector<16xf32>
      %swap3A_193 = vector.shape_cast %broadcast_in_dim3A_188 : vector<16xf32> to vector<1x16xf32>
      tpu.vector_store %arg9[%swap3A_189, %swap3A_190], %swap3A_193 {strides = array<i32>} : memref<64x128xf32, #tpu.memory_space<vmem>>, vector<1x16xf32>,
    }
    %scan3A_5 = arith.constant 64 : i32
    %mul3A_6 = arith.constant 640 : i32
    %mul3A_7 = arith.muli %arg1, %mul3A_6 : i32
    %multiple_of3A = tpu.assume_multiple %mul3A_7, 8 : i32
    %add3A_8 = arith.constant 0 : i32
    %add3A_9 = arith.addi %multiple_of3A, %add3A_8 : i32
    "tpu.region"() ({
      %run_scoped3A = tpu.sem_alloc : memref<!tpu.dma_semaphore, #tpu.memory_space<semaphore_mem>>
      %dma_start3A_139 = arith.constant 0 : i32
      %dma_start3A_140 = tpu.memref_slice %arg7[%add3A_9, %dma_start3A_139] : memref<10240x128xf32, #tpu.memory_space<vmem_shared>> -> memref<64x128xf32, #tpu.memory_space<vmem_shared>>
      %dma_start3A_141 = arith.constant 0 : i32
      %dma_start3A_142 = tpu.memref_slice %arg7[%add3A_9, %dma_start3A_141] : memref<10240x128xf32, #tpu.memory_space<vmem_shared>> -> memref<64x128xf32, #tpu.memory_space<vmem_shared>>
      tpu.enqueue_dma source(%arg9 : memref<64x128xf32, #tpu.memory_space<vmem>>) target(%dma_start3A_142 : memref<64x128xf32, #tpu.memory_space<vmem_shared>>) target_semaphore(%run_scoped3A : memref<!tpu.dma_semaphore, #tpu.memory_space<semaphore_mem>>)
      %dma_wait3A_143 = arith.constant 0 : i32
      %dma_wait3A_144 = tpu.memref_slice %arg7[%add3A_9, %dma_wait3A_143] : memref<10240x128xf32, #tpu.memory_space<vmem_shared>> -> memref<64x128xf32, #tpu.memory_space<vmem_shared>>
      %dma_wait3A_145 = arith.constant 0 : i32
      %dma_wait3A_146 = tpu.memref_slice %arg7[%add3A_9, %dma_wait3A_145] : memref<10240x128xf32, #tpu.memory_space<vmem_shared>> -> memref<64x128xf32, #tpu.memory_space<vmem_shared>>
      tpu.wait_dma2 semaphore(%run_scoped3A : memref<!tpu.dma_semaphore, #tpu.memory_space<semaphore_mem>>) src(%arg9 : memref<64x128xf32, #tpu.memory_space<vmem>>) dst(%dma_wait3A_146 : memref<64x128xf32, #tpu.memory_space<vmem_shared>>)
      tpu.yield
    }) : () -> ()
    %add3A_10 = arith.constant 64 : i32
    %add3A_11 = arith.addi %multiple_of3A, %add3A_10 : i32
    "tpu.region"() ({
      %run_scoped3A = tpu.sem_alloc : memref<!tpu.dma_semaphore, #tpu.memory_space<semaphore_mem>>
      %dma_start3A_139 = arith.constant 0 : i32
      %dma_start3A_140 = tpu.memref_slice %arg7[%add3A_11, %dma_start3A_139] : memref<10240x128xf32, #tpu.memory_space<vmem_shared>> -> memref<64x128xf32, #tpu.memory_space<vmem_shared>>
      %dma_start3A_141 = arith.constant 0 : i32
      %dma_start3A_142 = tpu.memref_slice %arg7[%add3A_11, %dma_start3A_141] : memref<10240x128xf32, #tpu.memory_space<vmem_shared>> -> memref<64x128xf32, #tpu.memory_space<vmem_shared>>
      tpu.enqueue_dma source(%arg9 : memref<64x128xf32, #tpu.memory_space<vmem>>) target(%dma_start3A_142 : memref<64x128xf32, #tpu.memory_space<vmem_shared>>) target_semaphore(%run_scoped3A : memref<!tpu.dma_semaphore, #tpu.memory_space<semaphore_mem>>)
      %dma_wait3A_143 = arith.constant 0 : i32
      %dma_wait3A_144 = tpu.memref_slice %arg7[%add3A_11, %dma_wait3A_143] : memref<10240x128xf32, #tpu.memory_space<vmem_shared>> -> memref<64x128xf32, #tpu.memory_space<vmem_shared>>
      %dma_wait3A_145 = arith.constant 0 : i32
      %dma_wait3A_146 = tpu.memref_slice %arg7[%add3A_11, %dma_wait3A_145] : memref<10240x128xf32, #tpu.memory_space<vmem_shared>> -> memref<64x128xf32, #tpu.memory_space<vmem_shared>>
      tpu.wait_dma2 semaphore(%run_scoped3A : memref<!tpu.dma_semaphore, #tpu.memory_space<semaphore_mem>>) src(%arg9 : memref<64x128xf32, #tpu.memory_space<vmem>>) dst(%dma_wait3A_146 : memref<64x128xf32, #tpu.memory_space<vmem_shared>>)
      tpu.yield
    }) : () -> ()
    %add3A_12 = arith.constant 128 : i32
    %add3A_13 = arith.addi %multiple_of3A, %add3A_12 : i32
    "tpu.region"() ({
      %run_scoped3A = tpu.sem_alloc : memref<!tpu.dma_semaphore, #tpu.memory_space<semaphore_mem>>
      %dma_start3A_139 = arith.constant 0 : i32
      %dma_start3A_140 = tpu.memref_slice %arg7[%add3A_13, %dma_start3A_139] : memref<10240x128xf32, #tpu.memory_space<vmem_shared>> -> memref<64x128xf32, #tpu.memory_space<vmem_shared>>
      %dma_start3A_141 = arith.constant 0 : i32
      %dma_start3A_142 = tpu.memref_slice %arg7[%add3A_13, %dma_start3A_141] : memref<10240x128xf32, #tpu.memory_space<vmem_shared>> -> memref<64x128xf32, #tpu.memory_space<vmem_shared>>
      tpu.enqueue_dma source(%arg9 : memref<64x128xf32, #tpu.memory_space<vmem>>) target(%dma_start3A_142 : memref<64x128xf32, #tpu.memory_space<vmem_shared>>) target_semaphore(%run_scoped3A : memref<!tpu.dma_semaphore, #tpu.memory_space<semaphore_mem>>)
      %dma_wait3A_143 = arith.constant 0 : i32
      %dma_wait3A_144 = tpu.memref_slice %arg7[%add3A_13, %dma_wait3A_143] : memref<10240x128xf32, #tpu.memory_space<vmem_shared>> -> memref<64x128xf32, #tpu.memory_space<vmem_shared>>
      %dma_wait3A_145 = arith.constant 0 : i32
      %dma_wait3A_146 = tpu.memref_slice %arg7[%add3A_13, %dma_wait3A_145] : memref<10240x128xf32, #tpu.memory_space<vmem_shared>> -> memref<64x128xf32, #tpu.memory_space<vmem_shared>>
      tpu.wait_dma2 semaphore(%run_scoped3A : memref<!tpu.dma_semaphore, #tpu.memory_space<semaphore_mem>>) src(%arg9 : memref<64x128xf32, #tpu.memory_space<vmem>>) dst(%dma_wait3A_146 : memref<64x128xf32, #tpu.memory_space<vmem_shared>>)
      tpu.yield
    }) : () -> ()
    %add3A_14 = arith.constant 192 : i32
    %add3A_15 = arith.addi %multiple_of3A, %add3A_14 : i32
    "tpu.region"() ({
      %run_scoped3A = tpu.sem_alloc : memref<!tpu.dma_semaphore, #tpu.memory_space<semaphore_mem>>
      %dma_start3A_139 = arith.constant 0 : i32
      %dma_start3A_140 = tpu.memref_slice %arg7[%add3A_15, %dma_start3A_139] : memref<10240x128xf32, #tpu.memory_space<vmem_shared>> -> memref<64x128xf32, #tpu.memory_space<vmem_shared>>
      %dma_start3A_141 = arith.constant 0 : i32
      %dma_start3A_142 = tpu.memref_slice %arg7[%add3A_15, %dma_start3A_141] : memref<10240x128xf32, #tpu.memory_space<vmem_shared>> -> memref<64x128xf32, #tpu.memory_space<vmem_shared>>
      tpu.enqueue_dma source(%arg9 : memref<64x128xf32, #tpu.memory_space<vmem>>) target(%dma_start3A_142 : memref<64x128xf32, #tpu.memory_space<vmem_shared>>) target_semaphore(%run_scoped3A : memref<!tpu.dma_semaphore, #tpu.memory_space<semaphore_mem>>)
      %dma_wait3A_143 = arith.constant 0 : i32
      %dma_wait3A_144 = tpu.memref_slice %arg7[%add3A_15, %dma_wait3A_143] : memref<10240x128xf32, #tpu.memory_space<vmem_shared>> -> memref<64x128xf32, #tpu.memory_space<vmem_shared>>
      %dma_wait3A_145 = arith.constant 0 : i32
      %dma_wait3A_146 = tpu.memref_slice %arg7[%add3A_15, %dma_wait3A_145] : memref<10240x128xf32, #tpu.memory_space<vmem_shared>> -> memref<64x128xf32, #tpu.memory_space<vmem_shared>>
      tpu.wait_dma2 semaphore(%run_scoped3A : memref<!tpu.dma_semaphore, #tpu.memory_space<semaphore_mem>>) src(%arg9 : memref<64x128xf32, #tpu.memory_space<vmem>>) dst(%dma_wait3A_146 : memref<64x128xf32, #tpu.memory_space<vmem_shared>>)
      tpu.yield
    }) : () -> ()
    %add3A_16 = arith.constant 256 : i32
    %add3A_17 = arith.addi %multiple_of3A, %add3A_16 : i32
    "tpu.region"() ({
      %run_scoped3A = tpu.sem_alloc : memref<!tpu.dma_semaphore, #tpu.memory_space<semaphore_mem>>
      %dma_start3A_139 = arith.constant 0 : i32
      %dma_start3A_140 = tpu.memref_slice %arg7[%add3A_17, %dma_start3A_139] : memref<10240x128xf32, #tpu.memory_space<vmem_shared>> -> memref<64x128xf32, #tpu.memory_space<vmem_shared>>
      %dma_start3A_141 = arith.constant 0 : i32
      %dma_start3A_142 = tpu.memref_slice %arg7[%add3A_17, %dma_start3A_141] : memref<10240x128xf32, #tpu.memory_space<vmem_shared>> -> memref<64x128xf32, #tpu.memory_space<vmem_shared>>
      tpu.enqueue_dma source(%arg9 : memref<64x128xf32, #tpu.memory_space<vmem>>) target(%dma_start3A_142 : memref<64x128xf32, #tpu.memory_space<vmem_shared>>) target_semaphore(%run_scoped3A : memref<!tpu.dma_semaphore, #tpu.memory_space<semaphore_mem>>)
      %dma_wait3A_143 = arith.constant 0 : i32
      %dma_wait3A_144 = tpu.memref_slice %arg7[%add3A_17, %dma_wait3A_143] : memref<10240x128xf32, #tpu.memory_space<vmem_shared>> -> memref<64x128xf32, #tpu.memory_space<vmem_shared>>
      %dma_wait3A_145 = arith.constant 0 : i32
      %dma_wait3A_146 = tpu.memref_slice %arg7[%add3A_17, %dma_wait3A_145] : memref<10240x128xf32, #tpu.memory_space<vmem_shared>> -> memref<64x128xf32, #tpu.memory_space<vmem_shared>>
      tpu.wait_dma2 semaphore(%run_scoped3A : memref<!tpu.dma_semaphore, #tpu.memory_space<semaphore_mem>>) src(%arg9 : memref<64x128xf32, #tpu.memory_space<vmem>>) dst(%dma_wait3A_146 : memref<64x128xf32, #tpu.memory_space<vmem_shared>>)
      tpu.yield
    }) : () -> ()
    %add3A_18 = arith.constant 320 : i32
    %add3A_19 = arith.addi %multiple_of3A, %add3A_18 : i32
    "tpu.region"() ({
      %run_scoped3A = tpu.sem_alloc : memref<!tpu.dma_semaphore, #tpu.memory_space<semaphore_mem>>
      %dma_start3A_139 = arith.constant 0 : i32
      %dma_start3A_140 = tpu.memref_slice %arg7[%add3A_19, %dma_start3A_139] : memref<10240x128xf32, #tpu.memory_space<vmem_shared>> -> memref<64x128xf32, #tpu.memory_space<vmem_shared>>
      %dma_start3A_141 = arith.constant 0 : i32
      %dma_start3A_142 = tpu.memref_slice %arg7[%add3A_19, %dma_start3A_141] : memref<10240x128xf32, #tpu.memory_space<vmem_shared>> -> memref<64x128xf32, #tpu.memory_space<vmem_shared>>
      tpu.enqueue_dma source(%arg9 : memref<64x128xf32, #tpu.memory_space<vmem>>) target(%dma_start3A_142 : memref<64x128xf32, #tpu.memory_space<vmem_shared>>) target_semaphore(%run_scoped3A : memref<!tpu.dma_semaphore, #tpu.memory_space<semaphore_mem>>)
      %dma_wait3A_143 = arith.constant 0 : i32
      %dma_wait3A_144 = tpu.memref_slice %arg7[%add3A_19, %dma_wait3A_143] : memref<10240x128xf32, #tpu.memory_space<vmem_shared>> -> memref<64x128xf32, #tpu.memory_space<vmem_shared>>
      %dma_wait3A_145 = arith.constant 0 : i32
      %dma_wait3A_146 = tpu.memref_slice %arg7[%add3A_19, %dma_wait3A_145] : memref<10240x128xf32, #tpu.memory_space<vmem_shared>> -> memref<64x128xf32, #tpu.memory_space<vmem_shared>>
      tpu.wait_dma2 semaphore(%run_scoped3A : memref<!tpu.dma_semaphore, #tpu.memory_space<semaphore_mem>>) src(%arg9 : memref<64x128xf32, #tpu.memory_space<vmem>>) dst(%dma_wait3A_146 : memref<64x128xf32, #tpu.memory_space<vmem_shared>>)
      tpu.yield
    }) : () -> ()
    %add3A_20 = arith.constant 384 : i32
    %add3A_21 = arith.addi %multiple_of3A, %add3A_20 : i32
    "tpu.region"() ({
      %run_scoped3A = tpu.sem_alloc : memref<!tpu.dma_semaphore, #tpu.memory_space<semaphore_mem>>
      %dma_start3A_139 = arith.constant 0 : i32
      %dma_start3A_140 = tpu.memref_slice %arg7[%add3A_21, %dma_start3A_139] : memref<10240x128xf32, #tpu.memory_space<vmem_shared>> -> memref<64x128xf32, #tpu.memory_space<vmem_shared>>
      %dma_start3A_141 = arith.constant 0 : i32
      %dma_start3A_142 = tpu.memref_slice %arg7[%add3A_21, %dma_start3A_141] : memref<10240x128xf32, #tpu.memory_space<vmem_shared>> -> memref<64x128xf32, #tpu.memory_space<vmem_shared>>
      tpu.enqueue_dma source(%arg9 : memref<64x128xf32, #tpu.memory_space<vmem>>) target(%dma_start3A_142 : memref<64x128xf32, #tpu.memory_space<vmem_shared>>) target_semaphore(%run_scoped3A : memref<!tpu.dma_semaphore, #tpu.memory_space<semaphore_mem>>)
      %dma_wait3A_143 = arith.constant 0 : i32
      %dma_wait3A_144 = tpu.memref_slice %arg7[%add3A_21, %dma_wait3A_143] : memref<10240x128xf32, #tpu.memory_space<vmem_shared>> -> memref<64x128xf32, #tpu.memory_space<vmem_shared>>
      %dma_wait3A_145 = arith.constant 0 : i32
      %dma_wait3A_146 = tpu.memref_slice %arg7[%add3A_21, %dma_wait3A_145] : memref<10240x128xf32, #tpu.memory_space<vmem_shared>> -> memref<64x128xf32, #tpu.memory_space<vmem_shared>>
      tpu.wait_dma2 semaphore(%run_scoped3A : memref<!tpu.dma_semaphore, #tpu.memory_space<semaphore_mem>>) src(%arg9 : memref<64x128xf32, #tpu.memory_space<vmem>>) dst(%dma_wait3A_146 : memref<64x128xf32, #tpu.memory_space<vmem_shared>>)
      tpu.yield
    }) : () -> ()
    %add3A_22 = arith.constant 448 : i32
    %add3A_23 = arith.addi %multiple_of3A, %add3A_22 : i32
    "tpu.region"() ({
      %run_scoped3A = tpu.sem_alloc : memref<!tpu.dma_semaphore, #tpu.memory_space<semaphore_mem>>
      %dma_start3A_139 = arith.constant 0 : i32
      %dma_start3A_140 = tpu.memref_slice %arg7[%add3A_23, %dma_start3A_139] : memref<10240x128xf32, #tpu.memory_space<vmem_shared>> -> memref<64x128xf32, #tpu.memory_space<vmem_shared>>
      %dma_start3A_141 = arith.constant 0 : i32
      %dma_start3A_142 = tpu.memref_slice %arg7[%add3A_23, %dma_start3A_141] : memref<10240x128xf32, #tpu.memory_space<vmem_shared>> -> memref<64x128xf32, #tpu.memory_space<vmem_shared>>
      tpu.enqueue_dma source(%arg9 : memref<64x128xf32, #tpu.memory_space<vmem>>) target(%dma_start3A_142 : memref<64x128xf32, #tpu.memory_space<vmem_shared>>) target_semaphore(%run_scoped3A : memref<!tpu.dma_semaphore, #tpu.memory_space<semaphore_mem>>)
      %dma_wait3A_143 = arith.constant 0 : i32
      %dma_wait3A_144 = tpu.memref_slice %arg7[%add3A_23, %dma_wait3A_143] : memref<10240x128xf32, #tpu.memory_space<vmem_shared>> -> memref<64x128xf32, #tpu.memory_space<vmem_shared>>
      %dma_wait3A_145 = arith.constant 0 : i32
      %dma_wait3A_146 = tpu.memref_slice %arg7[%add3A_23, %dma_wait3A_145] : memref<10240x128xf32, #tpu.memory_space<vmem_shared>> -> memref<64x128xf32, #tpu.memory_space<vmem_shared>>
      tpu.wait_dma2 semaphore(%run_scoped3A : memref<!tpu.dma_semaphore, #tpu.memory_space<semaphore_mem>>) src(%arg9 : memref<64x128xf32, #tpu.memory_space<vmem>>) dst(%dma_wait3A_146 : memref<64x128xf32, #tpu.memory_space<vmem_shared>>)
      tpu.yield
    }) : () -> ()
    %add3A_24 = arith.constant 512 : i32
    %add3A_25 = arith.addi %multiple_of3A, %add3A_24 : i32
    "tpu.region"() ({
      %run_scoped3A = tpu.sem_alloc : memref<!tpu.dma_semaphore, #tpu.memory_space<semaphore_mem>>
      %dma_start3A_139 = arith.constant 0 : i32
      %dma_start3A_140 = tpu.memref_slice %arg7[%add3A_25, %dma_start3A_139] : memref<10240x128xf32, #tpu.memory_space<vmem_shared>> -> memref<64x128xf32, #tpu.memory_space<vmem_shared>>
      %dma_start3A_141 = arith.constant 0 : i32
      %dma_start3A_142 = tpu.memref_slice %arg7[%add3A_25, %dma_start3A_141] : memref<10240x128xf32, #tpu.memory_space<vmem_shared>> -> memref<64x128xf32, #tpu.memory_space<vmem_shared>>
      tpu.enqueue_dma source(%arg9 : memref<64x128xf32, #tpu.memory_space<vmem>>) target(%dma_start3A_142 : memref<64x128xf32, #tpu.memory_space<vmem_shared>>) target_semaphore(%run_scoped3A : memref<!tpu.dma_semaphore, #tpu.memory_space<semaphore_mem>>)
      %dma_wait3A_143 = arith.constant 0 : i32
      %dma_wait3A_144 = tpu.memref_slice %arg7[%add3A_25, %dma_wait3A_143] : memref<10240x128xf32, #tpu.memory_space<vmem_shared>> -> memref<64x128xf32, #tpu.memory_space<vmem_shared>>
      %dma_wait3A_145 = arith.constant 0 : i32
      %dma_wait3A_146 = tpu.memref_slice %arg7[%add3A_25, %dma_wait3A_145] : memref<10240x128xf32, #tpu.memory_space<vmem_shared>> -> memref<64x128xf32, #tpu.memory_space<vmem_shared>>
      tpu.wait_dma2 semaphore(%run_scoped3A : memref<!tpu.dma_semaphore, #tpu.memory_space<semaphore_mem>>) src(%arg9 : memref<64x128xf32, #tpu.memory_space<vmem>>) dst(%dma_wait3A_146 : memref<64x128xf32, #tpu.memory_space<vmem_shared>>)
      tpu.yield
    }) : () -> ()
    %add3A_26 = arith.constant 576 : i32
    %add3A_27 = arith.addi %multiple_of3A, %add3A_26 : i32
    "tpu.region"() ({
      %run_scoped3A = tpu.sem_alloc : memref<!tpu.dma_semaphore, #tpu.memory_space<semaphore_mem>>
      %dma_start3A_139 = arith.constant 0 : i32
      %dma_start3A_140 = tpu.memref_slice %arg7[%add3A_27, %dma_start3A_139] : memref<10240x128xf32, #tpu.memory_space<vmem_shared>> -> memref<64x128xf32, #tpu.memory_space<vmem_shared>>
      %dma_start3A_141 = arith.constant 0 : i32
      %dma_start3A_142 = tpu.memref_slice %arg7[%add3A_27, %dma_start3A_141] : memref<10240x128xf32, #tpu.memory_space<vmem_shared>> -> memref<64x128xf32, #tpu.memory_space<vmem_shared>>
      tpu.enqueue_dma source(%arg9 : memref<64x128xf32, #tpu.memory_space<vmem>>) target(%dma_start3A_142 : memref<64x128xf32, #tpu.memory_space<vmem_shared>>) target_semaphore(%run_scoped3A : memref<!tpu.dma_semaphore, #tpu.memory_space<semaphore_mem>>)
      %dma_wait3A_143 = arith.constant 0 : i32
      %dma_wait3A_144 = tpu.memref_slice %arg7[%add3A_27, %dma_wait3A_143] : memref<10240x128xf32, #tpu.memory_space<vmem_shared>> -> memref<64x128xf32, #tpu.memory_space<vmem_shared>>
      %dma_wait3A_145 = arith.constant 0 : i32
      %dma_wait3A_146 = tpu.memref_slice %arg7[%add3A_27, %dma_wait3A_145] : memref<10240x128xf32, #tpu.memory_space<vmem_shared>> -> memref<64x128xf32, #tpu.memory_space<vmem_shared>>
      tpu.wait_dma2 semaphore(%run_scoped3A : memref<!tpu.dma_semaphore, #tpu.memory_space<semaphore_mem>>) src(%arg9 : memref<64x128xf32, #tpu.memory_space<vmem>>) dst(%dma_wait3A_146 : memref<64x128xf32, #tpu.memory_space<vmem_shared>>)
      tpu.yield
    }) : () -> ()
    %barrier3A = arith.constant 0 : index
    tpu.barrier barrier_id(%barrier3A)
    %mul3A_28 = arith.constant 10240 : i32
    %mul3A_29 = arith.muli %add3A, %mul3A_28 : i32
    %multiple_of3A_30 = tpu.assume_multiple %mul3A_29, 8 : i32
    "tpu.region"() ({
      %run_scoped3A = tpu.sem_alloc : memref<!tpu.dma_semaphore, #tpu.memory_space<semaphore_mem>>
      %dma_start3A_139 = tpu.memref_slice %arg3[%multiple_of3A_30] : memref<327680xi32, #tpu.memory_space<hbm>> -> memref<10240xi32, #tpu.memory_space<hbm>>
      %dma_start3A_140 = tpu.memref_slice %arg3[%multiple_of3A_30] : memref<327680xi32, #tpu.memory_space<hbm>> -> memref<10240xi32, #tpu.memory_space<hbm>>
      tpu.enqueue_dma source(%dma_start3A_140 : memref<10240xi32, #tpu.memory_space<hbm>>) target(%arg8 : memref<10240xi32, #tpu.memory_space<vmem>>) target_semaphore(%run_scoped3A : memref<!tpu.dma_semaphore, #tpu.memory_space<semaphore_mem>>)
      %dma_wait3A_141 = tpu.memref_slice %arg3[%multiple_of3A_30] : memref<327680xi32, #tpu.memory_space<hbm>> -> memref<10240xi32, #tpu.memory_space<hbm>>
      %dma_wait3A_142 = tpu.memref_slice %arg3[%multiple_of3A_30] : memref<327680xi32, #tpu.memory_space<hbm>> -> memref<10240xi32, #tpu.memory_space<hbm>>
      tpu.wait_dma2 semaphore(%run_scoped3A : memref<!tpu.dma_semaphore, #tpu.memory_space<semaphore_mem>>) src(%dma_wait3A_142 : memref<10240xi32, #tpu.memory_space<hbm>>) dst(%arg8 : memref<10240xi32, #tpu.memory_space<vmem>>)
      tpu.yield
    }) : () -> ()
    %add3A_31 = arith.constant 0 : i32
    %add3A_32 = arith.addi %multiple_of3A_30, %add3A_31 : i32
    %dma_start3A = tpu.memref_slice %arg4[%add3A_32] : memref<327680xi32, #tpu.memory_space<hbm>> -> memref<64xi32, #tpu.memory_space<hbm>>
    %dma_start3A_33 = tpu.memref_slice %arg4[%add3A_32] : memref<327680xi32, #tpu.memory_space<hbm>> -> memref<64xi32, #tpu.memory_space<hbm>>
    tpu.enqueue_dma source(%dma_start3A_33 : memref<64xi32, #tpu.memory_space<hbm>>) target(%arg13 : memref<64xi32, #tpu.memory_space<vmem>>) target_semaphore(%arg21 : memref<!tpu.dma_semaphore, #tpu.memory_space<semaphore_mem>>)
    %dma_start3A_34 = arith.constant 0 : i32
    %dma_start3A_35 = tpu.memref_slice %arg8[%dma_start3A_34] : memref<10240xi32, #tpu.memory_space<vmem>> -> memref<64xi32, #tpu.memory_space<vmem>>
    %dma_start3A_36 = arith.constant 0 : i32
    %dma_start3A_37 = arith.constant 0 : i32
    %dma_start3A_38 = tpu.memref_slice %arg2[%dma_start3A_36, %dma_start3A_37] : memref<10000x128xf32, #tpu.memory_space<hbm>> -> memref<10000x128xf32, #tpu.memory_space<hbm>>
    tpu.enqueue_indirect_dma source(%dma_start3A_38 : memref<10000x128xf32, #tpu.memory_space<hbm>>) target(%arg9 : memref<64x128xf32, #tpu.memory_space<vmem>>) offsets(%dma_start3A_35 : memref<64xi32, #tpu.memory_space<vmem>>) semaphore(%arg17 : memref<!tpu.dma_semaphore, #tpu.memory_space<semaphore_mem>>)
    %add3A_39 = arith.constant 64 : i32
    %add3A_40 = arith.addi %multiple_of3A_30, %add3A_39 : i32
    %dma_start3A_41 = tpu.memref_slice %arg4[%add3A_40] : memref<327680xi32, #tpu.memory_space<hbm>> -> memref<64xi32, #tpu.memory_space<hbm>>
    %dma_start3A_42 = tpu.memref_slice %arg4[%add3A_40] : memref<327680xi32, #tpu.memory_space<hbm>> -> memref<64xi32, #tpu.memory_space<hbm>>
    tpu.enqueue_dma source(%dma_start3A_42 : memref<64xi32, #tpu.memory_space<hbm>>) target(%arg14 : memref<64xi32, #tpu.memory_space<vmem>>) target_semaphore(%arg22 : memref<!tpu.dma_semaphore, #tpu.memory_space<semaphore_mem>>)
    %dma_start3A_43 = arith.constant 64 : i32
    %dma_start3A_44 = tpu.memref_slice %arg8[%dma_start3A_43] : memref<10240xi32, #tpu.memory_space<vmem>> -> memref<64xi32, #tpu.memory_space<vmem>>
    %dma_start3A_45 = arith.constant 0 : i32
    %dma_start3A_46 = arith.constant 0 : i32
    %dma_start3A_47 = tpu.memref_slice %arg2[%dma_start3A_45, %dma_start3A_46] : memref<10000x128xf32, #tpu.memory_space<hbm>> -> memref<10000x128xf32, #tpu.memory_space<hbm>>
    tpu.enqueue_indirect_dma source(%dma_start3A_47 : memref<10000x128xf32, #tpu.memory_space<hbm>>) target(%arg10 : memref<64x128xf32, #tpu.memory_space<vmem>>) offsets(%dma_start3A_44 : memref<64xi32, #tpu.memory_space<vmem>>) semaphore(%arg18 : memref<!tpu.dma_semaphore, #tpu.memory_space<semaphore_mem>>)
    %add3A_48 = arith.constant 128 : i32
    %add3A_49 = arith.addi %multiple_of3A_30, %add3A_48 : i32
    %dma_start3A_50 = tpu.memref_slice %arg4[%add3A_49] : memref<327680xi32, #tpu.memory_space<hbm>> -> memref<64xi32, #tpu.memory_space<hbm>>
    %dma_start3A_51 = tpu.memref_slice %arg4[%add3A_49] : memref<327680xi32, #tpu.memory_space<hbm>> -> memref<64xi32, #tpu.memory_space<hbm>>
    tpu.enqueue_dma source(%dma_start3A_51 : memref<64xi32, #tpu.memory_space<hbm>>) target(%arg15 : memref<64xi32, #tpu.memory_space<vmem>>) target_semaphore(%arg23 : memref<!tpu.dma_semaphore, #tpu.memory_space<semaphore_mem>>)
    %dma_start3A_52 = arith.constant 128 : i32
    %dma_start3A_53 = tpu.memref_slice %arg8[%dma_start3A_52] : memref<10240xi32, #tpu.memory_space<vmem>> -> memref<64xi32, #tpu.memory_space<vmem>>
    %dma_start3A_54 = arith.constant 0 : i32
    %dma_start3A_55 = arith.constant 0 : i32
    %dma_start3A_56 = tpu.memref_slice %arg2[%dma_start3A_54, %dma_start3A_55] : memref<10000x128xf32, #tpu.memory_space<hbm>> -> memref<10000x128xf32, #tpu.memory_space<hbm>>
    tpu.enqueue_indirect_dma source(%dma_start3A_56 : memref<10000x128xf32, #tpu.memory_space<hbm>>) target(%arg11 : memref<64x128xf32, #tpu.memory_space<vmem>>) offsets(%dma_start3A_53 : memref<64xi32, #tpu.memory_space<vmem>>) semaphore(%arg19 : memref<!tpu.dma_semaphore, #tpu.memory_space<semaphore_mem>>)
    %add3A_57 = arith.constant 192 : i32
    %add3A_58 = arith.addi %multiple_of3A_30, %add3A_57 : i32
    %dma_start3A_59 = tpu.memref_slice %arg4[%add3A_58] : memref<327680xi32, #tpu.memory_space<hbm>> -> memref<64xi32, #tpu.memory_space<hbm>>
    %dma_start3A_60 = tpu.memref_slice %arg4[%add3A_58] : memref<327680xi32, #tpu.memory_space<hbm>> -> memref<64xi32, #tpu.memory_space<hbm>>
    tpu.enqueue_dma source(%dma_start3A_60 : memref<64xi32, #tpu.memory_space<hbm>>) target(%arg16 : memref<64xi32, #tpu.memory_space<vmem>>) target_semaphore(%arg24 : memref<!tpu.dma_semaphore, #tpu.memory_space<semaphore_mem>>)
    %dma_start3A_61 = arith.constant 192 : i32
    %dma_start3A_62 = tpu.memref_slice %arg8[%dma_start3A_61] : memref<10240xi32, #tpu.memory_space<vmem>> -> memref<64xi32, #tpu.memory_space<vmem>>
    %dma_start3A_63 = arith.constant 0 : i32
    %dma_start3A_64 = arith.constant 0 : i32
    %dma_start3A_65 = tpu.memref_slice %arg2[%dma_start3A_63, %dma_start3A_64] : memref<10000x128xf32, #tpu.memory_space<hbm>> -> memref<10000x128xf32, #tpu.memory_space<hbm>>
    tpu.enqueue_indirect_dma source(%dma_start3A_65 : memref<10000x128xf32, #tpu.memory_space<hbm>>) target(%arg12 : memref<64x128xf32, #tpu.memory_space<vmem>>) offsets(%dma_start3A_62 : memref<64xi32, #tpu.memory_space<vmem>>) semaphore(%arg20 : memref<!tpu.dma_semaphore, #tpu.memory_space<semaphore_mem>>)
    %scan3A_66 = arith.constant 0 : i32
    %scan3A_67 = arith.constant 0 : i32
    %scan3A_68 = arith.constant 39 : i32
    %scan3A_69 = arith.addi %scan3A_67, %scan3A_68 : i32
    %scan3A_70 = arith.constant 1 : i32
    scf.for %scan3A_139 = %scan3A_67 to %scan3A_69 step %scan3A_70  : i32 {
      %mul3A_140 = arith.constant 4 : i32
      %mul3A_141 = arith.muli %mul3A_140, %scan3A_139 : i32
      %add3A_142 = arith.constant 0 : i32
      %add3A_143 = arith.addi %mul3A_141, %add3A_142 : i32
      %mul3A_144 = arith.constant 64 : i32
      %mul3A_145 = arith.muli %add3A_143, %mul3A_144 : i32
      %add3A_146 = arith.addi %multiple_of3A_30, %mul3A_145 : i32
      %dma_wait3A_147 = tpu.memref_slice %arg4[%add3A_146] : memref<327680xi32, #tpu.memory_space<hbm>> -> memref<64xi32, #tpu.memory_space<hbm>>
      %dma_wait3A_148 = tpu.memref_slice %arg4[%add3A_146] : memref<327680xi32, #tpu.memory_space<hbm>> -> memref<64xi32, #tpu.memory_space<hbm>>
      tpu.wait_dma2 semaphore(%arg21 : memref<!tpu.dma_semaphore, #tpu.memory_space<semaphore_mem>>) src(%dma_wait3A_148 : memref<64xi32, #tpu.memory_space<hbm>>) dst(%arg13 : memref<64xi32, #tpu.memory_space<vmem>>)
      %mul3A_149 = arith.constant 64 : i32
      %mul3A_150 = arith.muli %add3A_143, %mul3A_149 : i32
      %dma_wait3A_151 = tpu.memref_slice %arg8[%mul3A_150] : memref<10240xi32, #tpu.memory_space<vmem>> -> memref<64xi32, #tpu.memory_space<vmem>>
      %dma_wait3A_152 = arith.constant 0 : i32
      %dma_wait3A_153 = arith.constant 0 : i32
      %dma_wait3A_154 = tpu.memref_slice %arg2[%dma_wait3A_152, %dma_wait3A_153] : memref<10000x128xf32, #tpu.memory_space<hbm>> -> memref<10000x128xf32, #tpu.memory_space<hbm>>
      tpu.wait_indirect_dma semaphore(%arg17 : memref<!tpu.dma_semaphore, #tpu.memory_space<semaphore_mem>>) src(%dma_wait3A_154 : memref<10000x128xf32, #tpu.memory_space<hbm>>) dst(%arg9 : memref<64x128xf32, #tpu.memory_space<vmem>>)
      %dma_start3A_155 = arith.constant 0 : i32
      %dma_start3A_156 = arith.constant 0 : i32
      %dma_start3A_157 = tpu.memref_slice %arg7[%dma_start3A_155, %dma_start3A_156] : memref<10240x128xf32, #tpu.memory_space<vmem_shared>> -> memref<10240x128xf32, #tpu.memory_space<vmem_shared>>
      tpu.enqueue_indirect_dma source(%arg9 : memref<64x128xf32, #tpu.memory_space<vmem>>) target(%dma_start3A_157 : memref<10240x128xf32, #tpu.memory_space<vmem_shared>>) offsets(%arg13 : memref<64xi32, #tpu.memory_space<vmem>>) semaphore(%arg25 : memref<!tpu.dma_semaphore, #tpu.memory_space<semaphore_mem>>) {add = true}
      %add3A_158 = arith.constant 1 : i32
      %add3A_159 = arith.addi %mul3A_141, %add3A_158 : i32
      %mul3A_160 = arith.constant 64 : i32
      %mul3A_161 = arith.muli %add3A_159, %mul3A_160 : i32
      %add3A_162 = arith.addi %multiple_of3A_30, %mul3A_161 : i32
      %dma_wait3A_163 = tpu.memref_slice %arg4[%add3A_162] : memref<327680xi32, #tpu.memory_space<hbm>> -> memref<64xi32, #tpu.memory_space<hbm>>
      %dma_wait3A_164 = tpu.memref_slice %arg4[%add3A_162] : memref<327680xi32, #tpu.memory_space<hbm>> -> memref<64xi32, #tpu.memory_space<hbm>>
      tpu.wait_dma2 semaphore(%arg22 : memref<!tpu.dma_semaphore, #tpu.memory_space<semaphore_mem>>) src(%dma_wait3A_164 : memref<64xi32, #tpu.memory_space<hbm>>) dst(%arg14 : memref<64xi32, #tpu.memory_space<vmem>>)
      %mul3A_165 = arith.constant 64 : i32
      %mul3A_166 = arith.muli %add3A_159, %mul3A_165 : i32
      %dma_wait3A_167 = tpu.memref_slice %arg8[%mul3A_166] : memref<10240xi32, #tpu.memory_space<vmem>> -> memref<64xi32, #tpu.memory_space<vmem>>
      %dma_wait3A_168 = arith.constant 0 : i32
      %dma_wait3A_169 = arith.constant 0 : i32
      %dma_wait3A_170 = tpu.memref_slice %arg2[%dma_wait3A_168, %dma_wait3A_169] : memref<10000x128xf32, #tpu.memory_space<hbm>> -> memref<10000x128xf32, #tpu.memory_space<hbm>>
      tpu.wait_indirect_dma semaphore(%arg18 : memref<!tpu.dma_semaphore, #tpu.memory_space<semaphore_mem>>) src(%dma_wait3A_170 : memref<10000x128xf32, #tpu.memory_space<hbm>>) dst(%arg10 : memref<64x128xf32, #tpu.memory_space<vmem>>)
      %dma_start3A_171 = arith.constant 0 : i32
      %dma_start3A_172 = arith.constant 0 : i32
      %dma_start3A_173 = tpu.memref_slice %arg7[%dma_start3A_171, %dma_start3A_172] : memref<10240x128xf32, #tpu.memory_space<vmem_shared>> -> memref<10240x128xf32, #tpu.memory_space<vmem_shared>>
      tpu.enqueue_indirect_dma source(%arg10 : memref<64x128xf32, #tpu.memory_space<vmem>>) target(%dma_start3A_173 : memref<10240x128xf32, #tpu.memory_space<vmem_shared>>) offsets(%arg14 : memref<64xi32, #tpu.memory_space<vmem>>) semaphore(%arg26 : memref<!tpu.dma_semaphore, #tpu.memory_space<semaphore_mem>>) {add = true}
      %add3A_174 = arith.constant 2 : i32
      %add3A_175 = arith.addi %mul3A_141, %add3A_174 : i32
      %mul3A_176 = arith.constant 64 : i32
      %mul3A_177 = arith.muli %add3A_175, %mul3A_176 : i32
      %add3A_178 = arith.addi %multiple_of3A_30, %mul3A_177 : i32
      %dma_wait3A_179 = tpu.memref_slice %arg4[%add3A_178] : memref<327680xi32, #tpu.memory_space<hbm>> -> memref<64xi32, #tpu.memory_space<hbm>>
      %dma_wait3A_180 = tpu.memref_slice %arg4[%add3A_178] : memref<327680xi32, #tpu.memory_space<hbm>> -> memref<64xi32, #tpu.memory_space<hbm>>
      tpu.wait_dma2 semaphore(%arg23 : memref<!tpu.dma_semaphore, #tpu.memory_space<semaphore_mem>>) src(%dma_wait3A_180 : memref<64xi32, #tpu.memory_space<hbm>>) dst(%arg15 : memref<64xi32, #tpu.memory_space<vmem>>)
      %mul3A_181 = arith.constant 64 : i32
      %mul3A_182 = arith.muli %add3A_175, %mul3A_181 : i32
      %dma_wait3A_183 = tpu.memref_slice %arg8[%mul3A_182] : memref<10240xi32, #tpu.memory_space<vmem>> -> memref<64xi32, #tpu.memory_space<vmem>>
      %dma_wait3A_184 = arith.constant 0 : i32
      %dma_wait3A_185 = arith.constant 0 : i32
      %dma_wait3A_186 = tpu.memref_slice %arg2[%dma_wait3A_184, %dma_wait3A_185] : memref<10000x128xf32, #tpu.memory_space<hbm>> -> memref<10000x128xf32, #tpu.memory_space<hbm>>
      tpu.wait_indirect_dma semaphore(%arg19 : memref<!tpu.dma_semaphore, #tpu.memory_space<semaphore_mem>>) src(%dma_wait3A_186 : memref<10000x128xf32, #tpu.memory_space<hbm>>) dst(%arg11 : memref<64x128xf32, #tpu.memory_space<vmem>>)
      %dma_start3A_187 = arith.constant 0 : i32
      %dma_start3A_188 = arith.constant 0 : i32
      %dma_start3A_189 = tpu.memref_slice %arg7[%dma_start3A_187, %dma_start3A_188] : memref<10240x128xf32, #tpu.memory_space<vmem_shared>> -> memref<10240x128xf32, #tpu.memory_space<vmem_shared>>
      tpu.enqueue_indirect_dma source(%arg11 : memref<64x128xf32, #tpu.memory_space<vmem>>) target(%dma_start3A_189 : memref<10240x128xf32, #tpu.memory_space<vmem_shared>>) offsets(%arg15 : memref<64xi32, #tpu.memory_space<vmem>>) semaphore(%arg27 : memref<!tpu.dma_semaphore, #tpu.memory_space<semaphore_mem>>) {add = true}
      %add3A_190 = arith.constant 3 : i32
      %add3A_191 = arith.addi %mul3A_141, %add3A_190 : i32
      %mul3A_192 = arith.constant 64 : i32
      %mul3A_193 = arith.muli %add3A_191, %mul3A_192 : i32
      %add3A_194 = arith.addi %multiple_of3A_30, %mul3A_193 : i32
      %dma_wait3A_195 = tpu.memref_slice %arg4[%add3A_194] : memref<327680xi32, #tpu.memory_space<hbm>> -> memref<64xi32, #tpu.memory_space<hbm>>
      %dma_wait3A_196 = tpu.memref_slice %arg4[%add3A_194] : memref<327680xi32, #tpu.memory_space<hbm>> -> memref<64xi32, #tpu.memory_space<hbm>>
      tpu.wait_dma2 semaphore(%arg24 : memref<!tpu.dma_semaphore, #tpu.memory_space<semaphore_mem>>) src(%dma_wait3A_196 : memref<64xi32, #tpu.memory_space<hbm>>) dst(%arg16 : memref<64xi32, #tpu.memory_space<vmem>>)
      %mul3A_197 = arith.constant 64 : i32
      %mul3A_198 = arith.muli %add3A_191, %mul3A_197 : i32
      %dma_wait3A_199 = tpu.memref_slice %arg8[%mul3A_198] : memref<10240xi32, #tpu.memory_space<vmem>> -> memref<64xi32, #tpu.memory_space<vmem>>
      %dma_wait3A_200 = arith.constant 0 : i32
      %dma_wait3A_201 = arith.constant 0 : i32
      %dma_wait3A_202 = tpu.memref_slice %arg2[%dma_wait3A_200, %dma_wait3A_201] : memref<10000x128xf32, #tpu.memory_space<hbm>> -> memref<10000x128xf32, #tpu.memory_space<hbm>>
      tpu.wait_indirect_dma semaphore(%arg20 : memref<!tpu.dma_semaphore, #tpu.memory_space<semaphore_mem>>) src(%dma_wait3A_202 : memref<10000x128xf32, #tpu.memory_space<hbm>>) dst(%arg12 : memref<64x128xf32, #tpu.memory_space<vmem>>)
      %dma_start3A_203 = arith.constant 0 : i32
      %dma_start3A_204 = arith.constant 0 : i32
      %dma_start3A_205 = tpu.memref_slice %arg7[%dma_start3A_203, %dma_start3A_204] : memref<10240x128xf32, #tpu.memory_space<vmem_shared>> -> memref<10240x128xf32, #tpu.memory_space<vmem_shared>>
      tpu.enqueue_indirect_dma source(%arg12 : memref<64x128xf32, #tpu.memory_space<vmem>>) target(%dma_start3A_205 : memref<10240x128xf32, #tpu.memory_space<vmem_shared>>) offsets(%arg16 : memref<64xi32, #tpu.memory_space<vmem>>) semaphore(%arg28 : memref<!tpu.dma_semaphore, #tpu.memory_space<semaphore_mem>>) {add = true}
      %dma_wait3A_206 = arith.constant 0 : i32
      %dma_wait3A_207 = arith.constant 0 : i32
      %dma_wait3A_208 = tpu.memref_slice %arg7[%dma_wait3A_206, %dma_wait3A_207] : memref<10240x128xf32, #tpu.memory_space<vmem_shared>> -> memref<10240x128xf32, #tpu.memory_space<vmem_shared>>
      tpu.wait_indirect_dma semaphore(%arg25 : memref<!tpu.dma_semaphore, #tpu.memory_space<semaphore_mem>>) src(%arg9 : memref<64x128xf32, #tpu.memory_space<vmem>>) dst(%dma_wait3A_208 : memref<10240x128xf32, #tpu.memory_space<vmem_shared>>)
      %add3A_209 = arith.constant 0 : i32
      %add3A_210 = arith.addi %mul3A_141, %add3A_209 : i32
      %add3A_211 = arith.constant 4 : i32
      %add3A_212 = arith.addi %add3A_210, %add3A_211 : i32
      %mul3A_213 = arith.constant 64 : i32
      %mul3A_214 = arith.muli %add3A_212, %mul3A_213 : i32
      %add3A_215 = arith.addi %multiple_of3A_30, %mul3A_214 : i32
      %dma_start3A_216 = tpu.memref_slice %arg4[%add3A_215] : memref<327680xi32, #tpu.memory_space<hbm>> -> memref<64xi32, #tpu.memory_space<hbm>>
      %dma_start3A_217 = tpu.memref_slice %arg4[%add3A_215] : memref<327680xi32, #tpu.memory_space<hbm>> -> memref<64xi32, #tpu.memory_space<hbm>>
      tpu.enqueue_dma source(%dma_start3A_217 : memref<64xi32, #tpu.memory_space<hbm>>) target(%arg13 : memref<64xi32, #tpu.memory_space<vmem>>) target_semaphore(%arg21 : memref<!tpu.dma_semaphore, #tpu.memory_space<semaphore_mem>>)
      %mul3A_218 = arith.constant 64 : i32
      %mul3A_219 = arith.muli %add3A_212, %mul3A_218 : i32
      %dma_start3A_220 = tpu.memref_slice %arg8[%mul3A_219] : memref<10240xi32, #tpu.memory_space<vmem>> -> memref<64xi32, #tpu.memory_space<vmem>>
      %dma_start3A_221 = arith.constant 0 : i32
      %dma_start3A_222 = arith.constant 0 : i32
      %dma_start3A_223 = tpu.memref_slice %arg2[%dma_start3A_221, %dma_start3A_222] : memref<10000x128xf32, #tpu.memory_space<hbm>> -> memref<10000x128xf32, #tpu.memory_space<hbm>>
      tpu.enqueue_indirect_dma source(%dma_start3A_223 : memref<10000x128xf32, #tpu.memory_space<hbm>>) target(%arg9 : memref<64x128xf32, #tpu.memory_space<vmem>>) offsets(%dma_start3A_220 : memref<64xi32, #tpu.memory_space<vmem>>) semaphore(%arg17 : memref<!tpu.dma_semaphore, #tpu.memory_space<semaphore_mem>>)
      %dma_wait3A_224 = arith.constant 0 : i32
      %dma_wait3A_225 = arith.constant 0 : i32
      %dma_wait3A_226 = tpu.memref_slice %arg7[%dma_wait3A_224, %dma_wait3A_225] : memref<10240x128xf32, #tpu.memory_space<vmem_shared>> -> memref<10240x128xf32, #tpu.memory_space<vmem_shared>>
      tpu.wait_indirect_dma semaphore(%arg26 : memref<!tpu.dma_semaphore, #tpu.memory_space<semaphore_mem>>) src(%arg10 : memref<64x128xf32, #tpu.memory_space<vmem>>) dst(%dma_wait3A_226 : memref<10240x128xf32, #tpu.memory_space<vmem_shared>>)
      %add3A_227 = arith.constant 1 : i32
      %add3A_228 = arith.addi %mul3A_141, %add3A_227 : i32
      %add3A_229 = arith.constant 4 : i32
      %add3A_230 = arith.addi %add3A_228, %add3A_229 : i32
      %mul3A_231 = arith.constant 64 : i32
      %mul3A_232 = arith.muli %add3A_230, %mul3A_231 : i32
      %add3A_233 = arith.addi %multiple_of3A_30, %mul3A_232 : i32
      %dma_start3A_234 = tpu.memref_slice %arg4[%add3A_233] : memref<327680xi32, #tpu.memory_space<hbm>> -> memref<64xi32, #tpu.memory_space<hbm>>
      %dma_start3A_235 = tpu.memref_slice %arg4[%add3A_233] : memref<327680xi32, #tpu.memory_space<hbm>> -> memref<64xi32, #tpu.memory_space<hbm>>
      tpu.enqueue_dma source(%dma_start3A_235 : memref<64xi32, #tpu.memory_space<hbm>>) target(%arg14 : memref<64xi32, #tpu.memory_space<vmem>>) target_semaphore(%arg22 : memref<!tpu.dma_semaphore, #tpu.memory_space<semaphore_mem>>)
      %mul3A_236 = arith.constant 64 : i32
      %mul3A_237 = arith.muli %add3A_230, %mul3A_236 : i32
      %dma_start3A_238 = tpu.memref_slice %arg8[%mul3A_237] : memref<10240xi32, #tpu.memory_space<vmem>> -> memref<64xi32, #tpu.memory_space<vmem>>
      %dma_start3A_239 = arith.constant 0 : i32
      %dma_start3A_240 = arith.constant 0 : i32
      %dma_start3A_241 = tpu.memref_slice %arg2[%dma_start3A_239, %dma_start3A_240] : memref<10000x128xf32, #tpu.memory_space<hbm>> -> memref<10000x128xf32, #tpu.memory_space<hbm>>
      tpu.enqueue_indirect_dma source(%dma_start3A_241 : memref<10000x128xf32, #tpu.memory_space<hbm>>) target(%arg10 : memref<64x128xf32, #tpu.memory_space<vmem>>) offsets(%dma_start3A_238 : memref<64xi32, #tpu.memory_space<vmem>>) semaphore(%arg18 : memref<!tpu.dma_semaphore, #tpu.memory_space<semaphore_mem>>)
      %dma_wait3A_242 = arith.constant 0 : i32
      %dma_wait3A_243 = arith.constant 0 : i32
      %dma_wait3A_244 = tpu.memref_slice %arg7[%dma_wait3A_242, %dma_wait3A_243] : memref<10240x128xf32, #tpu.memory_space<vmem_shared>> -> memref<10240x128xf32, #tpu.memory_space<vmem_shared>>
      tpu.wait_indirect_dma semaphore(%arg27 : memref<!tpu.dma_semaphore, #tpu.memory_space<semaphore_mem>>) src(%arg11 : memref<64x128xf32, #tpu.memory_space<vmem>>) dst(%dma_wait3A_244 : memref<10240x128xf32, #tpu.memory_space<vmem_shared>>)
      %add3A_245 = arith.constant 2 : i32
      %add3A_246 = arith.addi %mul3A_141, %add3A_245 : i32
      %add3A_247 = arith.constant 4 : i32
      %add3A_248 = arith.addi %add3A_246, %add3A_247 : i32
      %mul3A_249 = arith.constant 64 : i32
      %mul3A_250 = arith.muli %add3A_248, %mul3A_249 : i32
      %add3A_251 = arith.addi %multiple_of3A_30, %mul3A_250 : i32
      %dma_start3A_252 = tpu.memref_slice %arg4[%add3A_251] : memref<327680xi32, #tpu.memory_space<hbm>> -> memref<64xi32, #tpu.memory_space<hbm>>
      %dma_start3A_253 = tpu.memref_slice %arg4[%add3A_251] : memref<327680xi32, #tpu.memory_space<hbm>> -> memref<64xi32, #tpu.memory_space<hbm>>
      tpu.enqueue_dma source(%dma_start3A_253 : memref<64xi32, #tpu.memory_space<hbm>>) target(%arg15 : memref<64xi32, #tpu.memory_space<vmem>>) target_semaphore(%arg23 : memref<!tpu.dma_semaphore, #tpu.memory_space<semaphore_mem>>)
      %mul3A_254 = arith.constant 64 : i32
      %mul3A_255 = arith.muli %add3A_248, %mul3A_254 : i32
      %dma_start3A_256 = tpu.memref_slice %arg8[%mul3A_255] : memref<10240xi32, #tpu.memory_space<vmem>> -> memref<64xi32, #tpu.memory_space<vmem>>
      %dma_start3A_257 = arith.constant 0 : i32
      %dma_start3A_258 = arith.constant 0 : i32
      %dma_start3A_259 = tpu.memref_slice %arg2[%dma_start3A_257, %dma_start3A_258] : memref<10000x128xf32, #tpu.memory_space<hbm>> -> memref<10000x128xf32, #tpu.memory_space<hbm>>
      tpu.enqueue_indirect_dma source(%dma_start3A_259 : memref<10000x128xf32, #tpu.memory_space<hbm>>) target(%arg11 : memref<64x128xf32, #tpu.memory_space<vmem>>) offsets(%dma_start3A_256 : memref<64xi32, #tpu.memory_space<vmem>>) semaphore(%arg19 : memref<!tpu.dma_semaphore, #tpu.memory_space<semaphore_mem>>)
      %dma_wait3A_260 = arith.constant 0 : i32
      %dma_wait3A_261 = arith.constant 0 : i32
      %dma_wait3A_262 = tpu.memref_slice %arg7[%dma_wait3A_260, %dma_wait3A_261] : memref<10240x128xf32, #tpu.memory_space<vmem_shared>> -> memref<10240x128xf32, #tpu.memory_space<vmem_shared>>
      tpu.wait_indirect_dma semaphore(%arg28 : memref<!tpu.dma_semaphore, #tpu.memory_space<semaphore_mem>>) src(%arg12 : memref<64x128xf32, #tpu.memory_space<vmem>>) dst(%dma_wait3A_262 : memref<10240x128xf32, #tpu.memory_space<vmem_shared>>)
      %add3A_263 = arith.constant 3 : i32
      %add3A_264 = arith.addi %mul3A_141, %add3A_263 : i32
      %add3A_265 = arith.constant 4 : i32
      %add3A_266 = arith.addi %add3A_264, %add3A_265 : i32
      %mul3A_267 = arith.constant 64 : i32
      %mul3A_268 = arith.muli %add3A_266, %mul3A_267 : i32
      %add3A_269 = arith.addi %multiple_of3A_30, %mul3A_268 : i32
      %dma_start3A_270 = tpu.memref_slice %arg4[%add3A_269] : memref<327680xi32, #tpu.memory_space<hbm>> -> memref<64xi32, #tpu.memory_space<hbm>>
      %dma_start3A_271 = tpu.memref_slice %arg4[%add3A_269] : memref<327680xi32, #tpu.memory_space<hbm>> -> memref<64xi32, #tpu.memory_space<hbm>>
      tpu.enqueue_dma source(%dma_start3A_271 : memref<64xi32, #tpu.memory_space<hbm>>) target(%arg16 : memref<64xi32, #tpu.memory_space<vmem>>) target_semaphore(%arg24 : memref<!tpu.dma_semaphore, #tpu.memory_space<semaphore_mem>>)
      %mul3A_272 = arith.constant 64 : i32
      %mul3A_273 = arith.muli %add3A_266, %mul3A_272 : i32
      %dma_start3A_274 = tpu.memref_slice %arg8[%mul3A_273] : memref<10240xi32, #tpu.memory_space<vmem>> -> memref<64xi32, #tpu.memory_space<vmem>>
      %dma_start3A_275 = arith.constant 0 : i32
      %dma_start3A_276 = arith.constant 0 : i32
      %dma_start3A_277 = tpu.memref_slice %arg2[%dma_start3A_275, %dma_start3A_276] : memref<10000x128xf32, #tpu.memory_space<hbm>> -> memref<10000x128xf32, #tpu.memory_space<hbm>>
      tpu.enqueue_indirect_dma source(%dma_start3A_277 : memref<10000x128xf32, #tpu.memory_space<hbm>>) target(%arg12 : memref<64x128xf32, #tpu.memory_space<vmem>>) offsets(%dma_start3A_274 : memref<64xi32, #tpu.memory_space<vmem>>) semaphore(%arg20 : memref<!tpu.dma_semaphore, #tpu.memory_space<semaphore_mem>>)
    }
    %scan3A_71 = arith.constant 39 : i32
    %add3A_72 = arith.constant 9984 : i32
    %add3A_73 = arith.addi %multiple_of3A_30, %add3A_72 : i32
    %dma_wait3A = tpu.memref_slice %arg4[%add3A_73] : memref<327680xi32, #tpu.memory_space<hbm>> -> memref<64xi32, #tpu.memory_space<hbm>>
    %dma_wait3A_74 = tpu.memref_slice %arg4[%add3A_73] : memref<327680xi32, #tpu.memory_space<hbm>> -> memref<64xi32, #tpu.memory_space<hbm>>
    tpu.wait_dma2 semaphore(%arg21 : memref<!tpu.dma_semaphore, #tpu.memory_space<semaphore_mem>>) src(%dma_wait3A_74 : memref<64xi32, #tpu.memory_space<hbm>>) dst(%arg13 : memref<64xi32, #tpu.memory_space<vmem>>)
    %dma_wait3A_75 = arith.constant 9984 : i32
    %dma_wait3A_76 = tpu.memref_slice %arg8[%dma_wait3A_75] : memref<10240xi32, #tpu.memory_space<vmem>> -> memref<64xi32, #tpu.memory_space<vmem>>
    %dma_wait3A_77 = arith.constant 0 : i32
    %dma_wait3A_78 = arith.constant 0 : i32
    %dma_wait3A_79 = tpu.memref_slice %arg2[%dma_wait3A_77, %dma_wait3A_78] : memref<10000x128xf32, #tpu.memory_space<hbm>> -> memref<10000x128xf32, #tpu.memory_space<hbm>>
    tpu.wait_indirect_dma semaphore(%arg17 : memref<!tpu.dma_semaphore, #tpu.memory_space<semaphore_mem>>) src(%dma_wait3A_79 : memref<10000x128xf32, #tpu.memory_space<hbm>>) dst(%arg9 : memref<64x128xf32, #tpu.memory_space<vmem>>)
    %dma_start3A_80 = arith.constant 0 : i32
    %dma_start3A_81 = arith.constant 0 : i32
    %dma_start3A_82 = tpu.memref_slice %arg7[%dma_start3A_80, %dma_start3A_81] : memref<10240x128xf32, #tpu.memory_space<vmem_shared>> -> memref<10240x128xf32, #tpu.memory_space<vmem_shared>>
    tpu.enqueue_indirect_dma source(%arg9 : memref<64x128xf32, #tpu.memory_space<vmem>>) target(%dma_start3A_82 : memref<10240x128xf32, #tpu.memory_space<vmem_shared>>) offsets(%arg13 : memref<64xi32, #tpu.memory_space<vmem>>) semaphore(%arg25 : memref<!tpu.dma_semaphore, #tpu.memory_space<semaphore_mem>>) {add = true}
    %add3A_83 = arith.constant 10048 : i32
    %add3A_84 = arith.addi %multiple_of3A_30, %add3A_83 : i32
    %dma_wait3A_85 = tpu.memref_slice %arg4[%add3A_84] : memref<327680xi32, #tpu.memory_space<hbm>> -> memref<64xi32, #tpu.memory_space<hbm>>
    %dma_wait3A_86 = tpu.memref_slice %arg4[%add3A_84] : memref<327680xi32, #tpu.memory_space<hbm>> -> memref<64xi32, #tpu.memory_space<hbm>>
    tpu.wait_dma2 semaphore(%arg22 : memref<!tpu.dma_semaphore, #tpu.memory_space<semaphore_mem>>) src(%dma_wait3A_86 : memref<64xi32, #tpu.memory_space<hbm>>) dst(%arg14 : memref<64xi32, #tpu.memory_space<vmem>>)
    %dma_wait3A_87 = arith.constant 10048 : i32
    %dma_wait3A_88 = tpu.memref_slice %arg8[%dma_wait3A_87] : memref<10240xi32, #tpu.memory_space<vmem>> -> memref<64xi32, #tpu.memory_space<vmem>>
    %dma_wait3A_89 = arith.constant 0 : i32
    %dma_wait3A_90 = arith.constant 0 : i32
    %dma_wait3A_91 = tpu.memref_slice %arg2[%dma_wait3A_89, %dma_wait3A_90] : memref<10000x128xf32, #tpu.memory_space<hbm>> -> memref<10000x128xf32, #tpu.memory_space<hbm>>
    tpu.wait_indirect_dma semaphore(%arg18 : memref<!tpu.dma_semaphore, #tpu.memory_space<semaphore_mem>>) src(%dma_wait3A_91 : memref<10000x128xf32, #tpu.memory_space<hbm>>) dst(%arg10 : memref<64x128xf32, #tpu.memory_space<vmem>>)
    %dma_start3A_92 = arith.constant 0 : i32
    %dma_start3A_93 = arith.constant 0 : i32
    %dma_start3A_94 = tpu.memref_slice %arg7[%dma_start3A_92, %dma_start3A_93] : memref<10240x128xf32, #tpu.memory_space<vmem_shared>> -> memref<10240x128xf32, #tpu.memory_space<vmem_shared>>
    tpu.enqueue_indirect_dma source(%arg10 : memref<64x128xf32, #tpu.memory_space<vmem>>) target(%dma_start3A_94 : memref<10240x128xf32, #tpu.memory_space<vmem_shared>>) offsets(%arg14 : memref<64xi32, #tpu.memory_space<vmem>>) semaphore(%arg26 : memref<!tpu.dma_semaphore, #tpu.memory_space<semaphore_mem>>) {add = true}
    %add3A_95 = arith.constant 10112 : i32
    %add3A_96 = arith.addi %multiple_of3A_30, %add3A_95 : i32
    %dma_wait3A_97 = tpu.memref_slice %arg4[%add3A_96] : memref<327680xi32, #tpu.memory_space<hbm>> -> memref<64xi32, #tpu.memory_space<hbm>>
    %dma_wait3A_98 = tpu.memref_slice %arg4[%add3A_96] : memref<327680xi32, #tpu.memory_space<hbm>> -> memref<64xi32, #tpu.memory_space<hbm>>
    tpu.wait_dma2 semaphore(%arg23 : memref<!tpu.dma_semaphore, #tpu.memory_space<semaphore_mem>>) src(%dma_wait3A_98 : memref<64xi32, #tpu.memory_space<hbm>>) dst(%arg15 : memref<64xi32, #tpu.memory_space<vmem>>)
    %dma_wait3A_99 = arith.constant 10112 : i32
    %dma_wait3A_100 = tpu.memref_slice %arg8[%dma_wait3A_99] : memref<10240xi32, #tpu.memory_space<vmem>> -> memref<64xi32, #tpu.memory_space<vmem>>
    %dma_wait3A_101 = arith.constant 0 : i32
    %dma_wait3A_102 = arith.constant 0 : i32
    %dma_wait3A_103 = tpu.memref_slice %arg2[%dma_wait3A_101, %dma_wait3A_102] : memref<10000x128xf32, #tpu.memory_space<hbm>> -> memref<10000x128xf32, #tpu.memory_space<hbm>>
    tpu.wait_indirect_dma semaphore(%arg19 : memref<!tpu.dma_semaphore, #tpu.memory_space<semaphore_mem>>) src(%dma_wait3A_103 : memref<10000x128xf32, #tpu.memory_space<hbm>>) dst(%arg11 : memref<64x128xf32, #tpu.memory_space<vmem>>)
    %dma_start3A_104 = arith.constant 0 : i32
    %dma_start3A_105 = arith.constant 0 : i32
    %dma_start3A_106 = tpu.memref_slice %arg7[%dma_start3A_104, %dma_start3A_105] : memref<10240x128xf32, #tpu.memory_space<vmem_shared>> -> memref<10240x128xf32, #tpu.memory_space<vmem_shared>>
    tpu.enqueue_indirect_dma source(%arg11 : memref<64x128xf32, #tpu.memory_space<vmem>>) target(%dma_start3A_106 : memref<10240x128xf32, #tpu.memory_space<vmem_shared>>) offsets(%arg15 : memref<64xi32, #tpu.memory_space<vmem>>) semaphore(%arg27 : memref<!tpu.dma_semaphore, #tpu.memory_space<semaphore_mem>>) {add = true}
    %add3A_107 = arith.constant 10176 : i32
    %add3A_108 = arith.addi %multiple_of3A_30, %add3A_107 : i32
    %dma_wait3A_109 = tpu.memref_slice %arg4[%add3A_108] : memref<327680xi32, #tpu.memory_space<hbm>> -> memref<64xi32, #tpu.memory_space<hbm>>
    %dma_wait3A_110 = tpu.memref_slice %arg4[%add3A_108] : memref<327680xi32, #tpu.memory_space<hbm>> -> memref<64xi32, #tpu.memory_space<hbm>>
    tpu.wait_dma2 semaphore(%arg24 : memref<!tpu.dma_semaphore, #tpu.memory_space<semaphore_mem>>) src(%dma_wait3A_110 : memref<64xi32, #tpu.memory_space<hbm>>) dst(%arg16 : memref<64xi32, #tpu.memory_space<vmem>>)
    %dma_wait3A_111 = arith.constant 10176 : i32
    %dma_wait3A_112 = tpu.memref_slice %arg8[%dma_wait3A_111] : memref<10240xi32, #tpu.memory_space<vmem>> -> memref<64xi32, #tpu.memory_space<vmem>>
    %dma_wait3A_113 = arith.constant 0 : i32
    %dma_wait3A_114 = arith.constant 0 : i32
    %dma_wait3A_115 = tpu.memref_slice %arg2[%dma_wait3A_113, %dma_wait3A_114] : memref<10000x128xf32, #tpu.memory_space<hbm>> -> memref<10000x128xf32, #tpu.memory_space<hbm>>
    tpu.wait_indirect_dma semaphore(%arg20 : memref<!tpu.dma_semaphore, #tpu.memory_space<semaphore_mem>>) src(%dma_wait3A_115 : memref<10000x128xf32, #tpu.memory_space<hbm>>) dst(%arg12 : memref<64x128xf32, #tpu.memory_space<vmem>>)
    %dma_start3A_116 = arith.constant 0 : i32
    %dma_start3A_117 = arith.constant 0 : i32
    %dma_start3A_118 = tpu.memref_slice %arg7[%dma_start3A_116, %dma_start3A_117] : memref<10240x128xf32, #tpu.memory_space<vmem_shared>> -> memref<10240x128xf32, #tpu.memory_space<vmem_shared>>
    tpu.enqueue_indirect_dma source(%arg12 : memref<64x128xf32, #tpu.memory_space<vmem>>) target(%dma_start3A_118 : memref<10240x128xf32, #tpu.memory_space<vmem_shared>>) offsets(%arg16 : memref<64xi32, #tpu.memory_space<vmem>>) semaphore(%arg28 : memref<!tpu.dma_semaphore, #tpu.memory_space<semaphore_mem>>) {add = true}
    %dma_wait3A_119 = arith.constant 0 : i32
    %dma_wait3A_120 = arith.constant 0 : i32
    %dma_wait3A_121 = tpu.memref_slice %arg7[%dma_wait3A_119, %dma_wait3A_120] : memref<10240x128xf32, #tpu.memory_space<vmem_shared>> -> memref<10240x128xf32, #tpu.memory_space<vmem_shared>>
    tpu.wait_indirect_dma semaphore(%arg25 : memref<!tpu.dma_semaphore, #tpu.memory_space<semaphore_mem>>) src(%arg9 : memref<64x128xf32, #tpu.memory_space<vmem>>) dst(%dma_wait3A_121 : memref<10240x128xf32, #tpu.memory_space<vmem_shared>>)
    %dma_wait3A_122 = arith.constant 0 : i32
    %dma_wait3A_123 = arith.constant 0 : i32
    %dma_wait3A_124 = tpu.memref_slice %arg7[%dma_wait3A_122, %dma_wait3A_123] : memref<10240x128xf32, #tpu.memory_space<vmem_shared>> -> memref<10240x128xf32, #tpu.memory_space<vmem_shared>>
    tpu.wait_indirect_dma semaphore(%arg26 : memref<!tpu.dma_semaphore, #tpu.memory_space<semaphore_mem>>) src(%arg10 : memref<64x128xf32, #tpu.memory_space<vmem>>) dst(%dma_wait3A_124 : memref<10240x128xf32, #tpu.memory_space<vmem_shared>>)
    %dma_wait3A_125 = arith.constant 0 : i32
    %dma_wait3A_126 = arith.constant 0 : i32
    %dma_wait3A_127 = tpu.memref_slice %arg7[%dma_wait3A_125, %dma_wait3A_126] : memref<10240x128xf32, #tpu.memory_space<vmem_shared>> -> memref<10240x128xf32, #tpu.memory_space<vmem_shared>>
    tpu.wait_indirect_dma semaphore(%arg27 : memref<!tpu.dma_semaphore, #tpu.memory_space<semaphore_mem>>) src(%arg11 : memref<64x128xf32, #tpu.memory_space<vmem>>) dst(%dma_wait3A_127 : memref<10240x128xf32, #tpu.memory_space<vmem_shared>>)
    %dma_wait3A_128 = arith.constant 0 : i32
    %dma_wait3A_129 = arith.constant 0 : i32
    %dma_wait3A_130 = tpu.memref_slice %arg7[%dma_wait3A_128, %dma_wait3A_129] : memref<10240x128xf32, #tpu.memory_space<vmem_shared>> -> memref<10240x128xf32, #tpu.memory_space<vmem_shared>>
    tpu.wait_indirect_dma semaphore(%arg28 : memref<!tpu.dma_semaphore, #tpu.memory_space<semaphore_mem>>) src(%arg12 : memref<64x128xf32, #tpu.memory_space<vmem>>) dst(%dma_wait3A_130 : memref<10240x128xf32, #tpu.memory_space<vmem_shared>>)
    %barrier3A_131 = arith.constant 0 : index
    tpu.barrier barrier_id(%barrier3A_131)
    %eq3A = arith.constant 0 : i32
    %eq3A_132 = arith.cmpi eq, %arg0, %eq3A : i32
    %convert_element_type3A = arith.extui %eq3A_132 : i1 to i32
    %cond3A = arith.constant 0 : i32
    %cond3A_133 = arith.cmpi ne, %convert_element_type3A, %cond3A : i32
    scf.if %cond3A_133 {
      "tpu.region"() ({
        %run_scoped3A = tpu.sem_alloc : memref<!tpu.dma_semaphore, #tpu.memory_space<semaphore_mem>>
        %dma_start3A_139 = arith.constant 0 : i32
        %dma_start3A_140 = tpu.memref_slice %arg5[%multiple_of3A, %dma_start3A_139] : memref<10240x128xf32, #tpu.memory_space<hbm>> -> memref<640x128xf32, #tpu.memory_space<hbm>>
        %dma_start3A_141 = arith.constant 0 : i32
        %dma_start3A_142 = tpu.memref_slice %arg7[%multiple_of3A, %dma_start3A_141] : memref<10240x128xf32, #tpu.memory_space<vmem_shared>> -> memref<640x128xf32, #tpu.memory_space<vmem_shared>>
        tpu.enqueue_dma source(%dma_start3A_142 : memref<640x128xf32, #tpu.memory_space<vmem_shared>>) target(%dma_start3A_140 : memref<640x128xf32, #tpu.memory_space<hbm>>) target_semaphore(%run_scoped3A : memref<!tpu.dma_semaphore, #tpu.memory_space<semaphore_mem>>)
        %dma_wait3A_143 = arith.constant 0 : i32
        %dma_wait3A_144 = tpu.memref_slice %arg5[%multiple_of3A, %dma_wait3A_143] : memref<10240x128xf32, #tpu.memory_space<hbm>> -> memref<640x128xf32, #tpu.memory_space<hbm>>
        %dma_wait3A_145 = arith.constant 0 : i32
        %dma_wait3A_146 = tpu.memref_slice %arg7[%multiple_of3A, %dma_wait3A_145] : memref<10240x128xf32, #tpu.memory_space<vmem_shared>> -> memref<640x128xf32, #tpu.memory_space<vmem_shared>>
        tpu.wait_dma2 semaphore(%run_scoped3A : memref<!tpu.dma_semaphore, #tpu.memory_space<semaphore_mem>>) src(%dma_wait3A_146 : memref<640x128xf32, #tpu.memory_space<vmem_shared>>) dst(%dma_wait3A_144 : memref<640x128xf32, #tpu.memory_space<hbm>>)
        tpu.yield
      }) : () -> ()
    } else {
    }
    %eq3A_134 = arith.constant 1 : i32
    %eq3A_135 = arith.cmpi eq, %arg0, %eq3A_134 : i32
    %convert_element_type3A_136 = arith.extui %eq3A_135 : i1 to i32
    %cond3A_137 = arith.constant 0 : i32
    %cond3A_138 = arith.cmpi ne, %convert_element_type3A_136, %cond3A_137 : i32
    scf.if %cond3A_138 {
      "tpu.region"() ({
        %run_scoped3A = tpu.sem_alloc : memref<!tpu.dma_semaphore, #tpu.memory_space<semaphore_mem>>
        %dma_start3A_139 = arith.constant 0 : i32
        %dma_start3A_140 = tpu.memref_slice %arg6[%multiple_of3A, %dma_start3A_139] : memref<10240x128xf32, #tpu.memory_space<hbm>> -> memref<640x128xf32, #tpu.memory_space<hbm>>
        %dma_start3A_141 = arith.constant 0 : i32
        %dma_start3A_142 = tpu.memref_slice %arg7[%multiple_of3A, %dma_start3A_141] : memref<10240x128xf32, #tpu.memory_space<vmem_shared>> -> memref<640x128xf32, #tpu.memory_space<vmem_shared>>
        tpu.enqueue_dma source(%dma_start3A_142 : memref<640x128xf32, #tpu.memory_space<vmem_shared>>) target(%dma_start3A_140 : memref<640x128xf32, #tpu.memory_space<hbm>>) target_semaphore(%run_scoped3A : memref<!tpu.dma_semaphore, #tpu.memory_space<semaphore_mem>>)
        %dma_wait3A_143 = arith.constant 0 : i32
        %dma_wait3A_144 = tpu.memref_slice %arg6[%multiple_of3A, %dma_wait3A_143] : memref<10240x128xf32, #tpu.memory_space<hbm>> -> memref<640x128xf32, #tpu.memory_space<hbm>>
        %dma_wait3A_145 = arith.constant 0 : i32
        %dma_wait3A_146 = tpu.memref_slice %arg7[%multiple_of3A, %dma_wait3A_145] : memref<10240x128xf32, #tpu.memory_space<vmem_shared>> -> memref<640x128xf32, #tpu.memory_space<vmem_shared>>
        tpu.wait_dma2 semaphore(%run_scoped3A : memref<!tpu.dma_semaphore, #tpu.memory_space<semaphore_mem>>) src(%dma_wait3A_146 : memref<640x128xf32, #tpu.memory_space<vmem_shared>>) dst(%dma_wait3A_144 : memref<640x128xf32, #tpu.memory_space<hbm>>)
        tpu.yield
      }) : () -> ()
    } else {
    }
    return
  }
}

#map = affine_map<(d0, d1) -> (0, 0)>
#map1 = affine_map<(d0, d1) -> (0)>
module attributes {stable_mosaic.version = 14 : i64} {
  func.func @_seg_body(%arg0: i32, %arg1: i32, %arg2: memref<10000x128xf32, #tpu.memory_space<hbm>>, %arg3: memref<327680xi32, #tpu.memory_space<hbm>>, %arg4: memref<327680xi32, #tpu.memory_space<hbm>>, %arg5: memref<10240x128xf32, #tpu.memory_space<hbm>>, %arg6: memref<10240x128xf32, #tpu.memory_space<hbm>>, %arg7: memref<10240x128xf32, #tpu.memory_space<vmem_shared>>, %arg8: memref<10240xi32, #tpu.memory_space<vmem>>, %arg9: memref<64x128xf32, #tpu.memory_space<vmem>>, %arg10: memref<64x128xf32, #tpu.memory_space<vmem>>, %arg11: memref<64x128xf32, #tpu.memory_space<vmem>>, %arg12: memref<64x128xf32, #tpu.memory_space<vmem>>, %arg13: memref<64xi32, #tpu.memory_space<vmem>>, %arg14: memref<64xi32, #tpu.memory_space<vmem>>, %arg15: memref<64xi32, #tpu.memory_space<vmem>>, %arg16: memref<64xi32, #tpu.memory_space<vmem>>, %arg17: memref<!tpu.dma_semaphore, #tpu.memory_space<semaphore_mem>>, %arg18: memref<!tpu.dma_semaphore, #tpu.memory_space<semaphore_mem>>, %arg19: memref<!tpu.dma_semaphore, #tpu.memory_space<semaphore_mem>>, %arg20: memref<!tpu.dma_semaphore, #tpu.memory_space<semaphore_mem>>, %arg21: memref<!tpu.dma_semaphore, #tpu.memory_space<semaphore_mem>>, %arg22: memref<!tpu.dma_semaphore, #tpu.memory_space<semaphore_mem>>, %arg23: memref<!tpu.dma_semaphore, #tpu.memory_space<semaphore_mem>>, %arg24: memref<!tpu.dma_semaphore, #tpu.memory_space<semaphore_mem>>, %arg25: memref<!tpu.dma_semaphore, #tpu.memory_space<semaphore_mem>>, %arg26: memref<!tpu.dma_semaphore, #tpu.memory_space<semaphore_mem>>, %arg27: memref<!tpu.dma_semaphore, #tpu.memory_space<semaphore_mem>>, %arg28: memref<!tpu.dma_semaphore, #tpu.memory_space<semaphore_mem>>) attributes {dimension_semantics = [#tpu.dimension_semantics<core_parallel>, #tpu.dimension_semantics<subcore_parallel>], iteration_bounds = array<i64: 2, 16>, scalar_prefetch = 0 : i64, scratch_operands = 22 : i64, tpu.core_type = #tpu.core_type<sc_vector_subcore>, window_params = [{transform_indices = #map}, {transform_indices = #map1}, {transform_indices = #map1}, {transform_indices = #map}, {transform_indices = #map}]} {
    %mul3A = arith.constant 16 : i32
    %mul3A_0 = arith.muli %arg0, %mul3A : i32
    %add3A = arith.addi %mul3A_0, %arg1 : i32
    %scan3A = arith.constant 0 : i32
    %scan3A_1 = arith.constant 0 : i32
    %scan3A_2 = arith.constant 64 : i32
    %scan3A_3 = arith.addi %scan3A_1, %scan3A_2 : i32
    %scan3A_4 = arith.constant 1 : i32
    scf.for %scan3A_139 = %scan3A_1 to %scan3A_3 step %scan3A_4  : i32 {
      %broadcast_in_dim3A = arith.constant 0.000000e+00 : f32
      %broadcast_in_dim3A_140 = vector.broadcast %broadcast_in_dim3A : f32 to vector<16xf32>
      %swap3A = arith.index_cast %scan3A_139 : i32 to index
      %swap3A_141 = arith.constant 0 : index
      %swap3A_142 = tpu.vector_load %arg9[%swap3A, %swap3A_141] {strides = array<i32>} : memref<64x128xf32, #tpu.memory_space<vmem>>, vector<1x16xf32>,
      %swap3A_143 = vector.shape_cast %swap3A_142 : vector<1x16xf32> to vector<16xf32>
      %swap3A_144 = vector.shape_cast %broadcast_in_dim3A_140 : vector<16xf32> to vector<1x16xf32>
      tpu.vector_store %arg9[%swap3A, %swap3A_141], %swap3A_144 {strides = array<i32>} : memref<64x128xf32, #tpu.memory_space<vmem>>, vector<1x16xf32>,
      %broadcast_in_dim3A_145 = arith.constant 0.000000e+00 : f32
      %broadcast_in_dim3A_146 = vector.broadcast %broadcast_in_dim3A_145 : f32 to vector<16xf32>
      %swap3A_147 = arith.index_cast %scan3A_139 : i32 to index
      %swap3A_148 = arith.constant 16 : index
      %swap3A_149 = tpu.vector_load %arg9[%swap3A_147, %swap3A_148] {strides = array<i32>} : memref<64x128xf32, #tpu.memory_space<vmem>>, vector<1x16xf32>,
      %swap3A_150 = vector.shape_cast %swap3A_149 : vector<1x16xf32> to vector<16xf32>
      %swap3A_151 = vector.shape_cast %broadcast_in_dim3A_146 : vector<16xf32> to vector<1x16xf32>
      tpu.vector_store %arg9[%swap3A_147, %swap3A_148], %swap3A_151 {strides = array<i32>} : memref<64x128xf32, #tpu.memory_space<vmem>>, vector<1x16xf32>,
      %broadcast_in_dim3A_152 = arith.constant 0.000000e+00 : f32
      %broadcast_in_dim3A_153 = vector.broadcast %broadcast_in_dim3A_152 : f32 to vector<16xf32>
      %swap3A_154 = arith.index_cast %scan3A_139 : i32 to index
      %swap3A_155 = arith.constant 32 : index
      %swap3A_156 = tpu.vector_load %arg9[%swap3A_154, %swap3A_155] {strides = array<i32>} : memref<64x128xf32, #tpu.memory_space<vmem>>, vector<1x16xf32>,
      %swap3A_157 = vector.shape_cast %swap3A_156 : vector<1x16xf32> to vector<16xf32>
      %swap3A_158 = vector.shape_cast %broadcast_in_dim3A_153 : vector<16xf32> to vector<1x16xf32>
      tpu.vector_store %arg9[%swap3A_154, %swap3A_155], %swap3A_158 {strides = array<i32>} : memref<64x128xf32, #tpu.memory_space<vmem>>, vector<1x16xf32>,
      %broadcast_in_dim3A_159 = arith.constant 0.000000e+00 : f32
      %broadcast_in_dim3A_160 = vector.broadcast %broadcast_in_dim3A_159 : f32 to vector<16xf32>
      %swap3A_161 = arith.index_cast %scan3A_139 : i32 to index
      %swap3A_162 = arith.constant 48 : index
      %swap3A_163 = tpu.vector_load %arg9[%swap3A_161, %swap3A_162] {strides = array<i32>} : memref<64x128xf32, #tpu.memory_space<vmem>>, vector<1x16xf32>,
      %swap3A_164 = vector.shape_cast %swap3A_163 : vector<1x16xf32> to vector<16xf32>
      %swap3A_165 = vector.shape_cast %broadcast_in_dim3A_160 : vector<16xf32> to vector<1x16xf32>
      tpu.vector_store %arg9[%swap3A_161, %swap3A_162], %swap3A_165 {strides = array<i32>} : memref<64x128xf32, #tpu.memory_space<vmem>>, vector<1x16xf32>,
      %broadcast_in_dim3A_166 = arith.constant 0.000000e+00 : f32
      %broadcast_in_dim3A_167 = vector.broadcast %broadcast_in_dim3A_166 : f32 to vector<16xf32>
      %swap3A_168 = arith.index_cast %scan3A_139 : i32 to index
      %swap3A_169 = arith.constant 64 : index
      %swap3A_170 = tpu.vector_load %arg9[%swap3A_168, %swap3A_169] {strides = array<i32>} : memref<64x128xf32, #tpu.memory_space<vmem>>, vector<1x16xf32>,
      %swap3A_171 = vector.shape_cast %swap3A_170 : vector<1x16xf32> to vector<16xf32>
      %swap3A_172 = vector.shape_cast %broadcast_in_dim3A_167 : vector<16xf32> to vector<1x16xf32>
      tpu.vector_store %arg9[%swap3A_168, %swap3A_169], %swap3A_172 {strides = array<i32>} : memref<64x128xf32, #tpu.memory_space<vmem>>, vector<1x16xf32>,
      %broadcast_in_dim3A_173 = arith.constant 0.000000e+00 : f32
      %broadcast_in_dim3A_174 = vector.broadcast %broadcast_in_dim3A_173 : f32 to vector<16xf32>
      %swap3A_175 = arith.index_cast %scan3A_139 : i32 to index
      %swap3A_176 = arith.constant 80 : index
      %swap3A_177 = tpu.vector_load %arg9[%swap3A_175, %swap3A_176] {strides = array<i32>} : memref<64x128xf32, #tpu.memory_space<vmem>>, vector<1x16xf32>,
      %swap3A_178 = vector.shape_cast %swap3A_177 : vector<1x16xf32> to vector<16xf32>
      %swap3A_179 = vector.shape_cast %broadcast_in_dim3A_174 : vector<16xf32> to vector<1x16xf32>
      tpu.vector_store %arg9[%swap3A_175, %swap3A_176], %swap3A_179 {strides = array<i32>} : memref<64x128xf32, #tpu.memory_space<vmem>>, vector<1x16xf32>,
      %broadcast_in_dim3A_180 = arith.constant 0.000000e+00 : f32
      %broadcast_in_dim3A_181 = vector.broadcast %broadcast_in_dim3A_180 : f32 to vector<16xf32>
      %swap3A_182 = arith.index_cast %scan3A_139 : i32 to index
      %swap3A_183 = arith.constant 96 : index
      %swap3A_184 = tpu.vector_load %arg9[%swap3A_182, %swap3A_183] {strides = array<i32>} : memref<64x128xf32, #tpu.memory_space<vmem>>, vector<1x16xf32>,
      %swap3A_185 = vector.shape_cast %swap3A_184 : vector<1x16xf32> to vector<16xf32>
      %swap3A_186 = vector.shape_cast %broadcast_in_dim3A_181 : vector<16xf32> to vector<1x16xf32>
      tpu.vector_store %arg9[%swap3A_182, %swap3A_183], %swap3A_186 {strides = array<i32>} : memref<64x128xf32, #tpu.memory_space<vmem>>, vector<1x16xf32>,
      %broadcast_in_dim3A_187 = arith.constant 0.000000e+00 : f32
      %broadcast_in_dim3A_188 = vector.broadcast %broadcast_in_dim3A_187 : f32 to vector<16xf32>
      %swap3A_189 = arith.index_cast %scan3A_139 : i32 to index
      %swap3A_190 = arith.constant 112 : index
      %swap3A_191 = tpu.vector_load %arg9[%swap3A_189, %swap3A_190] {strides = array<i32>} : memref<64x128xf32, #tpu.memory_space<vmem>>, vector<1x16xf32>,
      %swap3A_192 = vector.shape_cast %swap3A_191 : vector<1x16xf32> to vector<16xf32>
      %swap3A_193 = vector.shape_cast %broadcast_in_dim3A_188 : vector<16xf32> to vector<1x16xf32>
      tpu.vector_store %arg9[%swap3A_189, %swap3A_190], %swap3A_193 {strides = array<i32>} : memref<64x128xf32, #tpu.memory_space<vmem>>, vector<1x16xf32>,
    }
    %scan3A_5 = arith.constant 64 : i32
    %mul3A_6 = arith.constant 640 : i32
    %mul3A_7 = arith.muli %arg1, %mul3A_6 : i32
    %multiple_of3A = tpu.assume_multiple %mul3A_7, 8 : i32
    %add3A_8 = arith.constant 0 : i32
    %add3A_9 = arith.addi %multiple_of3A, %add3A_8 : i32
    "tpu.region"() ({
      %run_scoped3A = tpu.sem_alloc : memref<!tpu.dma_semaphore, #tpu.memory_space<semaphore_mem>>
      %dma_start3A_139 = arith.constant 0 : i32
      %dma_start3A_140 = tpu.memref_slice %arg7[%add3A_9, %dma_start3A_139] : memref<10240x128xf32, #tpu.memory_space<vmem_shared>> -> memref<64x128xf32, #tpu.memory_space<vmem_shared>>
      %dma_start3A_141 = arith.constant 0 : i32
      %dma_start3A_142 = tpu.memref_slice %arg7[%add3A_9, %dma_start3A_141] : memref<10240x128xf32, #tpu.memory_space<vmem_shared>> -> memref<64x128xf32, #tpu.memory_space<vmem_shared>>
      tpu.enqueue_dma source(%arg9 : memref<64x128xf32, #tpu.memory_space<vmem>>) target(%dma_start3A_142 : memref<64x128xf32, #tpu.memory_space<vmem_shared>>) target_semaphore(%run_scoped3A : memref<!tpu.dma_semaphore, #tpu.memory_space<semaphore_mem>>)
      %dma_wait3A_143 = arith.constant 0 : i32
      %dma_wait3A_144 = tpu.memref_slice %arg7[%add3A_9, %dma_wait3A_143] : memref<10240x128xf32, #tpu.memory_space<vmem_shared>> -> memref<64x128xf32, #tpu.memory_space<vmem_shared>>
      %dma_wait3A_145 = arith.constant 0 : i32
      %dma_wait3A_146 = tpu.memref_slice %arg7[%add3A_9, %dma_wait3A_145] : memref<10240x128xf32, #tpu.memory_space<vmem_shared>> -> memref<64x128xf32, #tpu.memory_space<vmem_shared>>
      tpu.wait_dma2 semaphore(%run_scoped3A : memref<!tpu.dma_semaphore, #tpu.memory_space<semaphore_mem>>) src(%arg9 : memref<64x128xf32, #tpu.memory_space<vmem>>) dst(%dma_wait3A_146 : memref<64x128xf32, #tpu.memory_space<vmem_shared>>)
      tpu.yield
    }) : () -> ()
    %add3A_10 = arith.constant 64 : i32
    %add3A_11 = arith.addi %multiple_of3A, %add3A_10 : i32
    "tpu.region"() ({
      %run_scoped3A = tpu.sem_alloc : memref<!tpu.dma_semaphore, #tpu.memory_space<semaphore_mem>>
      %dma_start3A_139 = arith.constant 0 : i32
      %dma_start3A_140 = tpu.memref_slice %arg7[%add3A_11, %dma_start3A_139] : memref<10240x128xf32, #tpu.memory_space<vmem_shared>> -> memref<64x128xf32, #tpu.memory_space<vmem_shared>>
      %dma_start3A_141 = arith.constant 0 : i32
      %dma_start3A_142 = tpu.memref_slice %arg7[%add3A_11, %dma_start3A_141] : memref<10240x128xf32, #tpu.memory_space<vmem_shared>> -> memref<64x128xf32, #tpu.memory_space<vmem_shared>>
      tpu.enqueue_dma source(%arg9 : memref<64x128xf32, #tpu.memory_space<vmem>>) target(%dma_start3A_142 : memref<64x128xf32, #tpu.memory_space<vmem_shared>>) target_semaphore(%run_scoped3A : memref<!tpu.dma_semaphore, #tpu.memory_space<semaphore_mem>>)
      %dma_wait3A_143 = arith.constant 0 : i32
      %dma_wait3A_144 = tpu.memref_slice %arg7[%add3A_11, %dma_wait3A_143] : memref<10240x128xf32, #tpu.memory_space<vmem_shared>> -> memref<64x128xf32, #tpu.memory_space<vmem_shared>>
      %dma_wait3A_145 = arith.constant 0 : i32
      %dma_wait3A_146 = tpu.memref_slice %arg7[%add3A_11, %dma_wait3A_145] : memref<10240x128xf32, #tpu.memory_space<vmem_shared>> -> memref<64x128xf32, #tpu.memory_space<vmem_shared>>
      tpu.wait_dma2 semaphore(%run_scoped3A : memref<!tpu.dma_semaphore, #tpu.memory_space<semaphore_mem>>) src(%arg9 : memref<64x128xf32, #tpu.memory_space<vmem>>) dst(%dma_wait3A_146 : memref<64x128xf32, #tpu.memory_space<vmem_shared>>)
      tpu.yield
    }) : () -> ()
    %add3A_12 = arith.constant 128 : i32
    %add3A_13 = arith.addi %multiple_of3A, %add3A_12 : i32
    "tpu.region"() ({
      %run_scoped3A = tpu.sem_alloc : memref<!tpu.dma_semaphore, #tpu.memory_space<semaphore_mem>>
      %dma_start3A_139 = arith.constant 0 : i32
      %dma_start3A_140 = tpu.memref_slice %arg7[%add3A_13, %dma_start3A_139] : memref<10240x128xf32, #tpu.memory_space<vmem_shared>> -> memref<64x128xf32, #tpu.memory_space<vmem_shared>>
      %dma_start3A_141 = arith.constant 0 : i32
      %dma_start3A_142 = tpu.memref_slice %arg7[%add3A_13, %dma_start3A_141] : memref<10240x128xf32, #tpu.memory_space<vmem_shared>> -> memref<64x128xf32, #tpu.memory_space<vmem_shared>>
      tpu.enqueue_dma source(%arg9 : memref<64x128xf32, #tpu.memory_space<vmem>>) target(%dma_start3A_142 : memref<64x128xf32, #tpu.memory_space<vmem_shared>>) target_semaphore(%run_scoped3A : memref<!tpu.dma_semaphore, #tpu.memory_space<semaphore_mem>>)
      %dma_wait3A_143 = arith.constant 0 : i32
      %dma_wait3A_144 = tpu.memref_slice %arg7[%add3A_13, %dma_wait3A_143] : memref<10240x128xf32, #tpu.memory_space<vmem_shared>> -> memref<64x128xf32, #tpu.memory_space<vmem_shared>>
      %dma_wait3A_145 = arith.constant 0 : i32
      %dma_wait3A_146 = tpu.memref_slice %arg7[%add3A_13, %dma_wait3A_145] : memref<10240x128xf32, #tpu.memory_space<vmem_shared>> -> memref<64x128xf32, #tpu.memory_space<vmem_shared>>
      tpu.wait_dma2 semaphore(%run_scoped3A : memref<!tpu.dma_semaphore, #tpu.memory_space<semaphore_mem>>) src(%arg9 : memref<64x128xf32, #tpu.memory_space<vmem>>) dst(%dma_wait3A_146 : memref<64x128xf32, #tpu.memory_space<vmem_shared>>)
      tpu.yield
    }) : () -> ()
    %add3A_14 = arith.constant 192 : i32
    %add3A_15 = arith.addi %multiple_of3A, %add3A_14 : i32
    "tpu.region"() ({
      %run_scoped3A = tpu.sem_alloc : memref<!tpu.dma_semaphore, #tpu.memory_space<semaphore_mem>>
      %dma_start3A_139 = arith.constant 0 : i32
      %dma_start3A_140 = tpu.memref_slice %arg7[%add3A_15, %dma_start3A_139] : memref<10240x128xf32, #tpu.memory_space<vmem_shared>> -> memref<64x128xf32, #tpu.memory_space<vmem_shared>>
      %dma_start3A_141 = arith.constant 0 : i32
      %dma_start3A_142 = tpu.memref_slice %arg7[%add3A_15, %dma_start3A_141] : memref<10240x128xf32, #tpu.memory_space<vmem_shared>> -> memref<64x128xf32, #tpu.memory_space<vmem_shared>>
      tpu.enqueue_dma source(%arg9 : memref<64x128xf32, #tpu.memory_space<vmem>>) target(%dma_start3A_142 : memref<64x128xf32, #tpu.memory_space<vmem_shared>>) target_semaphore(%run_scoped3A : memref<!tpu.dma_semaphore, #tpu.memory_space<semaphore_mem>>)
      %dma_wait3A_143 = arith.constant 0 : i32
      %dma_wait3A_144 = tpu.memref_slice %arg7[%add3A_15, %dma_wait3A_143] : memref<10240x128xf32, #tpu.memory_space<vmem_shared>> -> memref<64x128xf32, #tpu.memory_space<vmem_shared>>
      %dma_wait3A_145 = arith.constant 0 : i32
      %dma_wait3A_146 = tpu.memref_slice %arg7[%add3A_15, %dma_wait3A_145] : memref<10240x128xf32, #tpu.memory_space<vmem_shared>> -> memref<64x128xf32, #tpu.memory_space<vmem_shared>>
      tpu.wait_dma2 semaphore(%run_scoped3A : memref<!tpu.dma_semaphore, #tpu.memory_space<semaphore_mem>>) src(%arg9 : memref<64x128xf32, #tpu.memory_space<vmem>>) dst(%dma_wait3A_146 : memref<64x128xf32, #tpu.memory_space<vmem_shared>>)
      tpu.yield
    }) : () -> ()
    %add3A_16 = arith.constant 256 : i32
    %add3A_17 = arith.addi %multiple_of3A, %add3A_16 : i32
    "tpu.region"() ({
      %run_scoped3A = tpu.sem_alloc : memref<!tpu.dma_semaphore, #tpu.memory_space<semaphore_mem>>
      %dma_start3A_139 = arith.constant 0 : i32
      %dma_start3A_140 = tpu.memref_slice %arg7[%add3A_17, %dma_start3A_139] : memref<10240x128xf32, #tpu.memory_space<vmem_shared>> -> memref<64x128xf32, #tpu.memory_space<vmem_shared>>
      %dma_start3A_141 = arith.constant 0 : i32
      %dma_start3A_142 = tpu.memref_slice %arg7[%add3A_17, %dma_start3A_141] : memref<10240x128xf32, #tpu.memory_space<vmem_shared>> -> memref<64x128xf32, #tpu.memory_space<vmem_shared>>
      tpu.enqueue_dma source(%arg9 : memref<64x128xf32, #tpu.memory_space<vmem>>) target(%dma_start3A_142 : memref<64x128xf32, #tpu.memory_space<vmem_shared>>) target_semaphore(%run_scoped3A : memref<!tpu.dma_semaphore, #tpu.memory_space<semaphore_mem>>)
      %dma_wait3A_143 = arith.constant 0 : i32
      %dma_wait3A_144 = tpu.memref_slice %arg7[%add3A_17, %dma_wait3A_143] : memref<10240x128xf32, #tpu.memory_space<vmem_shared>> -> memref<64x128xf32, #tpu.memory_space<vmem_shared>>
      %dma_wait3A_145 = arith.constant 0 : i32
      %dma_wait3A_146 = tpu.memref_slice %arg7[%add3A_17, %dma_wait3A_145] : memref<10240x128xf32, #tpu.memory_space<vmem_shared>> -> memref<64x128xf32, #tpu.memory_space<vmem_shared>>
      tpu.wait_dma2 semaphore(%run_scoped3A : memref<!tpu.dma_semaphore, #tpu.memory_space<semaphore_mem>>) src(%arg9 : memref<64x128xf32, #tpu.memory_space<vmem>>) dst(%dma_wait3A_146 : memref<64x128xf32, #tpu.memory_space<vmem_shared>>)
      tpu.yield
    }) : () -> ()
    %add3A_18 = arith.constant 320 : i32
    %add3A_19 = arith.addi %multiple_of3A, %add3A_18 : i32
    "tpu.region"() ({
      %run_scoped3A = tpu.sem_alloc : memref<!tpu.dma_semaphore, #tpu.memory_space<semaphore_mem>>
      %dma_start3A_139 = arith.constant 0 : i32
      %dma_start3A_140 = tpu.memref_slice %arg7[%add3A_19, %dma_start3A_139] : memref<10240x128xf32, #tpu.memory_space<vmem_shared>> -> memref<64x128xf32, #tpu.memory_space<vmem_shared>>
      %dma_start3A_141 = arith.constant 0 : i32
      %dma_start3A_142 = tpu.memref_slice %arg7[%add3A_19, %dma_start3A_141] : memref<10240x128xf32, #tpu.memory_space<vmem_shared>> -> memref<64x128xf32, #tpu.memory_space<vmem_shared>>
      tpu.enqueue_dma source(%arg9 : memref<64x128xf32, #tpu.memory_space<vmem>>) target(%dma_start3A_142 : memref<64x128xf32, #tpu.memory_space<vmem_shared>>) target_semaphore(%run_scoped3A : memref<!tpu.dma_semaphore, #tpu.memory_space<semaphore_mem>>)
      %dma_wait3A_143 = arith.constant 0 : i32
      %dma_wait3A_144 = tpu.memref_slice %arg7[%add3A_19, %dma_wait3A_143] : memref<10240x128xf32, #tpu.memory_space<vmem_shared>> -> memref<64x128xf32, #tpu.memory_space<vmem_shared>>
      %dma_wait3A_145 = arith.constant 0 : i32
      %dma_wait3A_146 = tpu.memref_slice %arg7[%add3A_19, %dma_wait3A_145] : memref<10240x128xf32, #tpu.memory_space<vmem_shared>> -> memref<64x128xf32, #tpu.memory_space<vmem_shared>>
      tpu.wait_dma2 semaphore(%run_scoped3A : memref<!tpu.dma_semaphore, #tpu.memory_space<semaphore_mem>>) src(%arg9 : memref<64x128xf32, #tpu.memory_space<vmem>>) dst(%dma_wait3A_146 : memref<64x128xf32, #tpu.memory_space<vmem_shared>>)
      tpu.yield
    }) : () -> ()
    %add3A_20 = arith.constant 384 : i32
    %add3A_21 = arith.addi %multiple_of3A, %add3A_20 : i32
    "tpu.region"() ({
      %run_scoped3A = tpu.sem_alloc : memref<!tpu.dma_semaphore, #tpu.memory_space<semaphore_mem>>
      %dma_start3A_139 = arith.constant 0 : i32
      %dma_start3A_140 = tpu.memref_slice %arg7[%add3A_21, %dma_start3A_139] : memref<10240x128xf32, #tpu.memory_space<vmem_shared>> -> memref<64x128xf32, #tpu.memory_space<vmem_shared>>
      %dma_start3A_141 = arith.constant 0 : i32
      %dma_start3A_142 = tpu.memref_slice %arg7[%add3A_21, %dma_start3A_141] : memref<10240x128xf32, #tpu.memory_space<vmem_shared>> -> memref<64x128xf32, #tpu.memory_space<vmem_shared>>
      tpu.enqueue_dma source(%arg9 : memref<64x128xf32, #tpu.memory_space<vmem>>) target(%dma_start3A_142 : memref<64x128xf32, #tpu.memory_space<vmem_shared>>) target_semaphore(%run_scoped3A : memref<!tpu.dma_semaphore, #tpu.memory_space<semaphore_mem>>)
      %dma_wait3A_143 = arith.constant 0 : i32
      %dma_wait3A_144 = tpu.memref_slice %arg7[%add3A_21, %dma_wait3A_143] : memref<10240x128xf32, #tpu.memory_space<vmem_shared>> -> memref<64x128xf32, #tpu.memory_space<vmem_shared>>
      %dma_wait3A_145 = arith.constant 0 : i32
      %dma_wait3A_146 = tpu.memref_slice %arg7[%add3A_21, %dma_wait3A_145] : memref<10240x128xf32, #tpu.memory_space<vmem_shared>> -> memref<64x128xf32, #tpu.memory_space<vmem_shared>>
      tpu.wait_dma2 semaphore(%run_scoped3A : memref<!tpu.dma_semaphore, #tpu.memory_space<semaphore_mem>>) src(%arg9 : memref<64x128xf32, #tpu.memory_space<vmem>>) dst(%dma_wait3A_146 : memref<64x128xf32, #tpu.memory_space<vmem_shared>>)
      tpu.yield
    }) : () -> ()
    %add3A_22 = arith.constant 448 : i32
    %add3A_23 = arith.addi %multiple_of3A, %add3A_22 : i32
    "tpu.region"() ({
      %run_scoped3A = tpu.sem_alloc : memref<!tpu.dma_semaphore, #tpu.memory_space<semaphore_mem>>
      %dma_start3A_139 = arith.constant 0 : i32
      %dma_start3A_140 = tpu.memref_slice %arg7[%add3A_23, %dma_start3A_139] : memref<10240x128xf32, #tpu.memory_space<vmem_shared>> -> memref<64x128xf32, #tpu.memory_space<vmem_shared>>
      %dma_start3A_141 = arith.constant 0 : i32
      %dma_start3A_142 = tpu.memref_slice %arg7[%add3A_23, %dma_start3A_141] : memref<10240x128xf32, #tpu.memory_space<vmem_shared>> -> memref<64x128xf32, #tpu.memory_space<vmem_shared>>
      tpu.enqueue_dma source(%arg9 : memref<64x128xf32, #tpu.memory_space<vmem>>) target(%dma_start3A_142 : memref<64x128xf32, #tpu.memory_space<vmem_shared>>) target_semaphore(%run_scoped3A : memref<!tpu.dma_semaphore, #tpu.memory_space<semaphore_mem>>)
      %dma_wait3A_143 = arith.constant 0 : i32
      %dma_wait3A_144 = tpu.memref_slice %arg7[%add3A_23, %dma_wait3A_143] : memref<10240x128xf32, #tpu.memory_space<vmem_shared>> -> memref<64x128xf32, #tpu.memory_space<vmem_shared>>
      %dma_wait3A_145 = arith.constant 0 : i32
      %dma_wait3A_146 = tpu.memref_slice %arg7[%add3A_23, %dma_wait3A_145] : memref<10240x128xf32, #tpu.memory_space<vmem_shared>> -> memref<64x128xf32, #tpu.memory_space<vmem_shared>>
      tpu.wait_dma2 semaphore(%run_scoped3A : memref<!tpu.dma_semaphore, #tpu.memory_space<semaphore_mem>>) src(%arg9 : memref<64x128xf32, #tpu.memory_space<vmem>>) dst(%dma_wait3A_146 : memref<64x128xf32, #tpu.memory_space<vmem_shared>>)
      tpu.yield
    }) : () -> ()
    %add3A_24 = arith.constant 512 : i32
    %add3A_25 = arith.addi %multiple_of3A, %add3A_24 : i32
    "tpu.region"() ({
      %run_scoped3A = tpu.sem_alloc : memref<!tpu.dma_semaphore, #tpu.memory_space<semaphore_mem>>
      %dma_start3A_139 = arith.constant 0 : i32
      %dma_start3A_140 = tpu.memref_slice %arg7[%add3A_25, %dma_start3A_139] : memref<10240x128xf32, #tpu.memory_space<vmem_shared>> -> memref<64x128xf32, #tpu.memory_space<vmem_shared>>
      %dma_start3A_141 = arith.constant 0 : i32
      %dma_start3A_142 = tpu.memref_slice %arg7[%add3A_25, %dma_start3A_141] : memref<10240x128xf32, #tpu.memory_space<vmem_shared>> -> memref<64x128xf32, #tpu.memory_space<vmem_shared>>
      tpu.enqueue_dma source(%arg9 : memref<64x128xf32, #tpu.memory_space<vmem>>) target(%dma_start3A_142 : memref<64x128xf32, #tpu.memory_space<vmem_shared>>) target_semaphore(%run_scoped3A : memref<!tpu.dma_semaphore, #tpu.memory_space<semaphore_mem>>)
      %dma_wait3A_143 = arith.constant 0 : i32
      %dma_wait3A_144 = tpu.memref_slice %arg7[%add3A_25, %dma_wait3A_143] : memref<10240x128xf32, #tpu.memory_space<vmem_shared>> -> memref<64x128xf32, #tpu.memory_space<vmem_shared>>
      %dma_wait3A_145 = arith.constant 0 : i32
      %dma_wait3A_146 = tpu.memref_slice %arg7[%add3A_25, %dma_wait3A_145] : memref<10240x128xf32, #tpu.memory_space<vmem_shared>> -> memref<64x128xf32, #tpu.memory_space<vmem_shared>>
      tpu.wait_dma2 semaphore(%run_scoped3A : memref<!tpu.dma_semaphore, #tpu.memory_space<semaphore_mem>>) src(%arg9 : memref<64x128xf32, #tpu.memory_space<vmem>>) dst(%dma_wait3A_146 : memref<64x128xf32, #tpu.memory_space<vmem_shared>>)
      tpu.yield
    }) : () -> ()
    %add3A_26 = arith.constant 576 : i32
    %add3A_27 = arith.addi %multiple_of3A, %add3A_26 : i32
    "tpu.region"() ({
      %run_scoped3A = tpu.sem_alloc : memref<!tpu.dma_semaphore, #tpu.memory_space<semaphore_mem>>
      %dma_start3A_139 = arith.constant 0 : i32
      %dma_start3A_140 = tpu.memref_slice %arg7[%add3A_27, %dma_start3A_139] : memref<10240x128xf32, #tpu.memory_space<vmem_shared>> -> memref<64x128xf32, #tpu.memory_space<vmem_shared>>
      %dma_start3A_141 = arith.constant 0 : i32
      %dma_start3A_142 = tpu.memref_slice %arg7[%add3A_27, %dma_start3A_141] : memref<10240x128xf32, #tpu.memory_space<vmem_shared>> -> memref<64x128xf32, #tpu.memory_space<vmem_shared>>
      tpu.enqueue_dma source(%arg9 : memref<64x128xf32, #tpu.memory_space<vmem>>) target(%dma_start3A_142 : memref<64x128xf32, #tpu.memory_space<vmem_shared>>) target_semaphore(%run_scoped3A : memref<!tpu.dma_semaphore, #tpu.memory_space<semaphore_mem>>)
      %dma_wait3A_143 = arith.constant 0 : i32
      %dma_wait3A_144 = tpu.memref_slice %arg7[%add3A_27, %dma_wait3A_143] : memref<10240x128xf32, #tpu.memory_space<vmem_shared>> -> memref<64x128xf32, #tpu.memory_space<vmem_shared>>
      %dma_wait3A_145 = arith.constant 0 : i32
      %dma_wait3A_146 = tpu.memref_slice %arg7[%add3A_27, %dma_wait3A_145] : memref<10240x128xf32, #tpu.memory_space<vmem_shared>> -> memref<64x128xf32, #tpu.memory_space<vmem_shared>>
      tpu.wait_dma2 semaphore(%run_scoped3A : memref<!tpu.dma_semaphore, #tpu.memory_space<semaphore_mem>>) src(%arg9 : memref<64x128xf32, #tpu.memory_space<vmem>>) dst(%dma_wait3A_146 : memref<64x128xf32, #tpu.memory_space<vmem_shared>>)
      tpu.yield
    }) : () -> ()
    %barrier3A = arith.constant 0 : index
    tpu.barrier barrier_id(%barrier3A)
    %mul3A_28 = arith.constant 10240 : i32
    %mul3A_29 = arith.muli %add3A, %mul3A_28 : i32
    %multiple_of3A_30 = tpu.assume_multiple %mul3A_29, 8 : i32
    "tpu.region"() ({
      %run_scoped3A = tpu.sem_alloc : memref<!tpu.dma_semaphore, #tpu.memory_space<semaphore_mem>>
      %dma_start3A_139 = tpu.memref_slice %arg3[%multiple_of3A_30] : memref<327680xi32, #tpu.memory_space<hbm>> -> memref<10240xi32, #tpu.memory_space<hbm>>
      %dma_start3A_140 = tpu.memref_slice %arg3[%multiple_of3A_30] : memref<327680xi32, #tpu.memory_space<hbm>> -> memref<10240xi32, #tpu.memory_space<hbm>>
      tpu.enqueue_dma source(%dma_start3A_140 : memref<10240xi32, #tpu.memory_space<hbm>>) target(%arg8 : memref<10240xi32, #tpu.memory_space<vmem>>) target_semaphore(%run_scoped3A : memref<!tpu.dma_semaphore, #tpu.memory_space<semaphore_mem>>)
      %dma_wait3A_141 = tpu.memref_slice %arg3[%multiple_of3A_30] : memref<327680xi32, #tpu.memory_space<hbm>> -> memref<10240xi32, #tpu.memory_space<hbm>>
      %dma_wait3A_142 = tpu.memref_slice %arg3[%multiple_of3A_30] : memref<327680xi32, #tpu.memory_space<hbm>> -> memref<10240xi32, #tpu.memory_space<hbm>>
      tpu.wait_dma2 semaphore(%run_scoped3A : memref<!tpu.dma_semaphore, #tpu.memory_space<semaphore_mem>>) src(%dma_wait3A_142 : memref<10240xi32, #tpu.memory_space<hbm>>) dst(%arg8 : memref<10240xi32, #tpu.memory_space<vmem>>)
      tpu.yield
    }) : () -> ()
    %add3A_31 = arith.constant 0 : i32
    %add3A_32 = arith.addi %multiple_of3A_30, %add3A_31 : i32
    %dma_start3A = tpu.memref_slice %arg4[%add3A_32] : memref<327680xi32, #tpu.memory_space<hbm>> -> memref<64xi32, #tpu.memory_space<hbm>>
    %dma_start3A_33 = tpu.memref_slice %arg4[%add3A_32] : memref<327680xi32, #tpu.memory_space<hbm>> -> memref<64xi32, #tpu.memory_space<hbm>>
    tpu.enqueue_dma source(%dma_start3A_33 : memref<64xi32, #tpu.memory_space<hbm>>) target(%arg13 : memref<64xi32, #tpu.memory_space<vmem>>) target_semaphore(%arg21 : memref<!tpu.dma_semaphore, #tpu.memory_space<semaphore_mem>>)
    %dma_start3A_34 = arith.constant 0 : i32
    %dma_start3A_35 = tpu.memref_slice %arg8[%dma_start3A_34] : memref<10240xi32, #tpu.memory_space<vmem>> -> memref<64xi32, #tpu.memory_space<vmem>>
    %dma_start3A_36 = arith.constant 0 : i32
    %dma_start3A_37 = arith.constant 0 : i32
    %dma_start3A_38 = tpu.memref_slice %arg2[%dma_start3A_36, %dma_start3A_37] : memref<10000x128xf32, #tpu.memory_space<hbm>> -> memref<10000x128xf32, #tpu.memory_space<hbm>>
    tpu.enqueue_indirect_dma source(%dma_start3A_38 : memref<10000x128xf32, #tpu.memory_space<hbm>>) target(%arg9 : memref<64x128xf32, #tpu.memory_space<vmem>>) offsets(%dma_start3A_35 : memref<64xi32, #tpu.memory_space<vmem>>) semaphore(%arg17 : memref<!tpu.dma_semaphore, #tpu.memory_space<semaphore_mem>>)
    %add3A_39 = arith.constant 64 : i32
    %add3A_40 = arith.addi %multiple_of3A_30, %add3A_39 : i32
    %dma_start3A_41 = tpu.memref_slice %arg4[%add3A_40] : memref<327680xi32, #tpu.memory_space<hbm>> -> memref<64xi32, #tpu.memory_space<hbm>>
    %dma_start3A_42 = tpu.memref_slice %arg4[%add3A_40] : memref<327680xi32, #tpu.memory_space<hbm>> -> memref<64xi32, #tpu.memory_space<hbm>>
    tpu.enqueue_dma source(%dma_start3A_42 : memref<64xi32, #tpu.memory_space<hbm>>) target(%arg14 : memref<64xi32, #tpu.memory_space<vmem>>) target_semaphore(%arg22 : memref<!tpu.dma_semaphore, #tpu.memory_space<semaphore_mem>>)
    %dma_start3A_43 = arith.constant 64 : i32
    %dma_start3A_44 = tpu.memref_slice %arg8[%dma_start3A_43] : memref<10240xi32, #tpu.memory_space<vmem>> -> memref<64xi32, #tpu.memory_space<vmem>>
    %dma_start3A_45 = arith.constant 0 : i32
    %dma_start3A_46 = arith.constant 0 : i32
    %dma_start3A_47 = tpu.memref_slice %arg2[%dma_start3A_45, %dma_start3A_46] : memref<10000x128xf32, #tpu.memory_space<hbm>> -> memref<10000x128xf32, #tpu.memory_space<hbm>>
    tpu.enqueue_indirect_dma source(%dma_start3A_47 : memref<10000x128xf32, #tpu.memory_space<hbm>>) target(%arg10 : memref<64x128xf32, #tpu.memory_space<vmem>>) offsets(%dma_start3A_44 : memref<64xi32, #tpu.memory_space<vmem>>) semaphore(%arg18 : memref<!tpu.dma_semaphore, #tpu.memory_space<semaphore_mem>>)
    %add3A_48 = arith.constant 128 : i32
    %add3A_49 = arith.addi %multiple_of3A_30, %add3A_48 : i32
    %dma_start3A_50 = tpu.memref_slice %arg4[%add3A_49] : memref<327680xi32, #tpu.memory_space<hbm>> -> memref<64xi32, #tpu.memory_space<hbm>>
    %dma_start3A_51 = tpu.memref_slice %arg4[%add3A_49] : memref<327680xi32, #tpu.memory_space<hbm>> -> memref<64xi32, #tpu.memory_space<hbm>>
    tpu.enqueue_dma source(%dma_start3A_51 : memref<64xi32, #tpu.memory_space<hbm>>) target(%arg15 : memref<64xi32, #tpu.memory_space<vmem>>) target_semaphore(%arg23 : memref<!tpu.dma_semaphore, #tpu.memory_space<semaphore_mem>>)
    %dma_start3A_52 = arith.constant 128 : i32
    %dma_start3A_53 = tpu.memref_slice %arg8[%dma_start3A_52] : memref<10240xi32, #tpu.memory_space<vmem>> -> memref<64xi32, #tpu.memory_space<vmem>>
    %dma_start3A_54 = arith.constant 0 : i32
    %dma_start3A_55 = arith.constant 0 : i32
    %dma_start3A_56 = tpu.memref_slice %arg2[%dma_start3A_54, %dma_start3A_55] : memref<10000x128xf32, #tpu.memory_space<hbm>> -> memref<10000x128xf32, #tpu.memory_space<hbm>>
    tpu.enqueue_indirect_dma source(%dma_start3A_56 : memref<10000x128xf32, #tpu.memory_space<hbm>>) target(%arg11 : memref<64x128xf32, #tpu.memory_space<vmem>>) offsets(%dma_start3A_53 : memref<64xi32, #tpu.memory_space<vmem>>) semaphore(%arg19 : memref<!tpu.dma_semaphore, #tpu.memory_space<semaphore_mem>>)
    %add3A_57 = arith.constant 192 : i32
    %add3A_58 = arith.addi %multiple_of3A_30, %add3A_57 : i32
    %dma_start3A_59 = tpu.memref_slice %arg4[%add3A_58] : memref<327680xi32, #tpu.memory_space<hbm>> -> memref<64xi32, #tpu.memory_space<hbm>>
    %dma_start3A_60 = tpu.memref_slice %arg4[%add3A_58] : memref<327680xi32, #tpu.memory_space<hbm>> -> memref<64xi32, #tpu.memory_space<hbm>>
    tpu.enqueue_dma source(%dma_start3A_60 : memref<64xi32, #tpu.memory_space<hbm>>) target(%arg16 : memref<64xi32, #tpu.memory_space<vmem>>) target_semaphore(%arg24 : memref<!tpu.dma_semaphore, #tpu.memory_space<semaphore_mem>>)
    %dma_start3A_61 = arith.constant 192 : i32
    %dma_start3A_62 = tpu.memref_slice %arg8[%dma_start3A_61] : memref<10240xi32, #tpu.memory_space<vmem>> -> memref<64xi32, #tpu.memory_space<vmem>>
    %dma_start3A_63 = arith.constant 0 : i32
    %dma_start3A_64 = arith.constant 0 : i32
    %dma_start3A_65 = tpu.memref_slice %arg2[%dma_start3A_63, %dma_start3A_64] : memref<10000x128xf32, #tpu.memory_space<hbm>> -> memref<10000x128xf32, #tpu.memory_space<hbm>>
    tpu.enqueue_indirect_dma source(%dma_start3A_65 : memref<10000x128xf32, #tpu.memory_space<hbm>>) target(%arg12 : memref<64x128xf32, #tpu.memory_space<vmem>>) offsets(%dma_start3A_62 : memref<64xi32, #tpu.memory_space<vmem>>) semaphore(%arg20 : memref<!tpu.dma_semaphore, #tpu.memory_space<semaphore_mem>>)
    %scan3A_66 = arith.constant 0 : i32
    %scan3A_67 = arith.constant 0 : i32
    %scan3A_68 = arith.constant 39 : i32
    %scan3A_69 = arith.addi %scan3A_67, %scan3A_68 : i32
    %scan3A_70 = arith.constant 1 : i32
    scf.for %scan3A_139 = %scan3A_67 to %scan3A_69 step %scan3A_70  : i32 {
      %mul3A_140 = arith.constant 4 : i32
      %mul3A_141 = arith.muli %mul3A_140, %scan3A_139 : i32
      %add3A_142 = arith.constant 0 : i32
      %add3A_143 = arith.addi %mul3A_141, %add3A_142 : i32
      %mul3A_144 = arith.constant 64 : i32
      %mul3A_145 = arith.muli %add3A_143, %mul3A_144 : i32
      %add3A_146 = arith.addi %multiple_of3A_30, %mul3A_145 : i32
      %dma_wait3A_147 = tpu.memref_slice %arg4[%add3A_146] : memref<327680xi32, #tpu.memory_space<hbm>> -> memref<64xi32, #tpu.memory_space<hbm>>
      %dma_wait3A_148 = tpu.memref_slice %arg4[%add3A_146] : memref<327680xi32, #tpu.memory_space<hbm>> -> memref<64xi32, #tpu.memory_space<hbm>>
      tpu.wait_dma2 semaphore(%arg21 : memref<!tpu.dma_semaphore, #tpu.memory_space<semaphore_mem>>) src(%dma_wait3A_148 : memref<64xi32, #tpu.memory_space<hbm>>) dst(%arg13 : memref<64xi32, #tpu.memory_space<vmem>>)
      %mul3A_149 = arith.constant 64 : i32
      %mul3A_150 = arith.muli %add3A_143, %mul3A_149 : i32
      %dma_wait3A_151 = tpu.memref_slice %arg8[%mul3A_150] : memref<10240xi32, #tpu.memory_space<vmem>> -> memref<64xi32, #tpu.memory_space<vmem>>
      %dma_wait3A_152 = arith.constant 0 : i32
      %dma_wait3A_153 = arith.constant 0 : i32
      %dma_wait3A_154 = tpu.memref_slice %arg2[%dma_wait3A_152, %dma_wait3A_153] : memref<10000x128xf32, #tpu.memory_space<hbm>> -> memref<10000x128xf32, #tpu.memory_space<hbm>>
      tpu.wait_indirect_dma semaphore(%arg17 : memref<!tpu.dma_semaphore, #tpu.memory_space<semaphore_mem>>) src(%dma_wait3A_154 : memref<10000x128xf32, #tpu.memory_space<hbm>>) dst(%arg9 : memref<64x128xf32, #tpu.memory_space<vmem>>)
      %dma_start3A_155 = arith.constant 0 : i32
      %dma_start3A_156 = arith.constant 0 : i32
      %dma_start3A_157 = tpu.memref_slice %arg7[%dma_start3A_155, %dma_start3A_156] : memref<10240x128xf32, #tpu.memory_space<vmem_shared>> -> memref<10240x128xf32, #tpu.memory_space<vmem_shared>>
      tpu.enqueue_indirect_dma source(%arg9 : memref<64x128xf32, #tpu.memory_space<vmem>>) target(%dma_start3A_157 : memref<10240x128xf32, #tpu.memory_space<vmem_shared>>) offsets(%arg13 : memref<64xi32, #tpu.memory_space<vmem>>) semaphore(%arg25 : memref<!tpu.dma_semaphore, #tpu.memory_space<semaphore_mem>>) {add = true}
      %add3A_158 = arith.constant 1 : i32
      %add3A_159 = arith.addi %mul3A_141, %add3A_158 : i32
      %mul3A_160 = arith.constant 64 : i32
      %mul3A_161 = arith.muli %add3A_159, %mul3A_160 : i32
      %add3A_162 = arith.addi %multiple_of3A_30, %mul3A_161 : i32
      %dma_wait3A_163 = tpu.memref_slice %arg4[%add3A_162] : memref<327680xi32, #tpu.memory_space<hbm>> -> memref<64xi32, #tpu.memory_space<hbm>>
      %dma_wait3A_164 = tpu.memref_slice %arg4[%add3A_162] : memref<327680xi32, #tpu.memory_space<hbm>> -> memref<64xi32, #tpu.memory_space<hbm>>
      tpu.wait_dma2 semaphore(%arg22 : memref<!tpu.dma_semaphore, #tpu.memory_space<semaphore_mem>>) src(%dma_wait3A_164 : memref<64xi32, #tpu.memory_space<hbm>>) dst(%arg14 : memref<64xi32, #tpu.memory_space<vmem>>)
      %mul3A_165 = arith.constant 64 : i32
      %mul3A_166 = arith.muli %add3A_159, %mul3A_165 : i32
      %dma_wait3A_167 = tpu.memref_slice %arg8[%mul3A_166] : memref<10240xi32, #tpu.memory_space<vmem>> -> memref<64xi32, #tpu.memory_space<vmem>>
      %dma_wait3A_168 = arith.constant 0 : i32
      %dma_wait3A_169 = arith.constant 0 : i32
      %dma_wait3A_170 = tpu.memref_slice %arg2[%dma_wait3A_168, %dma_wait3A_169] : memref<10000x128xf32, #tpu.memory_space<hbm>> -> memref<10000x128xf32, #tpu.memory_space<hbm>>
      tpu.wait_indirect_dma semaphore(%arg18 : memref<!tpu.dma_semaphore, #tpu.memory_space<semaphore_mem>>) src(%dma_wait3A_170 : memref<10000x128xf32, #tpu.memory_space<hbm>>) dst(%arg10 : memref<64x128xf32, #tpu.memory_space<vmem>>)
      %dma_start3A_171 = arith.constant 0 : i32
      %dma_start3A_172 = arith.constant 0 : i32
      %dma_start3A_173 = tpu.memref_slice %arg7[%dma_start3A_171, %dma_start3A_172] : memref<10240x128xf32, #tpu.memory_space<vmem_shared>> -> memref<10240x128xf32, #tpu.memory_space<vmem_shared>>
      tpu.enqueue_indirect_dma source(%arg10 : memref<64x128xf32, #tpu.memory_space<vmem>>) target(%dma_start3A_173 : memref<10240x128xf32, #tpu.memory_space<vmem_shared>>) offsets(%arg14 : memref<64xi32, #tpu.memory_space<vmem>>) semaphore(%arg26 : memref<!tpu.dma_semaphore, #tpu.memory_space<semaphore_mem>>) {add = true}
      %add3A_174 = arith.constant 2 : i32
      %add3A_175 = arith.addi %mul3A_141, %add3A_174 : i32
      %mul3A_176 = arith.constant 64 : i32
      %mul3A_177 = arith.muli %add3A_175, %mul3A_176 : i32
      %add3A_178 = arith.addi %multiple_of3A_30, %mul3A_177 : i32
      %dma_wait3A_179 = tpu.memref_slice %arg4[%add3A_178] : memref<327680xi32, #tpu.memory_space<hbm>> -> memref<64xi32, #tpu.memory_space<hbm>>
      %dma_wait3A_180 = tpu.memref_slice %arg4[%add3A_178] : memref<327680xi32, #tpu.memory_space<hbm>> -> memref<64xi32, #tpu.memory_space<hbm>>
      tpu.wait_dma2 semaphore(%arg23 : memref<!tpu.dma_semaphore, #tpu.memory_space<semaphore_mem>>) src(%dma_wait3A_180 : memref<64xi32, #tpu.memory_space<hbm>>) dst(%arg15 : memref<64xi32, #tpu.memory_space<vmem>>)
      %mul3A_181 = arith.constant 64 : i32
      %mul3A_182 = arith.muli %add3A_175, %mul3A_181 : i32
      %dma_wait3A_183 = tpu.memref_slice %arg8[%mul3A_182] : memref<10240xi32, #tpu.memory_space<vmem>> -> memref<64xi32, #tpu.memory_space<vmem>>
      %dma_wait3A_184 = arith.constant 0 : i32
      %dma_wait3A_185 = arith.constant 0 : i32
      %dma_wait3A_186 = tpu.memref_slice %arg2[%dma_wait3A_184, %dma_wait3A_185] : memref<10000x128xf32, #tpu.memory_space<hbm>> -> memref<10000x128xf32, #tpu.memory_space<hbm>>
      tpu.wait_indirect_dma semaphore(%arg19 : memref<!tpu.dma_semaphore, #tpu.memory_space<semaphore_mem>>) src(%dma_wait3A_186 : memref<10000x128xf32, #tpu.memory_space<hbm>>) dst(%arg11 : memref<64x128xf32, #tpu.memory_space<vmem>>)
      %dma_start3A_187 = arith.constant 0 : i32
      %dma_start3A_188 = arith.constant 0 : i32
      %dma_start3A_189 = tpu.memref_slice %arg7[%dma_start3A_187, %dma_start3A_188] : memref<10240x128xf32, #tpu.memory_space<vmem_shared>> -> memref<10240x128xf32, #tpu.memory_space<vmem_shared>>
      tpu.enqueue_indirect_dma source(%arg11 : memref<64x128xf32, #tpu.memory_space<vmem>>) target(%dma_start3A_189 : memref<10240x128xf32, #tpu.memory_space<vmem_shared>>) offsets(%arg15 : memref<64xi32, #tpu.memory_space<vmem>>) semaphore(%arg27 : memref<!tpu.dma_semaphore, #tpu.memory_space<semaphore_mem>>) {add = true}
      %add3A_190 = arith.constant 3 : i32
      %add3A_191 = arith.addi %mul3A_141, %add3A_190 : i32
      %mul3A_192 = arith.constant 64 : i32
      %mul3A_193 = arith.muli %add3A_191, %mul3A_192 : i32
      %add3A_194 = arith.addi %multiple_of3A_30, %mul3A_193 : i32
      %dma_wait3A_195 = tpu.memref_slice %arg4[%add3A_194] : memref<327680xi32, #tpu.memory_space<hbm>> -> memref<64xi32, #tpu.memory_space<hbm>>
      %dma_wait3A_196 = tpu.memref_slice %arg4[%add3A_194] : memref<327680xi32, #tpu.memory_space<hbm>> -> memref<64xi32, #tpu.memory_space<hbm>>
      tpu.wait_dma2 semaphore(%arg24 : memref<!tpu.dma_semaphore, #tpu.memory_space<semaphore_mem>>) src(%dma_wait3A_196 : memref<64xi32, #tpu.memory_space<hbm>>) dst(%arg16 : memref<64xi32, #tpu.memory_space<vmem>>)
      %mul3A_197 = arith.constant 64 : i32
      %mul3A_198 = arith.muli %add3A_191, %mul3A_197 : i32
      %dma_wait3A_199 = tpu.memref_slice %arg8[%mul3A_198] : memref<10240xi32, #tpu.memory_space<vmem>> -> memref<64xi32, #tpu.memory_space<vmem>>
      %dma_wait3A_200 = arith.constant 0 : i32
      %dma_wait3A_201 = arith.constant 0 : i32
      %dma_wait3A_202 = tpu.memref_slice %arg2[%dma_wait3A_200, %dma_wait3A_201] : memref<10000x128xf32, #tpu.memory_space<hbm>> -> memref<10000x128xf32, #tpu.memory_space<hbm>>
      tpu.wait_indirect_dma semaphore(%arg20 : memref<!tpu.dma_semaphore, #tpu.memory_space<semaphore_mem>>) src(%dma_wait3A_202 : memref<10000x128xf32, #tpu.memory_space<hbm>>) dst(%arg12 : memref<64x128xf32, #tpu.memory_space<vmem>>)
      %dma_start3A_203 = arith.constant 0 : i32
      %dma_start3A_204 = arith.constant 0 : i32
      %dma_start3A_205 = tpu.memref_slice %arg7[%dma_start3A_203, %dma_start3A_204] : memref<10240x128xf32, #tpu.memory_space<vmem_shared>> -> memref<10240x128xf32, #tpu.memory_space<vmem_shared>>
      tpu.enqueue_indirect_dma source(%arg12 : memref<64x128xf32, #tpu.memory_space<vmem>>) target(%dma_start3A_205 : memref<10240x128xf32, #tpu.memory_space<vmem_shared>>) offsets(%arg16 : memref<64xi32, #tpu.memory_space<vmem>>) semaphore(%arg28 : memref<!tpu.dma_semaphore, #tpu.memory_space<semaphore_mem>>) {add = true}
      %dma_wait3A_206 = arith.constant 0 : i32
      %dma_wait3A_207 = arith.constant 0 : i32
      %dma_wait3A_208 = tpu.memref_slice %arg7[%dma_wait3A_206, %dma_wait3A_207] : memref<10240x128xf32, #tpu.memory_space<vmem_shared>> -> memref<10240x128xf32, #tpu.memory_space<vmem_shared>>
      tpu.wait_indirect_dma semaphore(%arg25 : memref<!tpu.dma_semaphore, #tpu.memory_space<semaphore_mem>>) src(%arg9 : memref<64x128xf32, #tpu.memory_space<vmem>>) dst(%dma_wait3A_208 : memref<10240x128xf32, #tpu.memory_space<vmem_shared>>)
      %add3A_209 = arith.constant 0 : i32
      %add3A_210 = arith.addi %mul3A_141, %add3A_209 : i32
      %add3A_211 = arith.constant 4 : i32
      %add3A_212 = arith.addi %add3A_210, %add3A_211 : i32
      %mul3A_213 = arith.constant 64 : i32
      %mul3A_214 = arith.muli %add3A_212, %mul3A_213 : i32
      %add3A_215 = arith.addi %multiple_of3A_30, %mul3A_214 : i32
      %dma_start3A_216 = tpu.memref_slice %arg4[%add3A_215] : memref<327680xi32, #tpu.memory_space<hbm>> -> memref<64xi32, #tpu.memory_space<hbm>>
      %dma_start3A_217 = tpu.memref_slice %arg4[%add3A_215] : memref<327680xi32, #tpu.memory_space<hbm>> -> memref<64xi32, #tpu.memory_space<hbm>>
      tpu.enqueue_dma source(%dma_start3A_217 : memref<64xi32, #tpu.memory_space<hbm>>) target(%arg13 : memref<64xi32, #tpu.memory_space<vmem>>) target_semaphore(%arg21 : memref<!tpu.dma_semaphore, #tpu.memory_space<semaphore_mem>>)
      %mul3A_218 = arith.constant 64 : i32
      %mul3A_219 = arith.muli %add3A_212, %mul3A_218 : i32
      %dma_start3A_220 = tpu.memref_slice %arg8[%mul3A_219] : memref<10240xi32, #tpu.memory_space<vmem>> -> memref<64xi32, #tpu.memory_space<vmem>>
      %dma_start3A_221 = arith.constant 0 : i32
      %dma_start3A_222 = arith.constant 0 : i32
      %dma_start3A_223 = tpu.memref_slice %arg2[%dma_start3A_221, %dma_start3A_222] : memref<10000x128xf32, #tpu.memory_space<hbm>> -> memref<10000x128xf32, #tpu.memory_space<hbm>>
      tpu.enqueue_indirect_dma source(%dma_start3A_223 : memref<10000x128xf32, #tpu.memory_space<hbm>>) target(%arg9 : memref<64x128xf32, #tpu.memory_space<vmem>>) offsets(%dma_start3A_220 : memref<64xi32, #tpu.memory_space<vmem>>) semaphore(%arg17 : memref<!tpu.dma_semaphore, #tpu.memory_space<semaphore_mem>>)
      %dma_wait3A_224 = arith.constant 0 : i32
      %dma_wait3A_225 = arith.constant 0 : i32
      %dma_wait3A_226 = tpu.memref_slice %arg7[%dma_wait3A_224, %dma_wait3A_225] : memref<10240x128xf32, #tpu.memory_space<vmem_shared>> -> memref<10240x128xf32, #tpu.memory_space<vmem_shared>>
      tpu.wait_indirect_dma semaphore(%arg26 : memref<!tpu.dma_semaphore, #tpu.memory_space<semaphore_mem>>) src(%arg10 : memref<64x128xf32, #tpu.memory_space<vmem>>) dst(%dma_wait3A_226 : memref<10240x128xf32, #tpu.memory_space<vmem_shared>>)
      %add3A_227 = arith.constant 1 : i32
      %add3A_228 = arith.addi %mul3A_141, %add3A_227 : i32
      %add3A_229 = arith.constant 4 : i32
      %add3A_230 = arith.addi %add3A_228, %add3A_229 : i32
      %mul3A_231 = arith.constant 64 : i32
      %mul3A_232 = arith.muli %add3A_230, %mul3A_231 : i32
      %add3A_233 = arith.addi %multiple_of3A_30, %mul3A_232 : i32
      %dma_start3A_234 = tpu.memref_slice %arg4[%add3A_233] : memref<327680xi32, #tpu.memory_space<hbm>> -> memref<64xi32, #tpu.memory_space<hbm>>
      %dma_start3A_235 = tpu.memref_slice %arg4[%add3A_233] : memref<327680xi32, #tpu.memory_space<hbm>> -> memref<64xi32, #tpu.memory_space<hbm>>
      tpu.enqueue_dma source(%dma_start3A_235 : memref<64xi32, #tpu.memory_space<hbm>>) target(%arg14 : memref<64xi32, #tpu.memory_space<vmem>>) target_semaphore(%arg22 : memref<!tpu.dma_semaphore, #tpu.memory_space<semaphore_mem>>)
      %mul3A_236 = arith.constant 64 : i32
      %mul3A_237 = arith.muli %add3A_230, %mul3A_236 : i32
      %dma_start3A_238 = tpu.memref_slice %arg8[%mul3A_237] : memref<10240xi32, #tpu.memory_space<vmem>> -> memref<64xi32, #tpu.memory_space<vmem>>
      %dma_start3A_239 = arith.constant 0 : i32
      %dma_start3A_240 = arith.constant 0 : i32
      %dma_start3A_241 = tpu.memref_slice %arg2[%dma_start3A_239, %dma_start3A_240] : memref<10000x128xf32, #tpu.memory_space<hbm>> -> memref<10000x128xf32, #tpu.memory_space<hbm>>
      tpu.enqueue_indirect_dma source(%dma_start3A_241 : memref<10000x128xf32, #tpu.memory_space<hbm>>) target(%arg10 : memref<64x128xf32, #tpu.memory_space<vmem>>) offsets(%dma_start3A_238 : memref<64xi32, #tpu.memory_space<vmem>>) semaphore(%arg18 : memref<!tpu.dma_semaphore, #tpu.memory_space<semaphore_mem>>)
      %dma_wait3A_242 = arith.constant 0 : i32
      %dma_wait3A_243 = arith.constant 0 : i32
      %dma_wait3A_244 = tpu.memref_slice %arg7[%dma_wait3A_242, %dma_wait3A_243] : memref<10240x128xf32, #tpu.memory_space<vmem_shared>> -> memref<10240x128xf32, #tpu.memory_space<vmem_shared>>
      tpu.wait_indirect_dma semaphore(%arg27 : memref<!tpu.dma_semaphore, #tpu.memory_space<semaphore_mem>>) src(%arg11 : memref<64x128xf32, #tpu.memory_space<vmem>>) dst(%dma_wait3A_244 : memref<10240x128xf32, #tpu.memory_space<vmem_shared>>)
      %add3A_245 = arith.constant 2 : i32
      %add3A_246 = arith.addi %mul3A_141, %add3A_245 : i32
      %add3A_247 = arith.constant 4 : i32
      %add3A_248 = arith.addi %add3A_246, %add3A_247 : i32
      %mul3A_249 = arith.constant 64 : i32
      %mul3A_250 = arith.muli %add3A_248, %mul3A_249 : i32
      %add3A_251 = arith.addi %multiple_of3A_30, %mul3A_250 : i32
      %dma_start3A_252 = tpu.memref_slice %arg4[%add3A_251] : memref<327680xi32, #tpu.memory_space<hbm>> -> memref<64xi32, #tpu.memory_space<hbm>>
      %dma_start3A_253 = tpu.memref_slice %arg4[%add3A_251] : memref<327680xi32, #tpu.memory_space<hbm>> -> memref<64xi32, #tpu.memory_space<hbm>>
      tpu.enqueue_dma source(%dma_start3A_253 : memref<64xi32, #tpu.memory_space<hbm>>) target(%arg15 : memref<64xi32, #tpu.memory_space<vmem>>) target_semaphore(%arg23 : memref<!tpu.dma_semaphore, #tpu.memory_space<semaphore_mem>>)
      %mul3A_254 = arith.constant 64 : i32
      %mul3A_255 = arith.muli %add3A_248, %mul3A_254 : i32
      %dma_start3A_256 = tpu.memref_slice %arg8[%mul3A_255] : memref<10240xi32, #tpu.memory_space<vmem>> -> memref<64xi32, #tpu.memory_space<vmem>>
      %dma_start3A_257 = arith.constant 0 : i32
      %dma_start3A_258 = arith.constant 0 : i32
      %dma_start3A_259 = tpu.memref_slice %arg2[%dma_start3A_257, %dma_start3A_258] : memref<10000x128xf32, #tpu.memory_space<hbm>> -> memref<10000x128xf32, #tpu.memory_space<hbm>>
      tpu.enqueue_indirect_dma source(%dma_start3A_259 : memref<10000x128xf32, #tpu.memory_space<hbm>>) target(%arg11 : memref<64x128xf32, #tpu.memory_space<vmem>>) offsets(%dma_start3A_256 : memref<64xi32, #tpu.memory_space<vmem>>) semaphore(%arg19 : memref<!tpu.dma_semaphore, #tpu.memory_space<semaphore_mem>>)
      %dma_wait3A_260 = arith.constant 0 : i32
      %dma_wait3A_261 = arith.constant 0 : i32
      %dma_wait3A_262 = tpu.memref_slice %arg7[%dma_wait3A_260, %dma_wait3A_261] : memref<10240x128xf32, #tpu.memory_space<vmem_shared>> -> memref<10240x128xf32, #tpu.memory_space<vmem_shared>>
      tpu.wait_indirect_dma semaphore(%arg28 : memref<!tpu.dma_semaphore, #tpu.memory_space<semaphore_mem>>) src(%arg12 : memref<64x128xf32, #tpu.memory_space<vmem>>) dst(%dma_wait3A_262 : memref<10240x128xf32, #tpu.memory_space<vmem_shared>>)
      %add3A_263 = arith.constant 3 : i32
      %add3A_264 = arith.addi %mul3A_141, %add3A_263 : i32
      %add3A_265 = arith.constant 4 : i32
      %add3A_266 = arith.addi %add3A_264, %add3A_265 : i32
      %mul3A_267 = arith.constant 64 : i32
      %mul3A_268 = arith.muli %add3A_266, %mul3A_267 : i32
      %add3A_269 = arith.addi %multiple_of3A_30, %mul3A_268 : i32
      %dma_start3A_270 = tpu.memref_slice %arg4[%add3A_269] : memref<327680xi32, #tpu.memory_space<hbm>> -> memref<64xi32, #tpu.memory_space<hbm>>
      %dma_start3A_271 = tpu.memref_slice %arg4[%add3A_269] : memref<327680xi32, #tpu.memory_space<hbm>> -> memref<64xi32, #tpu.memory_space<hbm>>
      tpu.enqueue_dma source(%dma_start3A_271 : memref<64xi32, #tpu.memory_space<hbm>>) target(%arg16 : memref<64xi32, #tpu.memory_space<vmem>>) target_semaphore(%arg24 : memref<!tpu.dma_semaphore, #tpu.memory_space<semaphore_mem>>)
      %mul3A_272 = arith.constant 64 : i32
      %mul3A_273 = arith.muli %add3A_266, %mul3A_272 : i32
      %dma_start3A_274 = tpu.memref_slice %arg8[%mul3A_273] : memref<10240xi32, #tpu.memory_space<vmem>> -> memref<64xi32, #tpu.memory_space<vmem>>
      %dma_start3A_275 = arith.constant 0 : i32
      %dma_start3A_276 = arith.constant 0 : i32
      %dma_start3A_277 = tpu.memref_slice %arg2[%dma_start3A_275, %dma_start3A_276] : memref<10000x128xf32, #tpu.memory_space<hbm>> -> memref<10000x128xf32, #tpu.memory_space<hbm>>
      tpu.enqueue_indirect_dma source(%dma_start3A_277 : memref<10000x128xf32, #tpu.memory_space<hbm>>) target(%arg12 : memref<64x128xf32, #tpu.memory_space<vmem>>) offsets(%dma_start3A_274 : memref<64xi32, #tpu.memory_space<vmem>>) semaphore(%arg20 : memref<!tpu.dma_semaphore, #tpu.memory_space<semaphore_mem>>)
    }
    %scan3A_71 = arith.constant 39 : i32
    %add3A_72 = arith.constant 9984 : i32
    %add3A_73 = arith.addi %multiple_of3A_30, %add3A_72 : i32
    %dma_wait3A = tpu.memref_slice %arg4[%add3A_73] : memref<327680xi32, #tpu.memory_space<hbm>> -> memref<64xi32, #tpu.memory_space<hbm>>
    %dma_wait3A_74 = tpu.memref_slice %arg4[%add3A_73] : memref<327680xi32, #tpu.memory_space<hbm>> -> memref<64xi32, #tpu.memory_space<hbm>>
    tpu.wait_dma2 semaphore(%arg21 : memref<!tpu.dma_semaphore, #tpu.memory_space<semaphore_mem>>) src(%dma_wait3A_74 : memref<64xi32, #tpu.memory_space<hbm>>) dst(%arg13 : memref<64xi32, #tpu.memory_space<vmem>>)
    %dma_wait3A_75 = arith.constant 9984 : i32
    %dma_wait3A_76 = tpu.memref_slice %arg8[%dma_wait3A_75] : memref<10240xi32, #tpu.memory_space<vmem>> -> memref<64xi32, #tpu.memory_space<vmem>>
    %dma_wait3A_77 = arith.constant 0 : i32
    %dma_wait3A_78 = arith.constant 0 : i32
    %dma_wait3A_79 = tpu.memref_slice %arg2[%dma_wait3A_77, %dma_wait3A_78] : memref<10000x128xf32, #tpu.memory_space<hbm>> -> memref<10000x128xf32, #tpu.memory_space<hbm>>
    tpu.wait_indirect_dma semaphore(%arg17 : memref<!tpu.dma_semaphore, #tpu.memory_space<semaphore_mem>>) src(%dma_wait3A_79 : memref<10000x128xf32, #tpu.memory_space<hbm>>) dst(%arg9 : memref<64x128xf32, #tpu.memory_space<vmem>>)
    %dma_start3A_80 = arith.constant 0 : i32
    %dma_start3A_81 = arith.constant 0 : i32
    %dma_start3A_82 = tpu.memref_slice %arg7[%dma_start3A_80, %dma_start3A_81] : memref<10240x128xf32, #tpu.memory_space<vmem_shared>> -> memref<10240x128xf32, #tpu.memory_space<vmem_shared>>
    tpu.enqueue_indirect_dma source(%arg9 : memref<64x128xf32, #tpu.memory_space<vmem>>) target(%dma_start3A_82 : memref<10240x128xf32, #tpu.memory_space<vmem_shared>>) offsets(%arg13 : memref<64xi32, #tpu.memory_space<vmem>>) semaphore(%arg25 : memref<!tpu.dma_semaphore, #tpu.memory_space<semaphore_mem>>) {add = true}
    %add3A_83 = arith.constant 10048 : i32
    %add3A_84 = arith.addi %multiple_of3A_30, %add3A_83 : i32
    %dma_wait3A_85 = tpu.memref_slice %arg4[%add3A_84] : memref<327680xi32, #tpu.memory_space<hbm>> -> memref<64xi32, #tpu.memory_space<hbm>>
    %dma_wait3A_86 = tpu.memref_slice %arg4[%add3A_84] : memref<327680xi32, #tpu.memory_space<hbm>> -> memref<64xi32, #tpu.memory_space<hbm>>
    tpu.wait_dma2 semaphore(%arg22 : memref<!tpu.dma_semaphore, #tpu.memory_space<semaphore_mem>>) src(%dma_wait3A_86 : memref<64xi32, #tpu.memory_space<hbm>>) dst(%arg14 : memref<64xi32, #tpu.memory_space<vmem>>)
    %dma_wait3A_87 = arith.constant 10048 : i32
    %dma_wait3A_88 = tpu.memref_slice %arg8[%dma_wait3A_87] : memref<10240xi32, #tpu.memory_space<vmem>> -> memref<64xi32, #tpu.memory_space<vmem>>
    %dma_wait3A_89 = arith.constant 0 : i32
    %dma_wait3A_90 = arith.constant 0 : i32
    %dma_wait3A_91 = tpu.memref_slice %arg2[%dma_wait3A_89, %dma_wait3A_90] : memref<10000x128xf32, #tpu.memory_space<hbm>> -> memref<10000x128xf32, #tpu.memory_space<hbm>>
    tpu.wait_indirect_dma semaphore(%arg18 : memref<!tpu.dma_semaphore, #tpu.memory_space<semaphore_mem>>) src(%dma_wait3A_91 : memref<10000x128xf32, #tpu.memory_space<hbm>>) dst(%arg10 : memref<64x128xf32, #tpu.memory_space<vmem>>)
    %dma_start3A_92 = arith.constant 0 : i32
    %dma_start3A_93 = arith.constant 0 : i32
    %dma_start3A_94 = tpu.memref_slice %arg7[%dma_start3A_92, %dma_start3A_93] : memref<10240x128xf32, #tpu.memory_space<vmem_shared>> -> memref<10240x128xf32, #tpu.memory_space<vmem_shared>>
    tpu.enqueue_indirect_dma source(%arg10 : memref<64x128xf32, #tpu.memory_space<vmem>>) target(%dma_start3A_94 : memref<10240x128xf32, #tpu.memory_space<vmem_shared>>) offsets(%arg14 : memref<64xi32, #tpu.memory_space<vmem>>) semaphore(%arg26 : memref<!tpu.dma_semaphore, #tpu.memory_space<semaphore_mem>>) {add = true}
    %add3A_95 = arith.constant 10112 : i32
    %add3A_96 = arith.addi %multiple_of3A_30, %add3A_95 : i32
    %dma_wait3A_97 = tpu.memref_slice %arg4[%add3A_96] : memref<327680xi32, #tpu.memory_space<hbm>> -> memref<64xi32, #tpu.memory_space<hbm>>
    %dma_wait3A_98 = tpu.memref_slice %arg4[%add3A_96] : memref<327680xi32, #tpu.memory_space<hbm>> -> memref<64xi32, #tpu.memory_space<hbm>>
    tpu.wait_dma2 semaphore(%arg23 : memref<!tpu.dma_semaphore, #tpu.memory_space<semaphore_mem>>) src(%dma_wait3A_98 : memref<64xi32, #tpu.memory_space<hbm>>) dst(%arg15 : memref<64xi32, #tpu.memory_space<vmem>>)
    %dma_wait3A_99 = arith.constant 10112 : i32
    %dma_wait3A_100 = tpu.memref_slice %arg8[%dma_wait3A_99] : memref<10240xi32, #tpu.memory_space<vmem>> -> memref<64xi32, #tpu.memory_space<vmem>>
    %dma_wait3A_101 = arith.constant 0 : i32
    %dma_wait3A_102 = arith.constant 0 : i32
    %dma_wait3A_103 = tpu.memref_slice %arg2[%dma_wait3A_101, %dma_wait3A_102] : memref<10000x128xf32, #tpu.memory_space<hbm>> -> memref<10000x128xf32, #tpu.memory_space<hbm>>
    tpu.wait_indirect_dma semaphore(%arg19 : memref<!tpu.dma_semaphore, #tpu.memory_space<semaphore_mem>>) src(%dma_wait3A_103 : memref<10000x128xf32, #tpu.memory_space<hbm>>) dst(%arg11 : memref<64x128xf32, #tpu.memory_space<vmem>>)
    %dma_start3A_104 = arith.constant 0 : i32
    %dma_start3A_105 = arith.constant 0 : i32
    %dma_start3A_106 = tpu.memref_slice %arg7[%dma_start3A_104, %dma_start3A_105] : memref<10240x128xf32, #tpu.memory_space<vmem_shared>> -> memref<10240x128xf32, #tpu.memory_space<vmem_shared>>
    tpu.enqueue_indirect_dma source(%arg11 : memref<64x128xf32, #tpu.memory_space<vmem>>) target(%dma_start3A_106 : memref<10240x128xf32, #tpu.memory_space<vmem_shared>>) offsets(%arg15 : memref<64xi32, #tpu.memory_space<vmem>>) semaphore(%arg27 : memref<!tpu.dma_semaphore, #tpu.memory_space<semaphore_mem>>) {add = true}
    %add3A_107 = arith.constant 10176 : i32
    %add3A_108 = arith.addi %multiple_of3A_30, %add3A_107 : i32
    %dma_wait3A_109 = tpu.memref_slice %arg4[%add3A_108] : memref<327680xi32, #tpu.memory_space<hbm>> -> memref<64xi32, #tpu.memory_space<hbm>>
    %dma_wait3A_110 = tpu.memref_slice %arg4[%add3A_108] : memref<327680xi32, #tpu.memory_space<hbm>> -> memref<64xi32, #tpu.memory_space<hbm>>
    tpu.wait_dma2 semaphore(%arg24 : memref<!tpu.dma_semaphore, #tpu.memory_space<semaphore_mem>>) src(%dma_wait3A_110 : memref<64xi32, #tpu.memory_space<hbm>>) dst(%arg16 : memref<64xi32, #tpu.memory_space<vmem>>)
    %dma_wait3A_111 = arith.constant 10176 : i32
    %dma_wait3A_112 = tpu.memref_slice %arg8[%dma_wait3A_111] : memref<10240xi32, #tpu.memory_space<vmem>> -> memref<64xi32, #tpu.memory_space<vmem>>
    %dma_wait3A_113 = arith.constant 0 : i32
    %dma_wait3A_114 = arith.constant 0 : i32
    %dma_wait3A_115 = tpu.memref_slice %arg2[%dma_wait3A_113, %dma_wait3A_114] : memref<10000x128xf32, #tpu.memory_space<hbm>> -> memref<10000x128xf32, #tpu.memory_space<hbm>>
    tpu.wait_indirect_dma semaphore(%arg20 : memref<!tpu.dma_semaphore, #tpu.memory_space<semaphore_mem>>) src(%dma_wait3A_115 : memref<10000x128xf32, #tpu.memory_space<hbm>>) dst(%arg12 : memref<64x128xf32, #tpu.memory_space<vmem>>)
    %dma_start3A_116 = arith.constant 0 : i32
    %dma_start3A_117 = arith.constant 0 : i32
    %dma_start3A_118 = tpu.memref_slice %arg7[%dma_start3A_116, %dma_start3A_117] : memref<10240x128xf32, #tpu.memory_space<vmem_shared>> -> memref<10240x128xf32, #tpu.memory_space<vmem_shared>>
    tpu.enqueue_indirect_dma source(%arg12 : memref<64x128xf32, #tpu.memory_space<vmem>>) target(%dma_start3A_118 : memref<10240x128xf32, #tpu.memory_space<vmem_shared>>) offsets(%arg16 : memref<64xi32, #tpu.memory_space<vmem>>) semaphore(%arg28 : memref<!tpu.dma_semaphore, #tpu.memory_space<semaphore_mem>>) {add = true}
    %dma_wait3A_119 = arith.constant 0 : i32
    %dma_wait3A_120 = arith.constant 0 : i32
    %dma_wait3A_121 = tpu.memref_slice %arg7[%dma_wait3A_119, %dma_wait3A_120] : memref<10240x128xf32, #tpu.memory_space<vmem_shared>> -> memref<10240x128xf32, #tpu.memory_space<vmem_shared>>
    tpu.wait_indirect_dma semaphore(%arg25 : memref<!tpu.dma_semaphore, #tpu.memory_space<semaphore_mem>>) src(%arg9 : memref<64x128xf32, #tpu.memory_space<vmem>>) dst(%dma_wait3A_121 : memref<10240x128xf32, #tpu.memory_space<vmem_shared>>)
    %dma_wait3A_122 = arith.constant 0 : i32
    %dma_wait3A_123 = arith.constant 0 : i32
    %dma_wait3A_124 = tpu.memref_slice %arg7[%dma_wait3A_122, %dma_wait3A_123] : memref<10240x128xf32, #tpu.memory_space<vmem_shared>> -> memref<10240x128xf32, #tpu.memory_space<vmem_shared>>
    tpu.wait_indirect_dma semaphore(%arg26 : memref<!tpu.dma_semaphore, #tpu.memory_space<semaphore_mem>>) src(%arg10 : memref<64x128xf32, #tpu.memory_space<vmem>>) dst(%dma_wait3A_124 : memref<10240x128xf32, #tpu.memory_space<vmem_shared>>)
    %dma_wait3A_125 = arith.constant 0 : i32
    %dma_wait3A_126 = arith.constant 0 : i32
    %dma_wait3A_127 = tpu.memref_slice %arg7[%dma_wait3A_125, %dma_wait3A_126] : memref<10240x128xf32, #tpu.memory_space<vmem_shared>> -> memref<10240x128xf32, #tpu.memory_space<vmem_shared>>
    tpu.wait_indirect_dma semaphore(%arg27 : memref<!tpu.dma_semaphore, #tpu.memory_space<semaphore_mem>>) src(%arg11 : memref<64x128xf32, #tpu.memory_space<vmem>>) dst(%dma_wait3A_127 : memref<10240x128xf32, #tpu.memory_space<vmem_shared>>)
    %dma_wait3A_128 = arith.constant 0 : i32
    %dma_wait3A_129 = arith.constant 0 : i32
    %dma_wait3A_130 = tpu.memref_slice %arg7[%dma_wait3A_128, %dma_wait3A_129] : memref<10240x128xf32, #tpu.memory_space<vmem_shared>> -> memref<10240x128xf32, #tpu.memory_space<vmem_shared>>
    tpu.wait_indirect_dma semaphore(%arg28 : memref<!tpu.dma_semaphore, #tpu.memory_space<semaphore_mem>>) src(%arg12 : memref<64x128xf32, #tpu.memory_space<vmem>>) dst(%dma_wait3A_130 : memref<10240x128xf32, #tpu.memory_space<vmem_shared>>)
    %barrier3A_131 = arith.constant 0 : index
    tpu.barrier barrier_id(%barrier3A_131)
    %eq3A = arith.constant 0 : i32
    %eq3A_132 = arith.cmpi eq, %arg0, %eq3A : i32
    %convert_element_type3A = arith.extui %eq3A_132 : i1 to i32
    %cond3A = arith.constant 0 : i32
    %cond3A_133 = arith.cmpi ne, %convert_element_type3A, %cond3A : i32
    scf.if %cond3A_133 {
      "tpu.region"() ({
        %run_scoped3A = tpu.sem_alloc : memref<!tpu.dma_semaphore, #tpu.memory_space<semaphore_mem>>
        %dma_start3A_139 = arith.constant 0 : i32
        %dma_start3A_140 = tpu.memref_slice %arg5[%multiple_of3A, %dma_start3A_139] : memref<10240x128xf32, #tpu.memory_space<hbm>> -> memref<640x128xf32, #tpu.memory_space<hbm>>
        %dma_start3A_141 = arith.constant 0 : i32
        %dma_start3A_142 = tpu.memref_slice %arg7[%multiple_of3A, %dma_start3A_141] : memref<10240x128xf32, #tpu.memory_space<vmem_shared>> -> memref<640x128xf32, #tpu.memory_space<vmem_shared>>
        tpu.enqueue_dma source(%dma_start3A_142 : memref<640x128xf32, #tpu.memory_space<vmem_shared>>) target(%dma_start3A_140 : memref<640x128xf32, #tpu.memory_space<hbm>>) target_semaphore(%run_scoped3A : memref<!tpu.dma_semaphore, #tpu.memory_space<semaphore_mem>>)
        %dma_wait3A_143 = arith.constant 0 : i32
        %dma_wait3A_144 = tpu.memref_slice %arg5[%multiple_of3A, %dma_wait3A_143] : memref<10240x128xf32, #tpu.memory_space<hbm>> -> memref<640x128xf32, #tpu.memory_space<hbm>>
        %dma_wait3A_145 = arith.constant 0 : i32
        %dma_wait3A_146 = tpu.memref_slice %arg7[%multiple_of3A, %dma_wait3A_145] : memref<10240x128xf32, #tpu.memory_space<vmem_shared>> -> memref<640x128xf32, #tpu.memory_space<vmem_shared>>
        tpu.wait_dma2 semaphore(%run_scoped3A : memref<!tpu.dma_semaphore, #tpu.memory_space<semaphore_mem>>) src(%dma_wait3A_146 : memref<640x128xf32, #tpu.memory_space<vmem_shared>>) dst(%dma_wait3A_144 : memref<640x128xf32, #tpu.memory_space<hbm>>)
        tpu.yield
      }) : () -> ()
    } else {
    }
    %eq3A_134 = arith.constant 1 : i32
    %eq3A_135 = arith.cmpi eq, %arg0, %eq3A_134 : i32
    %convert_element_type3A_136 = arith.extui %eq3A_135 : i1 to i32
    %cond3A_137 = arith.constant 0 : i32
    %cond3A_138 = arith.cmpi ne, %convert_element_type3A_136, %cond3A_137 : i32
    scf.if %cond3A_138 {
      "tpu.region"() ({
        %run_scoped3A = tpu.sem_alloc : memref<!tpu.dma_semaphore, #tpu.memory_space<semaphore_mem>>
        %dma_start3A_139 = arith.constant 0 : i32
        %dma_start3A_140 = tpu.memref_slice %arg6[%multiple_of3A, %dma_start3A_139] : memref<10240x128xf32, #tpu.memory_space<hbm>> -> memref<640x128xf32, #tpu.memory_space<hbm>>
        %dma_start3A_141 = arith.constant 0 : i32
        %dma_start3A_142 = tpu.memref_slice %arg7[%multiple_of3A, %dma_start3A_141] : memref<10240x128xf32, #tpu.memory_space<vmem_shared>> -> memref<640x128xf32, #tpu.memory_space<vmem_shared>>
        tpu.enqueue_dma source(%dma_start3A_142 : memref<640x128xf32, #tpu.memory_space<vmem_shared>>) target(%dma_start3A_140 : memref<640x128xf32, #tpu.memory_space<hbm>>) target_semaphore(%run_scoped3A : memref<!tpu.dma_semaphore, #tpu.memory_space<semaphore_mem>>)
        %dma_wait3A_143 = arith.constant 0 : i32
        %dma_wait3A_144 = tpu.memref_slice %arg6[%multiple_of3A, %dma_wait3A_143] : memref<10240x128xf32, #tpu.memory_space<hbm>> -> memref<640x128xf32, #tpu.memory_space<hbm>>
        %dma_wait3A_145 = arith.constant 0 : i32
        %dma_wait3A_146 = tpu.memref_slice %arg7[%multiple_of3A, %dma_wait3A_145] : memref<10240x128xf32, #tpu.memory_space<vmem_shared>> -> memref<640x128xf32, #tpu.memory_space<vmem_shared>>
        tpu.wait_dma2 semaphore(%run_scoped3A : memref<!tpu.dma_semaphore, #tpu.memory_space<semaphore_mem>>) src(%dma_wait3A_146 : memref<640x128xf32, #tpu.memory_space<vmem_shared>>) dst(%dma_wait3A_144 : memref<640x128xf32, #tpu.memory_space<hbm>>)
        tpu.yield
      }) : () -> ()
    } else {
    }
    return
  }
}

module attributes {stable_mosaic.version = 14 : i64} {
  func.func @_add_body(%arg0: i32, %arg1: memref<2000x128xf32, #tpu.memory_space<vmem>>, %arg2: memref<2000x128xf32, #tpu.memory_space<vmem>>, %arg3: memref<2000x128xf32, #tpu.memory_space<vmem>>) attributes {dimension_semantics = [#tpu.dimension_semantics<arbitrary>], iteration_bounds = array<i64: 5>, scalar_prefetch = 0 : i64, scratch_operands = 0 : i64, tpu.core_type = #tpu.core_type<tc>, window_params = [{transform_indices = @transform_0, window_bounds = array<i64: 2000, 128>}, {transform_indices = @transform_1, window_bounds = array<i64: 2000, 128>}, {transform_indices = @transform_2, window_bounds = array<i64: 2000, 128>}]} {
    %get3A = arith.constant 0 : index
    %get3A_0 = arith.constant 0 : index
    %get3A_1 = vector.load %arg1[%get3A, %get3A_0] : memref<2000x128xf32, #tpu.memory_space<vmem>>, vector<2000x128xf32>
    %get3A_2 = arith.constant 0 : index
    %get3A_3 = arith.constant 0 : index
    %get3A_4 = vector.load %arg2[%get3A_2, %get3A_3] : memref<2000x128xf32, #tpu.memory_space<vmem>>, vector<2000x128xf32>
    %add3A = arith.addf %get3A_1, %get3A_4 : vector<2000x128xf32>
    %swap3A = arith.constant 0 : index
    %swap3A_5 = arith.constant 0 : index
    %swap3A_6 = vector.load %arg3[%swap3A, %swap3A_5] : memref<2000x128xf32, #tpu.memory_space<vmem>>, vector<2000x128xf32>
    tpu.vector_store %arg3[%swap3A, %swap3A_5], %add3A {strides = array<i32>} : memref<2000x128xf32, #tpu.memory_space<vmem>>, vector<2000x128xf32>,
    return
  }
  func.func @transform_0(%arg0: i32) -> (i32, i32) {
    %c0_i32 = arith.constant 0 : i32
    %c0_i32_0 = arith.constant 0 : i32
    return %arg0, %c0_i32 : i32, i32
  }
  func.func @transform_1(%arg0: i32) -> (i32, i32) {
    %c0_i32 = arith.constant 0 : i32
    %c0_i32_0 = arith.constant 0 : i32
    return %arg0, %c0_i32 : i32, i32
  }
  func.func @transform_2(%arg0: i32) -> (i32, i32) {
    %c0_i32 = arith.constant 0 : i32
    %c0_i32_0 = arith.constant 0 : i32
    return %arg0, %c0_i32 : i32, i32
  }
}

module attributes {stable_mosaic.version = 14 : i64} {
  func.func @_mm_body(%arg0: memref<128x128xf32, #tpu.memory_space<vmem>>, %arg1: memref<128x128xf32, #tpu.memory_space<vmem>>, %arg2: memref<128x128xf32, #tpu.memory_space<vmem>>) attributes {dimension_semantics = [], scalar_prefetch = 0 : i64, scratch_operands = 0 : i64, tpu.core_type = #tpu.core_type<tc>} {
    %get3A = arith.constant 0 : index
    %get3A_0 = arith.constant 0 : index
    %get3A_1 = vector.load %arg0[%get3A, %get3A_0] : memref<128x128xf32, #tpu.memory_space<vmem>>, vector<128x128xf32>
    %get3A_2 = arith.constant 0 : index
    %get3A_3 = arith.constant 0 : index
    %get3A_4 = vector.load %arg1[%get3A_2, %get3A_3] : memref<128x128xf32, #tpu.memory_space<vmem>>, vector<128x128xf32>
    %dot_general3A = arith.constant dense<0.000000e+00> : vector<128x128xf32>
    %dot_general3A_5 = tpu.matmul %get3A_1, %get3A_4, %dot_general3A {dimension_numbers = #tpu.dot_dimension_numbers<[1], [0], [0], [1], [0, 0, 1, 1], [], []>, transpose_lhs_hint = false} : vector<128x128xf32>, vector<128x128xf32>, vector<128x128xf32> -> vector<128x128xf32>
    %swap3A = arith.constant 0 : index
    %swap3A_6 = arith.constant 0 : index
    %swap3A_7 = vector.load %arg2[%swap3A, %swap3A_6] : memref<128x128xf32, #tpu.memory_space<vmem>>, vector<128x128xf32>
    tpu.vector_store %arg2[%swap3A, %swap3A_6], %dot_general3A_5 {strides = array<i32>} : memref<128x128xf32, #tpu.memory_space<vmem>>, vector<128x128xf32>,
    return
  }
}

module attributes {stable_mosaic.version = 14 : i64} {
  func.func @_final_body(%arg0: i32, %arg1: memref<2000x128xf32, #tpu.memory_space<vmem>>, %arg2: memref<2000x128xf32, #tpu.memory_space<vmem>>, %arg3: memref<128x128xf32, #tpu.memory_space<vmem>>, %arg4: memref<2000x128xf32, #tpu.memory_space<vmem>>) attributes {dimension_semantics = [#tpu.dimension_semantics<arbitrary>], iteration_bounds = array<i64: 5>, scalar_prefetch = 0 : i64, scratch_operands = 0 : i64, tpu.core_type = #tpu.core_type<tc>, window_params = [{transform_indices = @transform_0, window_bounds = array<i64: 2000, 128>}, {transform_indices = @transform_1, window_bounds = array<i64: 2000, 128>}, {pipeline_mode = #tpu.pipeline_mode<synchronous>, transform_indices = @transform_2, window_bounds = array<i64: 128, 128>}, {transform_indices = @transform_3, window_bounds = array<i64: 2000, 128>}]} {
    %get3A = arith.constant 0 : index
    %get3A_0 = arith.constant 0 : index
    %get3A_1 = vector.load %arg1[%get3A, %get3A_0] : memref<2000x128xf32, #tpu.memory_space<vmem>>, vector<2000x128xf32>
    %get3A_2 = arith.constant 0 : index
    %get3A_3 = arith.constant 0 : index
    %get3A_4 = vector.load %arg2[%get3A_2, %get3A_3] : memref<2000x128xf32, #tpu.memory_space<vmem>>, vector<2000x128xf32>
    %add3A = arith.addf %get3A_1, %get3A_4 : vector<2000x128xf32>
    %get3A_5 = arith.constant 0 : index
    %get3A_6 = arith.constant 0 : index
    %get3A_7 = vector.load %arg3[%get3A_5, %get3A_6] : memref<128x128xf32, #tpu.memory_space<vmem>>, vector<128x128xf32>
    %dot_general3A = arith.constant dense<0.000000e+00> : vector<2000x128xf32>
    %dot_general3A_8 = tpu.matmul %add3A, %get3A_7, %dot_general3A {dimension_numbers = #tpu.dot_dimension_numbers<[1], [0], [0], [1], [0, 0, 1, 1], [], []>, transpose_lhs_hint = false} : vector<2000x128xf32>, vector<128x128xf32>, vector<2000x128xf32> -> vector<2000x128xf32>
    %reduce_max3A = arith.constant dense<0xFF800000> : vector<2000xf32>
    %reduce_max3A_9 = vector.multi_reduction <maximumf>, %dot_general3A_8, %reduce_max3A [1] : vector<2000x128xf32> to vector<2000xf32>
    %broadcast_in_dim3A = vector.shape_cast %reduce_max3A_9 : vector<2000xf32> to vector<2000x1xf32>
    %sub3A = vector.broadcast %broadcast_in_dim3A : vector<2000x1xf32> to vector<2000x128xf32>
    %sub3A_10 = arith.subf %dot_general3A_8, %sub3A : vector<2000x128xf32>
    %exp3A = math.exp %sub3A_10 : vector<2000x128xf32>
    %reduce_sum3A = arith.constant dense<0.000000e+00> : vector<2000xf32>
    %reduce_sum3A_11 = vector.multi_reduction <add>, %exp3A, %reduce_sum3A [1] : vector<2000x128xf32> to vector<2000xf32>
    %broadcast_in_dim3A_12 = vector.shape_cast %reduce_sum3A_11 : vector<2000xf32> to vector<2000x1xf32>
    %log3A = math.log %broadcast_in_dim3A_12 : vector<2000x1xf32>
    %sub3A_13 = vector.broadcast %broadcast_in_dim3A : vector<2000x1xf32> to vector<2000x128xf32>
    %sub3A_14 = arith.subf %dot_general3A_8, %sub3A_13 : vector<2000x128xf32>
    %sub3A_15 = vector.broadcast %log3A : vector<2000x1xf32> to vector<2000x128xf32>
    %sub3A_16 = arith.subf %sub3A_14, %sub3A_15 : vector<2000x128xf32>
    %swap3A = arith.constant 0 : index
    %swap3A_17 = arith.constant 0 : index
    %swap3A_18 = vector.load %arg4[%swap3A, %swap3A_17] : memref<2000x128xf32, #tpu.memory_space<vmem>>, vector<2000x128xf32>
    tpu.vector_store %arg4[%swap3A, %swap3A_17], %sub3A_16 {strides = array<i32>} : memref<2000x128xf32, #tpu.memory_space<vmem>>, vector<2000x128xf32>,
    return
  }
  func.func @transform_0(%arg0: i32) -> (i32, i32) {
    %c0_i32 = arith.constant 0 : i32
    %c0_i32_0 = arith.constant 0 : i32
    return %arg0, %c0_i32 : i32, i32
  }
  func.func @transform_1(%arg0: i32) -> (i32, i32) {
    %c0_i32 = arith.constant 0 : i32
    %c0_i32_0 = arith.constant 0 : i32
    return %arg0, %c0_i32 : i32, i32
  }
  func.func @transform_2(%arg0: i32) -> (i32, i32) {
    %c0_i32 = arith.constant 0 : i32
    %c0_i32_0 = arith.constant 0 : i32
    %c0_i32_1 = arith.constant 0 : i32
    return %c0_i32, %c0_i32_0 : i32, i32
  }
  func.func @transform_3(%arg0: i32) -> (i32, i32) {
    %c0_i32 = arith.constant 0 : i32
    %c0_i32_0 = arith.constant 0 : i32
    return %arg0, %c0_i32 : i32, i32
  }
}

</mosaic_0001>

<sc_bundles>
// kernel: kernel.10.cloned.1.call-start
scs
__scs_entry_jumppad:
0x0: {  	(pc) =	sbr.rel $0x88, $3  }
0x1: {  	(tag) =	ssettag $0x0;
	lr =	simm.s32 $0x1  }
0x2: {  	[smem:$0x3F9D] =	sst lr;
	_ =	strace $0xD0000000  }
0x3: {  	_ = 	snop  }
0x4: {  	_ = 	snop  }
0x5: {  	_ = 	snop  }
0x6: {  	_ = 	snop  }
0x7: {  	_ = 	snop  }
__scs_overlays_trampoline_lowered:
0x8: {  	[smem:$0x3FAC] =	sst s0  }
0x9: {  	[smem:$0x3FAD] =	sst s1  }
0xa: {  	[smem:$0x3FAE] =	sst s2  }
0xb: {  	[smem:$0x3FAF] =	sst s3  }
0xc: {  	[smem:$0x3FB0] =	sst s4  }
0xd: {  	[smem:$0x3FB1] =	sst s5  }
0xe: {  	[smem:$0x3FB2] =	sst s6  }
0xf: {  	[smem:$0x3FB3] =	sst s7  }
0x10: {  	[smem:$0x3FB4] =	sst s8  }
0x11: {  	[smem:$0x3FB5] =	sst s9;
	s0 =	simm.s32 @!p0 $0x0  }
0x12: {  	s1 =	sld [smem:$0x3F9B];
	s0 =	simm.s32 @p0 $0x1  }
0x13: {  	[smem:$0x3FB6] =	sst s0;
	s0 =	simm.s32 @!p1 $0x0  }
0x14: {  	s2 =	sld [smem:$0x3F9A];
	s0 =	simm.s32 @p1 $0x1  }
0x15: {  	[smem:$0x3FB7] =	sst s0;
	s0 =	simm.s32 @!p2 $0x0  }
0x16: {  	s3 =	sld [smem:$0x3FDB];
	s0 =	simm.s32 @p2 $0x1  }
0x17: {  	s4 =	simm.s32 $0x1BF5;
	[smem:$0x3FB9] =	sst s0  }
0x18: {  	s0 =	sld [smem:$0x3F9C];
	_ =	swait.ge [sflag:s4], $0x0  }
0x19: {  	s7 =	sld [smem:$0x3F9D]  }
0x1a: {  	s8 =	sadd.s32 $0xFFFFE003, lr  }
0x1b: {  	s9 =	sadd.s32 $0xFFFFFEF7, lr;
	s5 =	simm.s32 $0xFFFFFFFF;
	p2 =	slt.u32 s8, $0xFFFFF086  }
0x1c: {  	p1 =	slt.u32 s9, $0xF7A;
	s5 =	simm.s32 @!p2 $0x0  }
0x1d: {  	s5 =	simm.s32 @p1 $0x1;
	p0 =	seq.s32 s7, s2  }
0x1e: {  	s7 =	smul.u32 @!p0 $0xF7A, s2;
	p2 =	seq.s32 @!p0 s5, $0x0  }
0x1f: {  	s9 =	smul.u32 $0xF7A, s1;
	s8 =	simm.s32 @!p0 $0x1BF5;
	p2 =	por !p2, p0  }
0x20: {  	[sflag:s8] =	ssyncset.s32 @!p0 $0xFFFFF086;
	s6 =	sadd.s32 @!p0 s3, s7;
	s7 =	simm.s32 @!p0 $0x108  }
0x21: {  	s3 =	sadd.s32 s3, s9;
	s6 =	sadd.s32 @!p0 $0x88, s6;
	s7 =	simm.s32 @p2 $0x1082  }
0x22: {  	[simem:s7], [sflag:s8] =	dma.local @!p0 [hbm:s6], $0xF7A  }
0x23: {  	s9 =	sor.u32 $0xD0000000, s2;
	s6 =	simm.s32 $0x108;
	_ =	swait.ge @!p0 [sflag:s8], $0x0  }
0x24: {  	s3 =	sadd.s32 $0x88, s3;
	s6 =	simm.s32 @!p1 $0x1082;
	[sflag:s4] =	ssyncset.s32 $0xFFFFF086  }
0x25: {  	[simem:s6], [sflag:s4] =	dma.local [hbm:s3], $0xF7A  }
0x26: {  	[smem:$0x3F9D] =	sst s1;
	(tag) =	ssettag s2;
	_ =	strace s9  }
0x27: {  	s1 =	sld [smem:$0x3FAD]  }
0x28: {  	s2 =	sld [smem:$0x3FAE]  }
0x29: {  	s4 =	sld [smem:$0x3FB0]  }
0x2a: {  	p0 =	seq.s32 s5, $0x0;
	s5 =	sld [smem:$0x3FB1]  }
0x2b: {  	s6 =	sld [smem:$0x3FB2]  }
0x2c: {  	s7 =	sld [smem:$0x3FB3]  }
0x2d: {  	s3 =	simm.s32 $0x108;
	s8 =	sld [smem:$0x3FB4]  }
0x2e: {  	s3 =	simm.s32 @!p0 $0x1082;
	s9 =	sld [smem:$0x3FB5]  }
0x2f: {  	lr =	sadd.s32 s0, s3;
	s0 =	sld [smem:$0x3FAC]  }
0x30: {  	s3 =	sld [smem:$0x3FAF]  }
0x31: {  	[smem:$0x3FB8] =	sst s10  }
0x32: {  	s10 =	sld [smem:$0x3FB6];
	_ =	sdelay $0x3  }
0x33: {  	p0 =	seq.s32 s10, $0x1;
	s10 =	sld [smem:$0x3FB8];
	_ =	sdelay $0x3  }
0x34: {  	[smem:$0x3FB8] =	sst s10  }
0x35: {  	s10 =	sld [smem:$0x3FB7];
	_ =	sdelay $0x3  }
0x36: {  	p1 =	seq.s32 s10, $0x1;
	s10 =	sld [smem:$0x3FB8];
	_ =	sdelay $0x3  }
0x37: {  	[smem:$0x3FB8] =	sst s10  }
0x38: {  	s10 =	sld [smem:$0x3FB9]  }
0x39: {  	_ = 	snop;
	(pc) =	sbr.ind lr, $3  }
0x3a: {  	_ = 	snop  }
0x3b: {  	_ = 	snop  }
0x3c: {  	p2 =	seq.s32 s10, $0x1;
	s10 =	sld [smem:$0x3FB8]  }
0x3d: {  	_ =	shalt  }
0x3e: {  	_ =	shalt  }
0x3f: {  	_ =	shalt  }
0x40: {  	_ =	shalt  }
0x41: {  	_ =	shalt  }
0x42: {  	_ =	shalt  }
0x43: {  	_ =	shalt  }
0x44: {  	_ =	shalt  }
0x45: {  	_ =	shalt  }
0x46: {  	_ =	shalt  }
0x47: {  	_ =	shalt  }
0x48: {  	_ =	shalt  }
0x49: {  	_ =	shalt  }
0x4a: {  	_ =	shalt  }
0x4b: {  	_ =	shalt  }
0x4c: {  	_ =	shalt  }
0x4d: {  	_ =	shalt  }
0x4e: {  	_ =	shalt  }
0x4f: {  	_ =	shalt  }
0x50: {  	_ =	shalt  }
0x51: {  	_ =	shalt  }
0x52: {  	_ =	shalt  }
0x53: {  	_ =	shalt  }
0x54: {  	_ =	shalt  }
0x55: {  	_ =	shalt  }
0x56: {  	_ =	shalt  }
0x57: {  	_ =	shalt  }
0x58: {  	_ =	shalt  }
0x59: {  	_ =	shalt  }
0x5a: {  	_ =	shalt  }
0x5b: {  	_ =	shalt  }
0x5c: {  	_ =	shalt  }
0x5d: {  	_ =	shalt  }
0x5e: {  	_ =	shalt  }
0x5f: {  	_ =	shalt  }
0x60: {  	_ =	shalt  }
0x61: {  	_ =	shalt  }
0x62: {  	_ =	shalt  }
0x63: {  	_ =	shalt  }
0x64: {  	_ =	shalt  }
0x65: {  	_ =	shalt  }
0x66: {  	_ =	shalt  }
0x67: {  	_ =	shalt  }
0x68: {  	_ =	shalt  }
0x69: {  	_ =	shalt  }
0x6a: {  	_ =	shalt  }
0x6b: {  	_ =	shalt  }
0x6c: {  	_ =	shalt  }
0x6d: {  	_ =	shalt  }
0x6e: {  	_ =	shalt  }
0x6f: {  	_ =	shalt  }
0x70: {  	_ =	shalt  }
0x71: {  	_ =	shalt  }
0x72: {  	_ =	shalt  }
0x73: {  	_ =	shalt  }
0x74: {  	_ =	shalt  }
0x75: {  	_ =	shalt  }
0x76: {  	_ =	shalt  }
0x77: {  	_ =	shalt  }
0x78: {  	_ =	shalt  }
0x79: {  	_ =	shalt  }
0x7a: {  	_ =	shalt  }
0x7b: {  	_ =	shalt  }
0x7c: {  	_ =	shalt  }
0x7d: {  	_ =	shalt  }
0x7e: {  	_ =	shalt  }
0x7f: {  	_ =	shalt  }
0x80: {  	_ =	shalt  }
0x81: {  	_ =	shalt  }
0x82: {  	_ =	shalt  }
0x83: {  	_ =	shalt  }
0x84: {  	_ =	shalt  }
0x85: {  	_ =	shalt  }
0x86: {  	_ =	shalt  }
0x87: {  	_ =	shalt  }
.Lfunc_end0:
.L_simem_size_0:
called_computation.1_lowered:
.L_overlay_start_0:
0x88: {  	s2 =	sld [smem:$0x3FD9]  }
0x89: {  	s3 =	sld [smem:$0x3FFE];
	_ =	sdelay $0x1  }
0x8a: {  	s1 =	srdreg.scid  }
0x8b: {  	s0 =	sand.u32 $0x1, s1  }
0x8c: {  	s17 =	sshll.u32 s0, $0xA;
	s2 =	sadd.s32 s3, s2  }
0x8d: {  	s2 =	sadd.s32 s2, s17  }
0x8e: {  	[smem:$0x3FC4] =	sst s2  }
0x8f: {  	_ = 	snop  }
0x90: {  	s2 =	sld [smem:$0x3FD0];
	(tm) =	ssettm $0x1  }
0x91: {  	s18 =	sld [smem:$0x3FFB];
	_ =	sdelay $0x3  }
0x92: {  	_ =	strace s18  }
0x93: {  	s3 =	sld [smem:$0x3FFC];
	_ =	sdelay $0x3  }
0x94: {  	_ =	strace s3  }
0x95: {  	s3 =	sld [smem:$0x3FFD];
	_ =	sdelay $0x3  }
0x96: {  	_ =	strace s3  }
0x97: {  	_ =	strace $0x8FFFFFFF  }
0x98: {  	s19 =	sld [smem:$0x3FDB];
	_ =	sdelay $0x1  }
0x99: {  	s4 =	simm.s32 $_scs_section_size  }
0x9a: {  	s5 =	simm.s32 $_size__tile_overlayer_lowered;
	s6 =	simm.s32 $_tile_overlayer_lowered  }
0x9b: {  	s22 =	simm.s32 $0x1BFF;
	s21 =	sshll.u32 s6, $0x1;
	s3 =	sadd.s32 s4, s19  }
0x9c: {  	s7 =	simm.s32 $0x0;
	s20 =	sshll.u32 s5, $0x1;
	s5 =	sadd.s32 s21, s3  }
0x9d: {  	[timem:s7], [sflag:s22] =	dma.local [hbm:s5], s20  }
0x9e: {  	_ =	swait.ge [sflag:s22], s20  }
0x9f: {  	s4 =	ssub.s32 $0x0, s20;
	[sflag:s22] =	ssyncset.done $0x0  }
0xa0: {  	[sflag:s22] =	ssyncadd.s32 s4;
	_ =	sdelay $0x1  }
0xa1: {  	s23 =	simm.s32 $0x1B8B  }
0xa2: {  	_ =	swait.ge [sflag:s23], $0x1  }
0xa3: {  	[sflag:s23] =	ssyncset.done $0x0  }
0xa4: {  	s25 =	simm.s32 $0x1B8E;
	s24 =	sld [smem:$0x3FFE];
	[sflag:s23] =	ssyncadd.s32 $0xFFFFFFFF  }
0xa5: {  	s26 =	simm.s32 $execute0_lowered;
	[smem:$0x3FD2] =	sst s25  }
0xa6: {  	s5 =	sshll.u32 s26, $0x1;
	_ =	strace $0x80000049;
	[dreg:$0x1] =	wrdreg $0xFFFFFFFF  }
0xa7: {  	s28 =	simm.s32 $_size_execute0_lowered;
	s3 =	sadd.s32 s3, s5;
	[dreg:$0x0] =	wrdreg $0x0  }
0xa8: {  	s5 =	sshll.u32 s28, $0x1;
	[dreg:$0x2] =	wrdreg s3  }
0xa9: {  	[dreg:$0x3] =	wrdreg s5  }
0xaa: {  	[dreg:$0x4] =	wrdreg $0xC0  }
0xab: {  	_ =	task [dreg:s7], $0x5FFFF  }
0xac: {  	[dreg:$0x1] =	wrdreg $0xFFFFFFFF  }
0xad: {  	[dreg:$0x0] =	wrdreg $0x60  }
0xae: {  	[dreg:$0x2] =	wrdreg s2  }
0xaf: {  	[dreg:$0x3] =	wrdreg s24  }
0xb0: {  	[dreg:$0x4] =	wrdreg $0x0  }
0xb1: {  	[dreg:$0x5] =	wrdreg $0x9  }
0xb2: {  	_ =	task.clear_ibuf [dreg:s7], $0x6FFFF;
	_ =	strace $0x90000049  }
0xb3: {  	s29 =	simm.s32 $0x9;
	_ =	strace $0x8000004B  }
0xb4: {  	_ =	swait.ge [sflag:s29], $0x1  }
0xb5: {  	[sflag:s29] =	ssyncadd.s32 $0xFFFFFFFF  }
0xb6: {  	_ =	strace $0x9000004B  }
0xb7: {  	_ =	sfence  }
0xb8: {  	s30 =	sld [smem:$0x0];
	_ =	sdelay $0x2  }
0xb9: {  	s31 =	sshll.u32 s1, $0xD;
	s1 =	sshrl.u32 s1, $0x2  }
0xba: {  	s3 =	sand.u32 $0x4000, s31;
	s1 =	sadd.s32 s1, s30  }
0xbb: {  	s0 =	sor.u32 s3, s0;
	s1 =	sshll.u32 s1, $0x11  }
0xbc: {  	s0 =	sor.u32 s1, s0  }
0xbd: {  	s0 =	sadd.s32 $0x8F2B, s0  }
0xbe: {  	[sflag:s0] =	ssyncadd.remote.s32 $0x1  }
0xbf: {  	_ =	sfence.sel $0xFFFF  }
0xc0: {  	[dreg:$0x0] =	wrdreg $0xFFFFFFFF;
	(pc) =	sbr.abs _section_cstart, $3  }
0xc1: {  	[dreg:$0x1] =	wrdreg $0xFFFFFFFF  }
0xc2: {  	_ =	task.clear_ibuf [dreg:s7], $0x2FFFF;
	_ =	strace $0x9FFFFFFF  }
0xc3: {  	(tm) =	ssettm $0x7FFFFFFF  }
tec
execute0_lowered:
.L_overlay_start_1:
0x0: {  	(tag) =	ssettag $0x1  }
0x1: {  	s26 =	rddreg [dreg:$0x0]  }
0x2: {  	s0 =	srdreg.scid;
	s2 =	rddreg [dreg:$0x1]  }
0x3: {  	s11 =	stileid.u32;
	s3 =	rddreg [dreg:$0x2]  }
0x4: {  	s30 =	simm.s32 $0x0;
	s31 =	simm.s32 $0x40;
	s28 =	simm.s32 $0x18800  }
0x5: {  	s29 =	simm.s32 $0x1E800;
	s0 =	sand.u32 $0x1, s0;
	s6 =	smul.u32 $0x50000, s11  }
0x6: {  	[smem:$0x7FF] =	sst s30;
	s9 =	sadd.s32 $0xB800, s2;
	s1 =	smul.u32 $0x2800, s11  }
0x7: {  	s4 =	sshll.u32 s0, $0x4;
	_ =	strace $0x8000004A;
	s8 =	ssub.s32 $0x2, s0  }
0x8: {  	s12 =	smul.u32 $0x28000, s0;
	p0 =	seq.s32 s0, $0x1;
	s6 =	sshrl.u32 s6, $0x2  }
0x9: {  	s0 =	simm.s32 $0x3D800;
	s5 =	sor.u32 s11, s4;
	s20 =	sadd.s32 s6, s3  }
0xa: {  	s10 =	sshrl.u32 s8, $0x1;
	s18 =	sadd.s32 $0x2000, s20;
	[dreg:$0x4] =	wrdreg s20  }
0xb: {  	s0 =	simm.s32 @!p0 $0x15800;
	s19 =	sadd.s32 $0x4000, s20;
	[dreg:$0x5] =	wrdreg s18  }
0xc: {  	s5 =	smul.u32 $0x2800, s5;
	s21 =	sadd.s32 $0x6000, s20;
	[dreg:$0x6] =	wrdreg s19  }
0xd: {  	s6 =	ssub.s32 s8, s10;
	s22 =	sadd.s32 $0x8000, s20;
	[dreg:$0x7] =	wrdreg s21  }
0xe: {  	s14 =	sadd.s32 s1, s12;
	s23 =	sadd.s32 $0xA000, s20;
	[dreg:$0x8] =	wrdreg s22  }
0xf: {  	s0 =	sadd.s32 s0, s2;
	s24 =	sadd.s32 $0xC000, s20;
	[dreg:$0x9] =	wrdreg s23  }
0x10: {  	s8 =	simm.s32 $0x1E980;
	s25 =	sadd.s32 $0xE000, s20;
	[dreg:$0xa] =	wrdreg s24  }
0x11: {  	s10 =	simm.s32 $0x5;
	s4 =	sadd.s32 $0x10000, s20;
	[dreg:$0xb] =	wrdreg s25  }
0x12: {  	s12 =	simm.s32 $0x6;
	s11 =	sadd.s32 $0x12000, s20;
	[dreg:$0xc] =	wrdreg s4  }
0x13: {  	s16 =	sor.u32 $0x180, s14;
	s0 =	sadd.s32 s0, s1;
	[dreg:$0xd] =	wrdreg s11  }
0x14: {  	s1 =	simm.s32 $0xC;
	s5 =	sshrl.u32 s5, $0x3;
	[dreg:$0x12] =	wrdreg s0  }
0x15: {  	s18 =	sshrl.u32 s16, $0x3;
	s19 =	sor.u32 $0x140, s14;
	s21 =	sor.u32 $0x100, s14  }
0x16: {  	s25 =	smax.u32 s6, $0x1;
	s6 =	simm.s32 $0x1E900;
	s11 =	simm.s32 $0x1  }
0x17: {  	s7 =	sadd.s32 s5, s2;
	s13 =	sadd.s32 s9, s5;
	s0 =	sadd.s32 s18, s9  }
0x18: {  	s2 =	sshrl.u32 s21, $0x3;
	s5 =	sor.u32 $0x1C0, s14;
	[dreg:$0x18] =	wrdreg s25  }
0x19: {  	s21 =	simm.s32 $0x16800;
	s14 =	simm.s32 $0x7;
	s18 =	simm.s32 $0x4  }
0x1a: {  	s25 =	simm.s32 $0xB;
	s7 =	sadd.s32 $0x1800, s7;
	[dreg:$0x13] =	wrdreg s0  }
0x1b: {  	s15 =	sadd.s32 $0x8, s13;
	s17 =	sadd.s32 $0x10, s13;
	[dreg:$0xf] =	wrdreg s13  }
0x1c: {  	s0 =	sshrl.u32 s19, $0x3;
	s22 =	sadd.s32 s2, s9;
	[dreg:$0xe] =	wrdreg s7  }
0x1d: {  	s23 =	sshrl.u32 s5, $0x3;
	s24 =	sadd.s32 $0x18, s13;
	[dreg:$0x10] =	wrdreg s15  }
0x1e: {  	s2 =	simm.s32 $0x1E880;
	s13 =	simm.s32 $0x2;
	[dreg:$0x11] =	wrdreg s17  }
0x1f: {  	s19 =	simm.s32 $0x9;
	s0 =	sadd.s32 s0, s9;
	[dreg:$0x15] =	wrdreg s22  }
0x20: {  	[dreg:$0x17] =	wrdreg s24;
	s22 =	simm.s32 $0xD;
	s7 =	simm.s32 $0x1A800  }
0x21: {  	s15 =	simm.s32 $0x3;
	s17 =	simm.s32 $0x8;
	s24 =	simm.s32 $0xA  }
0x22: {  	[dreg:$0x14] =	wrdreg s0;
	s0 =	sadd.s32 s23, s9;
	s23 =	simm.s32 $0x1E800  }
0x23: {  	v0 =	vimm.f32 $0.0e+00;
	s9 =	simm.s32 $0x1C800;
	[dreg:$0x16] =	wrdreg s0;
	s0 =	simm.s32 $0x0  }
.LBB2_1:
0x24: {  	[dreg:$0x19] =	wrdreg s0;
	s5 =	simm.s32 $0x0;
	s16 =	simm.s32 $0x200  }
.LBB2_2:
0x25: {  	p0 =	sne.s32 s16, $0x7E00;
	[tilespmem:s5+$0x16870] =	vst v0  }
0x26: {  	[tilespmem:s5+$0x16800] =	vst v0  }
0x27: {  	[tilespmem:s5+$0x16810] =	vst v0  }
.Ltmp0:
0x28: {  	[tilespmem:s5+$0x16820] =	vst v0;
	(pc) =	sbr.rel @p0 .LBB2_2-.Ltmp0, $4  }
0x29: {  	[tilespmem:s5+$0x16830] =	vst v0  }
0x2a: {  	[tilespmem:s5+$0x16840] =	vst v0  }
0x2b: {  	[tilespmem:s5+$0x16850] =	vst v0  }
0x2c: {  	[tilespmem:s5+$0x16860] =	vst v0;
	s5 =	sshra.s32 s16, $0x2;
	s16 =	sadd.s32 $0x200, s16  }
0x2d: {  	[tilespmem:s5+$0x16870] =	vst v0  }
0x2e: {  	[tilespmem:s5+$0x16800] =	vst v0  }
0x2f: {  	[tilespmem:s5+$0x16810] =	vst v0  }
0x30: {  	[tilespmem:s5+$0x16820] =	vst v0  }
0x31: {  	[tilespmem:s5+$0x16830] =	vst v0  }
0x32: {  	[tilespmem:s5+$0x16840] =	vst v0  }
0x33: {  	[tilespmem:s5+$0x16850] =	vst v0  }
0x34: {  	[tilespmem:s5+$0x16860] =	vst v0  }
0x35: {  	[spmem:s20] =	stream.linear.scatter [tilespmem:s21], [sflag:$0xD], $0x2000, $0x38;
	[tilespmem:$0x1EA00] =	vst v63  }
0x36: {  	_ =	swait.ge [sflag:s22], $0x2000  }
0x37: {  	[sflag:s22] =	ssyncset.done $0x0  }
0x38: {  	s0 =	rddreg [dreg:$0x5];
	[sflag:s22] =	ssyncadd.s32 $0xFFFFE000  }
0x39: {  	[spmem:s0] =	stream.linear.scatter [tilespmem:s21], [sflag:$0xD], $0x2000, $0x38;
	[tilespmem:$0x1EA00] =	vst v63  }
0x3a: {  	_ =	swait.ge [sflag:s22], $0x2000  }
0x3b: {  	[sflag:s22] =	ssyncset.done $0x0  }
0x3c: {  	s4 =	rddreg [dreg:$0x6];
	[sflag:s22] =	ssyncadd.s32 $0xFFFFE000  }
0x3d: {  	[spmem:s4] =	stream.linear.scatter [tilespmem:s21], [sflag:$0xD], $0x2000, $0x38;
	[tilespmem:$0x1EA00] =	vst v63  }
0x3e: {  	_ =	swait.ge [sflag:s22], $0x2000  }
0x3f: {  	[sflag:s22] =	ssyncset.done $0x0  }
0x40: {  	s16 =	rddreg [dreg:$0x7];
	[sflag:s22] =	ssyncadd.s32 $0xFFFFE000  }
0x41: {  	[spmem:s16] =	stream.linear.scatter [tilespmem:s21], [sflag:$0xD], $0x2000, $0x38;
	[tilespmem:$0x1EA00] =	vst v63  }
0x42: {  	_ =	swait.ge [sflag:s22], $0x2000  }
0x43: {  	[sflag:s22] =	ssyncset.done $0x0  }
0x44: {  	s20 =	rddreg [dreg:$0x8];
	[sflag:s22] =	ssyncadd.s32 $0xFFFFE000  }
0x45: {  	[spmem:s20] =	stream.linear.scatter [tilespmem:s21], [sflag:$0xD], $0x2000, $0x38;
	[tilespmem:$0x1EA00] =	vst v63  }
0x46: {  	_ =	swait.ge [sflag:s22], $0x2000  }
0x47: {  	[sflag:s22] =	ssyncset.done $0x0  }
0x48: {  	s0 =	rddreg [dreg:$0x9];
	[sflag:s22] =	ssyncadd.s32 $0xFFFFE000  }
0x49: {  	[spmem:s0] =	stream.linear.scatter [tilespmem:s21], [sflag:$0xD], $0x2000, $0x38;
	[tilespmem:$0x1EA00] =	vst v63  }
0x4a: {  	_ =	swait.ge [sflag:s22], $0x2000  }
0x4b: {  	[sflag:s22] =	ssyncset.done $0x0  }
0x4c: {  	s4 =	rddreg [dreg:$0xa];
	[sflag:s22] =	ssyncadd.s32 $0xFFFFE000  }
0x4d: {  	[spmem:s4] =	stream.linear.scatter [tilespmem:s21], [sflag:$0xD], $0x2000, $0x38;
	[tilespmem:$0x1EA00] =	vst v63  }
0x4e: {  	_ =	swait.ge [sflag:s22], $0x2000  }
0x4f: {  	[sflag:s22] =	ssyncset.done $0x0  }
0x50: {  	s16 =	rddreg [dreg:$0xb];
	[sflag:s22] =	ssyncadd.s32 $0xFFFFE000  }
0x51: {  	[spmem:s16] =	stream.linear.scatter [tilespmem:s21], [sflag:$0xD], $0x2000, $0x38;
	[tilespmem:$0x1EA00] =	vst v63  }
0x52: {  	_ =	swait.ge [sflag:s22], $0x2000  }
0x53: {  	[sflag:s22] =	ssyncset.done $0x0  }
0x54: {  	s20 =	rddreg [dreg:$0xc];
	[sflag:s22] =	ssyncadd.s32 $0xFFFFE000  }
0x55: {  	[spmem:s20] =	stream.linear.scatter [tilespmem:s21], [sflag:$0xD], $0x2000, $0x38;
	[tilespmem:$0x1EA00] =	vst v63  }
0x56: {  	_ =	swait.ge [sflag:s22], $0x2000  }
0x57: {  	[sflag:s22] =	ssyncset.done $0x0  }
0x58: {  	s0 =	rddreg [dreg:$0xd];
	[sflag:s22] =	ssyncadd.s32 $0xFFFFE000  }
0x59: {  	[spmem:s0] =	stream.linear.scatter [tilespmem:s21], [sflag:$0xD], $0x2000, $0x38;
	[tilespmem:$0x1EA00] =	vst v63  }
0x5a: {  	_ =	swait.ge [sflag:s22], $0x2000  }
0x5b: {  	[sflag:s22] =	ssyncset.done $0x0  }
0x5c: {  	[sflag:s22] =	ssyncadd.s32 $0xFFFFE000  }
0x5d: {  	[bflag:$0x0] =	sbarrier.arrive $0xFFFF  }
0x5e: {  	s5 =	simm.s32 $0x0;
	s4 =	simm.s32 $0x14000;
	s16 =	rddreg [dreg:$0xe]  }
0x5f: {  	[tilespmem:s4], [sflag:$0xD] =	stream.linear.gather [hbm4b:s16+s5], $0x2800, $0x38;
	[tilespmem:$0x1EA00] =	vst v63  }
0x60: {  	_ =	swait.ge [sflag:s22], $0x2800  }
0x61: {  	[sflag:s22] =	ssyncset.done $0x0  }
0x62: {  	s0 =	rddreg [dreg:$0xf];
	[sflag:s22] =	ssyncadd.s32 $0xFFFFD800  }
0x63: {  	[tilespmem:s23], [sflag:$0x5] =	stream.linear.gather [hbm4b:s0+s5], $0x40, $0x38;
	[tilespmem:$0x1EA00] =	vst v63  }
0x64: {  	_ = 	snop  }
0x65: {  	[tilespmem:s21], [sflag:$0x1] =	stream.indirect.gather [hbm4b:s26+s31], $0x80, s4, s31, $0xb8;
	[tilespmem:$0x1EA00] =	vst v63  }
0x66: {  	s4 =	rddreg [dreg:$0x10]  }
0x67: {  	[tilespmem:s2], [sflag:$0x6] =	stream.linear.gather [hbm4b:s4+s5], $0x40, $0x38;
	[tilespmem:$0x1EA00] =	vst v63  }
0x68: {  	s0 =	simm.s32 $0x14040  }
0x69: {  	[tilespmem:s28], [sflag:$0x2] =	stream.indirect.gather [hbm4b:s26+s31], $0x80, s0, s31, $0xb8;
	[tilespmem:$0x1EA00] =	vst v63  }
0x6a: {  	s20 =	rddreg [dreg:$0x11]  }
0x6b: {  	[tilespmem:s6], [sflag:$0x7] =	stream.linear.gather [hbm4b:s20+s5], $0x40, $0x38;
	[tilespmem:$0x1EA00] =	vst v63  }
0x6c: {  	s22 =	simm.s32 $0x14080  }
0x6d: {  	[tilespmem:s7], [sflag:$0x3] =	stream.indirect.gather [hbm4b:s26+s31], $0x80, s22, s31, $0xb8;
	[tilespmem:$0x1EA00] =	vst v63  }
0x6e: {  	s4 =	rddreg [dreg:$0x17]  }
0x6f: {  	[tilespmem:s8], [sflag:$0x8] =	stream.linear.gather [hbm4b:s4+s5], $0x40, $0x38;
	[tilespmem:$0x1EA00] =	vst v63  }
0x70: {  	s5 =	simm.s32 $0x140C0  }
0x71: {  	[tilespmem:s9], [sflag:$0x4] =	stream.indirect.gather [hbm4b:s26+s31], $0x80, s5, s31, $0xb8;
	[tilespmem:$0x1EA00] =	vst v63  }
0x72: {  	_ =	swait.ge [sflag:s10], $0x40  }
0x73: {  	[sflag:s10] =	ssyncset.done $0x0  }
0x74: {  	[sflag:s10] =	ssyncadd.s32 $0xFFFFFFC0  }
0x75: {  	_ =	swait.ge [sflag:s11], $0x2000  }
0x76: {  	[sflag:s11] =	ssyncset.done $0x0  }
0x77: {  	[sflag:s11] =	ssyncadd.s32 $0xFFFFE000  }
0x78: {  	[spmem:s3] =	stream.indirect.scatter.add.f32 [tilespmem:s21], [sflag:$0x9], $0x80, s23, s31, $0xb8;
	[tilespmem:$0x1EA00] =	vst v63  }
0x79: {  	_ =	swait.ge [sflag:s12], $0x40  }
0x7a: {  	[sflag:s12] =	ssyncset.done $0x0  }
0x7b: {  	[sflag:s12] =	ssyncadd.s32 $0xFFFFFFC0  }
0x7c: {  	_ =	swait.ge [sflag:s13], $0x2000  }
0x7d: {  	[sflag:s13] =	ssyncset.done $0x0  }
0x7e: {  	[sflag:s13] =	ssyncadd.s32 $0xFFFFE000  }
0x7f: {  	[spmem:s3] =	stream.indirect.scatter.add.f32 [tilespmem:s28], [sflag:$0xA], $0x80, s2, s31, $0xb8;
	[tilespmem:$0x1EA00] =	vst v63  }
0x80: {  	_ =	swait.ge [sflag:s14], $0x40  }
0x81: {  	[sflag:s14] =	ssyncset.done $0x0  }
0x82: {  	[sflag:s14] =	ssyncadd.s32 $0xFFFFFFC0  }
0x83: {  	_ =	swait.ge [sflag:s15], $0x2000  }
0x84: {  	[sflag:s15] =	ssyncset.done $0x0  }
0x85: {  	[sflag:s15] =	ssyncadd.s32 $0xFFFFE000  }
0x86: {  	[spmem:s3] =	stream.indirect.scatter.add.f32 [tilespmem:s7], [sflag:$0xB], $0x80, s6, s31, $0xb8;
	[tilespmem:$0x1EA00] =	vst v63  }
0x87: {  	_ =	swait.ge [sflag:s17], $0x40  }
0x88: {  	[sflag:s17] =	ssyncset.done $0x0  }
0x89: {  	[sflag:s17] =	ssyncadd.s32 $0xFFFFFFC0  }
0x8a: {  	_ =	swait.ge [sflag:s18], $0x2000  }
0x8b: {  	[sflag:s18] =	ssyncset.done $0x0  }
0x8c: {  	[sflag:s18] =	ssyncadd.s32 $0xFFFFE000  }
0x8d: {  	[spmem:s3] =	stream.indirect.scatter.add.f32 [tilespmem:s9], [sflag:$0xC], $0x80, s8, s31, $0xb8;
	[tilespmem:$0x1EA00] =	vst v63  }
0x8e: {  	_ =	swait.ge [sflag:s19], $0x2000  }
0x8f: {  	[sflag:s19] =	ssyncset.done $0x0  }
0x90: {  	s10 =	rddreg [dreg:$0x15];
	[sflag:s19] =	ssyncadd.s32 $0xFFFFE000  }
0x91: {  	[tilespmem:s23], [sflag:$0x5] =	stream.linear.gather [hbm4b:s10+s30], $0x40, $0x38;
	[tilespmem:$0x1EA00] =	vst v63  }
0x92: {  	s18 =	simm.s32 $0x14100  }
0x93: {  	[tilespmem:s21], [sflag:$0x1] =	stream.indirect.gather [hbm4b:s26+s31], $0x80, s18, s31, $0xb8;
	[tilespmem:$0x1EA00] =	vst v63  }
0x94: {  	s16 =	simm.s32 $0x141C0;
	_ =	swait.ge [sflag:s24], $0x2000  }
0x95: {  	s20 =	simm.s32 $0x400;
	s4 =	smov.u32 s3;
	[sflag:s24] =	ssyncset.done $0x0  }
0x96: {  	s11 =	simm.s32 $0x5;
	s19 =	rddreg [dreg:$0x14];
	[sflag:s24] =	ssyncadd.s32 $0xFFFFE000  }
0x97: {  	[tilespmem:s2], [sflag:$0x6] =	stream.linear.gather [hbm4b:s19+s30], $0x40, $0x38;
	[tilespmem:$0x1EA00] =	vst v63  }
0x98: {  	s12 =	simm.s32 $0x1;
	s3 =	smov.u32 s26;
	s23 =	simm.s32 $0x14140  }
0x99: {  	[tilespmem:s28], [sflag:$0x2] =	stream.indirect.gather [hbm4b:s3+s31], $0x80, s23, s31, $0xb8;
	[tilespmem:$0x1EA00] =	vst v63  }
0x9a: {  	s13 =	simm.s32 $0x6;
	s14 =	simm.s32 $0x2;
	_ =	swait.ge [sflag:s25], $0x2000  }
0x9b: {  	s15 =	simm.s32 $0x7;
	s17 =	simm.s32 $0x3;
	[sflag:s25] =	ssyncset.done $0x0  }
0x9c: {  	s18 =	simm.s32 $0x8;
	s24 =	rddreg [dreg:$0x13];
	[sflag:s25] =	ssyncadd.s32 $0xFFFFE000  }
0x9d: {  	[tilespmem:s6], [sflag:$0x7] =	stream.linear.gather [hbm4b:s24+s30], $0x40, $0x38;
	[tilespmem:$0x1EA00] =	vst v63  }
0x9e: {  	s21 =	sadd.s32 $0x20, s10;
	s10 =	simm.s32 $0x0;
	s25 =	simm.s32 $0x14180  }
0x9f: {  	[tilespmem:s7], [sflag:$0x3] =	stream.indirect.gather [hbm4b:s3+s31], $0x80, s25, s31, $0xb8;
	[tilespmem:$0x1EA00] =	vst v63  }
0xa0: {  	s26 =	smov.u32 s3;
	s5 =	sadd.s32 $0x20, s19;
	_ =	swait.ge [sflag:s1], $0x2000  }
0xa1: {  	s23 =	sadd.s32 $0x20, s24;
	[sflag:s1] =	ssyncset.done $0x0;
	s28 =	rddreg [dreg:$0x16]  }
0xa2: {  	s25 =	simm.s32 $0xB;
	[sflag:s1] =	ssyncadd.s32 $0xFFFFE000;
	s22 =	sadd.s32 $0x20, s28  }
0xa3: {  	[tilespmem:s8], [sflag:$0x8] =	stream.linear.gather [hbm4b:s28+s30], $0x40, $0x38;
	[tilespmem:$0x1EA00] =	vst v63  }
.LBB2_4:
0xa4: {  	s9 =	simm.s32 $0x1C800  }
0xa5: {  	[tilespmem:s9], [sflag:$0x4] =	stream.indirect.gather [hbm4b:s26+s31], $0x80, s16, s31, $0xb8;
	[tilespmem:$0x1EA00] =	vst v63  }
0xa6: {  	s28 =	smov.u32 s20;
	s16 =	smov.u32 s22  }
0xa7: {  	p0 =	sne.s32 s20, $0x9800;
	s20 =	sadd.s32 $0x400, s20;
	_ =	swait.ge [sflag:s11], $0x40  }
0xa8: {  	[sflag:s11] =	ssyncset.done $0x0  }
0xa9: {  	[sflag:s11] =	ssyncadd.s32 $0xFFFFFFC0  }
0xaa: {  	_ =	swait.ge [sflag:s12], $0x2000  }
0xab: {  	[sflag:s12] =	ssyncset.done $0x0  }
0xac: {  	s6 =	simm.s32 $0x1E800;
	s24 =	simm.s32 $0x16800;
	[sflag:s12] =	ssyncadd.s32 $0xFFFFE000  }
0xad: {  	[spmem:s4] =	stream.indirect.scatter.add.f32 [tilespmem:s24], [sflag:$0x9], $0x80, s6, s31, $0xb8;
	[tilespmem:$0x1EA00] =	vst v63  }
0xae: {  	_ =	swait.ge [sflag:s13], $0x40  }
0xaf: {  	[sflag:s13] =	ssyncset.done $0x0  }
0xb0: {  	[sflag:s13] =	ssyncadd.s32 $0xFFFFFFC0  }
0xb1: {  	_ =	swait.ge [sflag:s14], $0x2000  }
0xb2: {  	[sflag:s14] =	ssyncset.done $0x0  }
0xb3: {  	s8 =	simm.s32 $0x1E880;
	s19 =	simm.s32 $0x18800;
	[sflag:s14] =	ssyncadd.s32 $0xFFFFE000  }
0xb4: {  	[spmem:s4] =	stream.indirect.scatter.add.f32 [tilespmem:s19], [sflag:$0xA], $0x80, s8, s31, $0xb8;
	[tilespmem:$0x1EA00] =	vst v63  }
0xb5: {  	_ =	swait.ge [sflag:s15], $0x40  }
0xb6: {  	[sflag:s15] =	ssyncset.done $0x0  }
0xb7: {  	[sflag:s15] =	ssyncadd.s32 $0xFFFFFFC0  }
0xb8: {  	_ =	swait.ge [sflag:s17], $0x2000  }
0xb9: {  	[sflag:s17] =	ssyncset.done $0x0  }
0xba: {  	s2 =	simm.s32 $0x1A800;
	s30 =	simm.s32 $0x1E900;
	[sflag:s17] =	ssyncadd.s32 $0xFFFFE000  }
0xbb: {  	[spmem:s4] =	stream.indirect.scatter.add.f32 [tilespmem:s2], [sflag:$0xB], $0x80, s30, s31, $0xb8;
	[tilespmem:$0x1EA00] =	vst v63  }
0xbc: {  	_ =	swait.ge [sflag:s18], $0x40  }
0xbd: {  	[sflag:s18] =	ssyncset.done $0x0  }
0xbe: {  	s0 =	simm.s32 $0x4;
	[sflag:s18] =	ssyncadd.s32 $0xFFFFFFC0  }
0xbf: {  	_ =	swait.ge [sflag:s0], $0x2000  }
0xc0: {  	[sflag:s0] =	ssyncset.done $0x0  }
0xc1: {  	s7 =	simm.s32 $0x9;
	[sflag:s0] =	ssyncadd.s32 $0xFFFFE000;
	s0 =	simm.s32 $0x1E980  }
0xc2: {  	[spmem:s4] =	stream.indirect.scatter.add.f32 [tilespmem:s9], [sflag:$0xC], $0x80, s0, s31, $0xb8;
	[tilespmem:$0x1EA00] =	vst v63  }
0xc3: {  	_ =	swait.ge [sflag:s7], $0x2000  }
0xc4: {  	[sflag:s7] =	ssyncset.done $0x0  }
0xc5: {  	s28 =	sshra.s32 s28, $0x2;
	[sflag:s7] =	ssyncadd.s32 $0xFFFFE000  }
0xc6: {  	[tilespmem:s6], [sflag:$0x5] =	stream.linear.gather [hbm4b:s21+s10], $0x40, $0x38;
	[tilespmem:$0x1EA00] =	vst v63  }
0xc7: {  	s1 =	simm.s32 $0x16800;
	s26 =	sadd.s32 $0x14100, s28;
	s6 =	simm.s32 $0xA  }
0xc8: {  	[tilespmem:s24], [sflag:$0x1] =	stream.indirect.gather [hbm4b:s3+s31], $0x80, s26, s31, $0xb8;
	[tilespmem:$0x1EA00] =	vst v63  }
0xc9: {  	_ =	swait.ge [sflag:s6], $0x2000  }
0xca: {  	[sflag:s6] =	ssyncset.done $0x0  }
0xcb: {  	s7 =	simm.s32 $0x1E880;
	[sflag:s6] =	ssyncadd.s32 $0xFFFFE000  }
0xcc: {  	[tilespmem:s8], [sflag:$0x6] =	stream.linear.gather [hbm4b:s5+s10], $0x40, $0x38;
	[tilespmem:$0x1EA00] =	vst v63  }
0xcd: {  	s26 =	sadd.s32 $0x14140, s28;
	s24 =	simm.s32 $0x18800  }
0xce: {  	[tilespmem:s19], [sflag:$0x2] =	stream.indirect.gather [hbm4b:s3+s31], $0x80, s26, s31, $0xb8;
	[tilespmem:$0x1EA00] =	vst v63  }
0xcf: {  	_ =	swait.ge [sflag:s25], $0x2000  }
0xd0: {  	[sflag:s25] =	ssyncset.done $0x0  }
0xd1: {  	s6 =	simm.s32 $0x1E900;
	[sflag:s25] =	ssyncadd.s32 $0xFFFFE000  }
0xd2: {  	[tilespmem:s30], [sflag:$0x7] =	stream.linear.gather [hbm4b:s23+s10], $0x40, $0x38;
	[tilespmem:$0x1EA00] =	vst v63  }
0xd3: {  	s26 =	sadd.s32 $0x14180, s28  }
0xd4: {  	[tilespmem:s2], [sflag:$0x3] =	stream.indirect.gather [hbm4b:s3+s31], $0x80, s26, s31, $0xb8;
	[tilespmem:$0x1EA00] =	vst v63  }
0xd5: {  	s8 =	simm.s32 $0x1A800;
	s26 =	smov.u32 s3;
	s2 =	simm.s32 $0xC  }
.Ltmp1:
0xd6: {  	_ =	swait.ge [sflag:s2], $0x2000;
	(pc) =	sbr.rel @p0 .LBB2_4-.Ltmp1, $4  }
0xd7: {  	s22 =	sadd.s32 $0x20, s22;
	[sflag:s2] =	ssyncset.done $0x0  }
0xd8: {  	s9 =	simm.s32 $0x1E980;
	s21 =	sadd.s32 $0x20, s21;
	[sflag:s2] =	ssyncadd.s32 $0xFFFFE000  }
0xd9: {  	[tilespmem:s0], [sflag:$0x8] =	stream.linear.gather [hbm4b:s16+s10], $0x40, $0x38;
	[tilespmem:$0x1EA00] =	vst v63  }
0xda: {  	s5 =	sadd.s32 $0x20, s5;
	s23 =	sadd.s32 $0x20, s23;
	s16 =	sadd.s32 $0x141C0, s28  }
0xdb: {  	s3 =	simm.s32 $0x1C800  }
0xdc: {  	[tilespmem:s3], [sflag:$0x4] =	stream.indirect.gather [hbm4b:s26+s31], $0x80, s16, s31, $0xb8;
	[tilespmem:$0x1EA00] =	vst v63  }
0xdd: {  	_ =	swait.ge [sflag:s11], $0x40  }
0xde: {  	[sflag:s11] =	ssyncset.done $0x0  }
0xdf: {  	[sflag:s11] =	ssyncadd.s32 $0xFFFFFFC0  }
0xe0: {  	_ =	swait.ge [sflag:s12], $0x2000  }
0xe1: {  	[sflag:s12] =	ssyncset.done $0x0  }
0xe2: {  	[sflag:s12] =	ssyncadd.s32 $0xFFFFE000  }
0xe3: {  	[spmem:s4] =	stream.indirect.scatter.add.f32 [tilespmem:s1], [sflag:$0x9], $0x80, s29, s31, $0xb8;
	[tilespmem:$0x1EA00] =	vst v63  }
0xe4: {  	_ =	swait.ge [sflag:s13], $0x40  }
0xe5: {  	[sflag:s13] =	ssyncset.done $0x0  }
0xe6: {  	[sflag:s13] =	ssyncadd.s32 $0xFFFFFFC0  }
0xe7: {  	_ =	swait.ge [sflag:s14], $0x2000  }
0xe8: {  	[sflag:s14] =	ssyncset.done $0x0  }
0xe9: {  	[sflag:s14] =	ssyncadd.s32 $0xFFFFE000  }
0xea: {  	[spmem:s4] =	stream.indirect.scatter.add.f32 [tilespmem:s24], [sflag:$0xA], $0x80, s7, s31, $0xb8;
	[tilespmem:$0x1EA00] =	vst v63  }
0xeb: {  	_ =	swait.ge [sflag:s15], $0x40  }
0xec: {  	[sflag:s15] =	ssyncset.done $0x0  }
0xed: {  	[sflag:s15] =	ssyncadd.s32 $0xFFFFFFC0  }
0xee: {  	_ =	swait.ge [sflag:s17], $0x2000  }
0xef: {  	[sflag:s17] =	ssyncset.done $0x0  }
0xf0: {  	[sflag:s17] =	ssyncadd.s32 $0xFFFFE000  }
0xf1: {  	[spmem:s4] =	stream.indirect.scatter.add.f32 [tilespmem:s8], [sflag:$0xB], $0x80, s6, s31, $0xb8;
	[tilespmem:$0x1EA00] =	vst v63  }
0xf2: {  	_ =	swait.ge [sflag:s18], $0x40  }
0xf3: {  	[sflag:s18] =	ssyncset.done $0x0  }
0xf4: {  	s0 =	simm.s32 $0x4;
	[sflag:s18] =	ssyncadd.s32 $0xFFFFFFC0  }
0xf5: {  	_ =	swait.ge [sflag:s0], $0x2000  }
0xf6: {  	[sflag:s0] =	ssyncset.done $0x0  }
0xf7: {  	s20 =	simm.s32 $0x9;
	[sflag:s0] =	ssyncadd.s32 $0xFFFFE000  }
0xf8: {  	[spmem:s4] =	stream.indirect.scatter.add.f32 [tilespmem:s3], [sflag:$0xC], $0x80, s9, s31, $0xb8;
	[tilespmem:$0x1EA00] =	vst v63  }
0xf9: {  	_ =	swait.ge [sflag:s20], $0x2000  }
0xfa: {  	[sflag:s20] =	ssyncset.done $0x0  }
0xfb: {  	s21 =	simm.s32 $0xA;
	[sflag:s20] =	ssyncadd.s32 $0xFFFFE000  }
0xfc: {  	_ =	swait.ge [sflag:s21], $0x2000  }
0xfd: {  	[sflag:s21] =	ssyncset.done $0x0  }
0xfe: {  	[sflag:s21] =	ssyncadd.s32 $0xFFFFE000  }
0xff: {  	_ =	swait.ge [sflag:s25], $0x2000  }
0x100: {  	[sflag:s25] =	ssyncset.done $0x0  }
0x101: {  	s22 =	simm.s32 $0xC;
	[sflag:s25] =	ssyncadd.s32 $0xFFFFE000  }
0x102: {  	_ =	swait.ge [sflag:s22], $0x2000  }
0x103: {  	[sflag:s22] =	ssyncset.done $0x0  }
0x104: {  	s5 =	stileid.u32;
	s2 =	simm.s32 $0x1E880;
	[sflag:s22] =	ssyncadd.s32 $0xFFFFE000  }
0x105: {  	s28 =	simm.s32 $0x18800;
	s5 =	sshll.u32 s5, $0x6;
	[bflag:$0x0] =	sbarrier.arrive $0xFFFF  }
0x106: {  	s10 =	simm.s32 $0x5;
	s5 =	sor.u32 $0x1C0D, s5;
	s20 =	rddreg [dreg:$0x4]  }
0x107: {  	s22 =	simm.s32 $0xD;
	s21 =	rddreg [dreg:$0x12];
	s23 =	sshrl.u32 s20, $0x3  }
0x108: {  	[hbm:s21], [sflag:s5] =	dma.local [spmem:s23], $0x2800  }
0x109: {  	s19 =	simm.s32 $0x9;
	s30 =	simm.s32 $0x0;
	_ =	swait.ge [sflag:s22], $0x2800  }
0x10a: {  	s11 =	simm.s32 $0x1;
	s12 =	simm.s32 $0x6;
	s24 =	rddreg [dreg:$0x19]  }
0x10b: {  	s1 =	simm.s32 $0xC;
	s25 =	rddreg [dreg:$0x18];
	s0 =	sadd.s32 $0x1, s24  }
0x10c: {  	s13 =	simm.s32 $0x2;
	s14 =	simm.s32 $0x7;
	p0 =	sne.s32 s0, s25  }
.Ltmp2:
0x10d: {  	s7 =	simm.s32 $0x1A800;
	s15 =	simm.s32 $0x3;
	(pc) =	sbr.rel @p0 .LBB2_1-.Ltmp2, $4  }
0x10e: {  	s17 =	simm.s32 $0x8;
	s6 =	simm.s32 $0x1E900;
	s8 =	simm.s32 $0x1E980  }
0x10f: {  	s18 =	simm.s32 $0x4;
	s9 =	simm.s32 $0x1C800;
	s3 =	smov.u32 s4  }
0x110: {  	s21 =	simm.s32 $0x16800;
	s23 =	simm.s32 $0x1E800;
	[sflag:s22] =	ssyncset.done $0x0  }
0x111: {  	[sflag:s22] =	ssyncadd.s32 $0xFFFFD800;
	s24 =	simm.s32 $0xA;
	s25 =	simm.s32 $0xB  }
0x112: {  	_ =	sfence.sel $0x180000  }
0x113: {  	[bflag:$0x0] =	sbarrier.arrive $0xFFFF  }
0x114: {  	_ =	strace $0x9000004A  }
0x115: {  	s0 =	stileid.u32;
	[bflag:$0x2] =	sbarrier.arrive $0xFFFF  }
0x116: {  	p0 =	sne.s32 s0, $0x0;
	s0 =	rddreg [dreg:$0x3]  }
0x117: {  	s0 =	sadd.s32 @!p0 $0x100000, s0  }
0x118: {  	[sflag:s0] =	ssyncadd.tile.s32 @!p0 $0x1;
	_ =	shalt  }
.Lfunc_end2:
_tile_overlayer_lowered:
.L_overlay_start_2:
0x119: {  	(tag) =	ssettag $0x2  }
0x11a: {  	s0 =	rddreg [dreg:$0x0];
	s2 =	stileid.u32  }
0x11b: {  	s1 =	rddreg [dreg:$0x1];
	p0 =	sne.s32 s2, $0x0  }
0x11c: {  	s3 =	rddreg [dreg:$0x2];
	[bflag:$0x3] =	sbarrier.arrive $0xFFFF;
	s2 =	simm.s32 @!p0 $0x1C0D  }
0x11d: {  	[timem:s3], [sflag:s2] =	dma.local @!p0 [hbm:s0], s1  }
0x11e: {  	s0 =	simm.s32 @!p0 $0xD  }
0x11f: {  	_ =	swait.ge @!p0 [sflag:s0], s1  }
0x120: {  	s1 =	ssub.s32 @!p0 $0x0, s1;
	[sflag:s0] =	ssyncset.done @!p0 $0x0  }
0x121: {  	[sflag:s0] =	ssyncadd.s32 @!p0 s1  }
0x122: {  	[bflag:$0x3] =	sbarrier.arrive $0xFFFF  }
0x123: {  	_ =	shalt  }

// kernel: kernel.7.cloned.1.call-start
scs
__scs_entry_jumppad:
0x0: {  	(pc) =	sbr.rel $0x88, $3  }
0x1: {  	(tag) =	ssettag $0x0;
	lr =	simm.s32 $0x1  }
0x2: {  	[smem:$0x3F9D] =	sst lr;
	_ =	strace $0xD0000000  }
0x3: {  	_ = 	snop  }
0x4: {  	_ = 	snop  }
0x5: {  	_ = 	snop  }
0x6: {  	_ = 	snop  }
0x7: {  	_ = 	snop  }
__scs_overlays_trampoline_lowered:
0x8: {  	[smem:$0x3FAC] =	sst s0  }
0x9: {  	[smem:$0x3FAD] =	sst s1  }
0xa: {  	[smem:$0x3FAE] =	sst s2  }
0xb: {  	[smem:$0x3FAF] =	sst s3  }
0xc: {  	[smem:$0x3FB0] =	sst s4  }
0xd: {  	[smem:$0x3FB1] =	sst s5  }
0xe: {  	[smem:$0x3FB2] =	sst s6  }
0xf: {  	[smem:$0x3FB3] =	sst s7  }
0x10: {  	[smem:$0x3FB4] =	sst s8  }
0x11: {  	[smem:$0x3FB5] =	sst s9;
	s0 =	simm.s32 @!p0 $0x0  }
0x12: {  	s1 =	sld [smem:$0x3F9B];
	s0 =	simm.s32 @p0 $0x1  }
0x13: {  	[smem:$0x3FB6] =	sst s0;
	s0 =	simm.s32 @!p1 $0x0  }
0x14: {  	s2 =	sld [smem:$0x3F9A];
	s0 =	simm.s32 @p1 $0x1  }
0x15: {  	[smem:$0x3FB7] =	sst s0;
	s0 =	simm.s32 @!p2 $0x0  }
0x16: {  	s3 =	sld [smem:$0x3FDB];
	s0 =	simm.s32 @p2 $0x1  }
0x17: {  	s4 =	simm.s32 $0x1BF5;
	[smem:$0x3FB9] =	sst s0  }
0x18: {  	s0 =	sld [smem:$0x3F9C];
	_ =	swait.ge [sflag:s4], $0x0  }
0x19: {  	s7 =	sld [smem:$0x3F9D]  }
0x1a: {  	s8 =	sadd.s32 $0xFFFFE003, lr  }
0x1b: {  	s9 =	sadd.s32 $0xFFFFFEF7, lr;
	s5 =	simm.s32 $0xFFFFFFFF;
	p2 =	slt.u32 s8, $0xFFFFF086  }
0x1c: {  	p1 =	slt.u32 s9, $0xF7A;
	s5 =	simm.s32 @!p2 $0x0  }
0x1d: {  	s5 =	simm.s32 @p1 $0x1;
	p0 =	seq.s32 s7, s2  }
0x1e: {  	s7 =	smul.u32 @!p0 $0xF7A, s2;
	p2 =	seq.s32 @!p0 s5, $0x0  }
0x1f: {  	s9 =	smul.u32 $0xF7A, s1;
	s8 =	simm.s32 @!p0 $0x1BF5;
	p2 =	por !p2, p0  }
0x20: {  	[sflag:s8] =	ssyncset.s32 @!p0 $0xFFFFF086;
	s6 =	sadd.s32 @!p0 s3, s7;
	s7 =	simm.s32 @!p0 $0x108  }
0x21: {  	s3 =	sadd.s32 s3, s9;
	s6 =	sadd.s32 @!p0 $0x88, s6;
	s7 =	simm.s32 @p2 $0x1082  }
0x22: {  	[simem:s7], [sflag:s8] =	dma.local @!p0 [hbm:s6], $0xF7A  }
0x23: {  	s9 =	sor.u32 $0xD0000000, s2;
	s6 =	simm.s32 $0x108;
	_ =	swait.ge @!p0 [sflag:s8], $0x0  }
0x24: {  	s3 =	sadd.s32 $0x88, s3;
	s6 =	simm.s32 @!p1 $0x1082;
	[sflag:s4] =	ssyncset.s32 $0xFFFFF086  }
0x25: {  	[simem:s6], [sflag:s4] =	dma.local [hbm:s3], $0xF7A  }
0x26: {  	[smem:$0x3F9D] =	sst s1;
	(tag) =	ssettag s2;
	_ =	strace s9  }
0x27: {  	s1 =	sld [smem:$0x3FAD]  }
0x28: {  	s2 =	sld [smem:$0x3FAE]  }
0x29: {  	s4 =	sld [smem:$0x3FB0]  }
0x2a: {  	p0 =	seq.s32 s5, $0x0;
	s5 =	sld [smem:$0x3FB1]  }
0x2b: {  	s6 =	sld [smem:$0x3FB2]  }
0x2c: {  	s7 =	sld [smem:$0x3FB3]  }
0x2d: {  	s3 =	simm.s32 $0x108;
	s8 =	sld [smem:$0x3FB4]  }
0x2e: {  	s3 =	simm.s32 @!p0 $0x1082;
	s9 =	sld [smem:$0x3FB5]  }
0x2f: {  	lr =	sadd.s32 s0, s3;
	s0 =	sld [smem:$0x3FAC]  }
0x30: {  	s3 =	sld [smem:$0x3FAF]  }
0x31: {  	[smem:$0x3FB8] =	sst s10  }
0x32: {  	s10 =	sld [smem:$0x3FB6];
	_ =	sdelay $0x3  }
0x33: {  	p0 =	seq.s32 s10, $0x1;
	s10 =	sld [smem:$0x3FB8];
	_ =	sdelay $0x3  }
0x34: {  	[smem:$0x3FB8] =	sst s10  }
0x35: {  	s10 =	sld [smem:$0x3FB7];
	_ =	sdelay $0x3  }
0x36: {  	p1 =	seq.s32 s10, $0x1;
	s10 =	sld [smem:$0x3FB8];
	_ =	sdelay $0x3  }
0x37: {  	[smem:$0x3FB8] =	sst s10  }
0x38: {  	s10 =	sld [smem:$0x3FB9]  }
0x39: {  	_ = 	snop;
	(pc) =	sbr.ind lr, $3  }
0x3a: {  	_ = 	snop  }
0x3b: {  	_ = 	snop  }
0x3c: {  	p2 =	seq.s32 s10, $0x1;
	s10 =	sld [smem:$0x3FB8]  }
0x3d: {  	_ =	shalt  }
0x3e: {  	_ =	shalt  }
0x3f: {  	_ =	shalt  }
0x40: {  	_ =	shalt  }
0x41: {  	_ =	shalt  }
0x42: {  	_ =	shalt  }
0x43: {  	_ =	shalt  }
0x44: {  	_ =	shalt  }
0x45: {  	_ =	shalt  }
0x46: {  	_ =	shalt  }
0x47: {  	_ =	shalt  }
0x48: {  	_ =	shalt  }
0x49: {  	_ =	shalt  }
0x4a: {  	_ =	shalt  }
0x4b: {  	_ =	shalt  }
0x4c: {  	_ =	shalt  }
0x4d: {  	_ =	shalt  }
0x4e: {  	_ =	shalt  }
0x4f: {  	_ =	shalt  }
0x50: {  	_ =	shalt  }
0x51: {  	_ =	shalt  }
0x52: {  	_ =	shalt  }
0x53: {  	_ =	shalt  }
0x54: {  	_ =	shalt  }
0x55: {  	_ =	shalt  }
0x56: {  	_ =	shalt  }
0x57: {  	_ =	shalt  }
0x58: {  	_ =	shalt  }
0x59: {  	_ =	shalt  }
0x5a: {  	_ =	shalt  }
0x5b: {  	_ =	shalt  }
0x5c: {  	_ =	shalt  }
0x5d: {  	_ =	shalt  }
0x5e: {  	_ =	shalt  }
0x5f: {  	_ =	shalt  }
0x60: {  	_ =	shalt  }
0x61: {  	_ =	shalt  }
0x62: {  	_ =	shalt  }
0x63: {  	_ =	shalt  }
0x64: {  	_ =	shalt  }
0x65: {  	_ =	shalt  }
0x66: {  	_ =	shalt  }
0x67: {  	_ =	shalt  }
0x68: {  	_ =	shalt  }
0x69: {  	_ =	shalt  }
0x6a: {  	_ =	shalt  }
0x6b: {  	_ =	shalt  }
0x6c: {  	_ =	shalt  }
0x6d: {  	_ =	shalt  }
0x6e: {  	_ =	shalt  }
0x6f: {  	_ =	shalt  }
0x70: {  	_ =	shalt  }
0x71: {  	_ =	shalt  }
0x72: {  	_ =	shalt  }
0x73: {  	_ =	shalt  }
0x74: {  	_ =	shalt  }
0x75: {  	_ =	shalt  }
0x76: {  	_ =	shalt  }
0x77: {  	_ =	shalt  }
0x78: {  	_ =	shalt  }
0x79: {  	_ =	shalt  }
0x7a: {  	_ =	shalt  }
0x7b: {  	_ =	shalt  }
0x7c: {  	_ =	shalt  }
0x7d: {  	_ =	shalt  }
0x7e: {  	_ =	shalt  }
0x7f: {  	_ =	shalt  }
0x80: {  	_ =	shalt  }
0x81: {  	_ =	shalt  }
0x82: {  	_ =	shalt  }
0x83: {  	_ =	shalt  }
0x84: {  	_ =	shalt  }
0x85: {  	_ =	shalt  }
0x86: {  	_ =	shalt  }
0x87: {  	_ =	shalt  }
.Lfunc_end0:
.L_simem_size_0:
called_computation_lowered:
.L_overlay_start_0:
0x88: {  	s2 =	sld [smem:$0x3FD9]  }
0x89: {  	s3 =	sld [smem:$0x3FFE];
	_ =	sdelay $0x1  }
0x8a: {  	s1 =	srdreg.scid  }
0x8b: {  	s0 =	sand.u32 $0x1, s1  }
0x8c: {  	s17 =	sshll.u32 s0, $0xA;
	s2 =	sadd.s32 s3, s2  }
0x8d: {  	s2 =	sadd.s32 s2, s17  }
0x8e: {  	[smem:$0x3FC4] =	sst s2  }
0x8f: {  	_ = 	snop  }
0x90: {  	s2 =	sld [smem:$0x3FC9];
	(tm) =	ssettm $0x1  }
0x91: {  	s18 =	sld [smem:$0x3FFB];
	_ =	sdelay $0x3  }
0x92: {  	_ =	strace s18  }
0x93: {  	s3 =	sld [smem:$0x3FFC];
	_ =	sdelay $0x3  }
0x94: {  	_ =	strace s3  }
0x95: {  	s3 =	sld [smem:$0x3FFD];
	_ =	sdelay $0x3  }
0x96: {  	_ =	strace s3  }
0x97: {  	_ =	strace $0x8FFFFFFF  }
0x98: {  	s19 =	sld [smem:$0x3FDB];
	_ =	sdelay $0x1  }
0x99: {  	s4 =	simm.s32 $_scs_section_size  }
0x9a: {  	s5 =	simm.s32 $_size__tile_overlayer_lowered;
	s6 =	simm.s32 $_tile_overlayer_lowered  }
0x9b: {  	s22 =	simm.s32 $0x1BFF;
	s21 =	sshll.u32 s6, $0x1;
	s3 =	sadd.s32 s4, s19  }
0x9c: {  	s7 =	simm.s32 $0x0;
	s20 =	sshll.u32 s5, $0x1;
	s5 =	sadd.s32 s21, s3  }
0x9d: {  	[timem:s7], [sflag:s22] =	dma.local [hbm:s5], s20  }
0x9e: {  	_ =	swait.ge [sflag:s22], s20  }
0x9f: {  	s4 =	ssub.s32 $0x0, s20;
	[sflag:s22] =	ssyncset.done $0x0  }
0xa0: {  	[sflag:s22] =	ssyncadd.s32 s4;
	_ =	sdelay $0x1  }
0xa1: {  	s23 =	simm.s32 $0x1B8B  }
0xa2: {  	_ =	swait.ge [sflag:s23], $0x1  }
0xa3: {  	[sflag:s23] =	ssyncset.done $0x0  }
0xa4: {  	s25 =	simm.s32 $0x1B8E;
	s24 =	sld [smem:$0x3FFE];
	[sflag:s23] =	ssyncadd.s32 $0xFFFFFFFF  }
0xa5: {  	s26 =	simm.s32 $execute0_lowered;
	[smem:$0x3FD2] =	sst s25  }
0xa6: {  	s5 =	sshll.u32 s26, $0x1;
	_ =	strace $0x80000046;
	[dreg:$0x1] =	wrdreg $0xFFFFFFFF  }
0xa7: {  	s28 =	simm.s32 $_size_execute0_lowered;
	s3 =	sadd.s32 s3, s5;
	[dreg:$0x0] =	wrdreg $0x0  }
0xa8: {  	s5 =	sshll.u32 s28, $0x1;
	[dreg:$0x2] =	wrdreg s3  }
0xa9: {  	[dreg:$0x3] =	wrdreg s5  }
0xaa: {  	[dreg:$0x4] =	wrdreg $0xC0  }
0xab: {  	_ =	task [dreg:s7], $0x5FFFF  }
0xac: {  	[dreg:$0x1] =	wrdreg $0xFFFFFFFF  }
0xad: {  	[dreg:$0x0] =	wrdreg $0x60  }
0xae: {  	[dreg:$0x2] =	wrdreg s2  }
0xaf: {  	[dreg:$0x3] =	wrdreg s24  }
0xb0: {  	[dreg:$0x4] =	wrdreg $0x0  }
0xb1: {  	[dreg:$0x5] =	wrdreg $0x9  }
0xb2: {  	_ =	task.clear_ibuf [dreg:s7], $0x6FFFF;
	_ =	strace $0x90000046  }
0xb3: {  	s29 =	simm.s32 $0x9;
	_ =	strace $0x80000048  }
0xb4: {  	_ =	swait.ge [sflag:s29], $0x1  }
0xb5: {  	[sflag:s29] =	ssyncadd.s32 $0xFFFFFFFF  }
0xb6: {  	_ =	strace $0x90000048  }
0xb7: {  	_ =	sfence  }
0xb8: {  	s30 =	sld [smem:$0x0];
	_ =	sdelay $0x2  }
0xb9: {  	s31 =	sshll.u32 s1, $0xD;
	s1 =	sshrl.u32 s1, $0x2  }
0xba: {  	s3 =	sand.u32 $0x4000, s31;
	s1 =	sadd.s32 s1, s30  }
0xbb: {  	s0 =	sor.u32 s3, s0;
	s1 =	sshll.u32 s1, $0x11  }
0xbc: {  	s0 =	sor.u32 s1, s0  }
0xbd: {  	s0 =	sadd.s32 $0x8F2B, s0  }
0xbe: {  	[sflag:s0] =	ssyncadd.remote.s32 $0x1  }
0xbf: {  	_ =	sfence.sel $0xFFFF  }
0xc0: {  	[dreg:$0x0] =	wrdreg $0xFFFFFFFF;
	(pc) =	sbr.abs _section_cstart, $3  }
0xc1: {  	[dreg:$0x1] =	wrdreg $0xFFFFFFFF  }
0xc2: {  	_ =	task.clear_ibuf [dreg:s7], $0x2FFFF;
	_ =	strace $0x9FFFFFFF  }
0xc3: {  	(tm) =	ssettm $0x7FFFFFFF  }
tec
execute0_lowered:
.L_overlay_start_1:
0x0: {  	(tag) =	ssettag $0x1  }
0x1: {  	s26 =	rddreg [dreg:$0x0]  }
0x2: {  	s0 =	srdreg.scid;
	s2 =	rddreg [dreg:$0x1]  }
0x3: {  	s11 =	stileid.u32;
	s3 =	rddreg [dreg:$0x2]  }
0x4: {  	s30 =	simm.s32 $0x0;
	s31 =	simm.s32 $0x40;
	s28 =	simm.s32 $0x18800  }
0x5: {  	s29 =	simm.s32 $0x1E800;
	s0 =	sand.u32 $0x1, s0;
	s6 =	smul.u32 $0x50000, s11  }
0x6: {  	[smem:$0x7FF] =	sst s30;
	s9 =	sadd.s32 $0xB800, s2;
	s1 =	smul.u32 $0x2800, s11  }
0x7: {  	s4 =	sshll.u32 s0, $0x4;
	_ =	strace $0x80000047;
	s8 =	ssub.s32 $0x2, s0  }
0x8: {  	s12 =	smul.u32 $0x28000, s0;
	p0 =	seq.s32 s0, $0x1;
	s6 =	sshrl.u32 s6, $0x2  }
0x9: {  	s0 =	simm.s32 $0x3D800;
	s5 =	sor.u32 s11, s4;
	s20 =	sadd.s32 s6, s3  }
0xa: {  	s10 =	sshrl.u32 s8, $0x1;
	s18 =	sadd.s32 $0x2000, s20;
	[dreg:$0x4] =	wrdreg s20  }
0xb: {  	s0 =	simm.s32 @!p0 $0x15800;
	s19 =	sadd.s32 $0x4000, s20;
	[dreg:$0x5] =	wrdreg s18  }
0xc: {  	s5 =	smul.u32 $0x2800, s5;
	s21 =	sadd.s32 $0x6000, s20;
	[dreg:$0x6] =	wrdreg s19  }
0xd: {  	s6 =	ssub.s32 s8, s10;
	s22 =	sadd.s32 $0x8000, s20;
	[dreg:$0x7] =	wrdreg s21  }
0xe: {  	s14 =	sadd.s32 s1, s12;
	s23 =	sadd.s32 $0xA000, s20;
	[dreg:$0x8] =	wrdreg s22  }
0xf: {  	s0 =	sadd.s32 s0, s2;
	s24 =	sadd.s32 $0xC000, s20;
	[dreg:$0x9] =	wrdreg s23  }
0x10: {  	s8 =	simm.s32 $0x1E980;
	s25 =	sadd.s32 $0xE000, s20;
	[dreg:$0xa] =	wrdreg s24  }
0x11: {  	s10 =	simm.s32 $0x5;
	s4 =	sadd.s32 $0x10000, s20;
	[dreg:$0xb] =	wrdreg s25  }
0x12: {  	s12 =	simm.s32 $0x6;
	s11 =	sadd.s32 $0x12000, s20;
	[dreg:$0xc] =	wrdreg s4  }
0x13: {  	s16 =	sor.u32 $0x180, s14;
	s0 =	sadd.s32 s0, s1;
	[dreg:$0xd] =	wrdreg s11  }
0x14: {  	s1 =	simm.s32 $0xC;
	s5 =	sshrl.u32 s5, $0x3;
	[dreg:$0x12] =	wrdreg s0  }
0x15: {  	s18 =	sshrl.u32 s16, $0x3;
	s19 =	sor.u32 $0x140, s14;
	s21 =	sor.u32 $0x100, s14  }
0x16: {  	s25 =	smax.u32 s6, $0x1;
	s6 =	simm.s32 $0x1E900;
	s11 =	simm.s32 $0x1  }
0x17: {  	s7 =	sadd.s32 s5, s2;
	s13 =	sadd.s32 s9, s5;
	s0 =	sadd.s32 s18, s9  }
0x18: {  	s2 =	sshrl.u32 s21, $0x3;
	s5 =	sor.u32 $0x1C0, s14;
	[dreg:$0x18] =	wrdreg s25  }
0x19: {  	s21 =	simm.s32 $0x16800;
	s14 =	simm.s32 $0x7;
	s18 =	simm.s32 $0x4  }
0x1a: {  	s25 =	simm.s32 $0xB;
	s7 =	sadd.s32 $0x1800, s7;
	[dreg:$0x13] =	wrdreg s0  }
0x1b: {  	s15 =	sadd.s32 $0x8, s13;
	s17 =	sadd.s32 $0x10, s13;
	[dreg:$0xf] =	wrdreg s13  }
0x1c: {  	s0 =	sshrl.u32 s19, $0x3;
	s22 =	sadd.s32 s2, s9;
	[dreg:$0xe] =	wrdreg s7  }
0x1d: {  	s23 =	sshrl.u32 s5, $0x3;
	s24 =	sadd.s32 $0x18, s13;
	[dreg:$0x10] =	wrdreg s15  }
0x1e: {  	s2 =	simm.s32 $0x1E880;
	s13 =	simm.s32 $0x2;
	[dreg:$0x11] =	wrdreg s17  }
0x1f: {  	s19 =	simm.s32 $0x9;
	s0 =	sadd.s32 s0, s9;
	[dreg:$0x15] =	wrdreg s22  }
0x20: {  	[dreg:$0x17] =	wrdreg s24;
	s22 =	simm.s32 $0xD;
	s7 =	simm.s32 $0x1A800  }
0x21: {  	s15 =	simm.s32 $0x3;
	s17 =	simm.s32 $0x8;
	s24 =	simm.s32 $0xA  }
0x22: {  	[dreg:$0x14] =	wrdreg s0;
	s0 =	sadd.s32 s23, s9;
	s23 =	simm.s32 $0x1E800  }
0x23: {  	v0 =	vimm.f32 $0.0e+00;
	s9 =	simm.s32 $0x1C800;
	[dreg:$0x16] =	wrdreg s0;
	s0 =	simm.s32 $0x0  }
.LBB2_1:
0x24: {  	[dreg:$0x19] =	wrdreg s0;
	s5 =	simm.s32 $0x0;
	s16 =	simm.s32 $0x200  }
.LBB2_2:
0x25: {  	p0 =	sne.s32 s16, $0x7E00;
	[tilespmem:s5+$0x16870] =	vst v0  }
0x26: {  	[tilespmem:s5+$0x16800] =	vst v0  }
0x27: {  	[tilespmem:s5+$0x16810] =	vst v0  }
.Ltmp0:
0x28: {  	[tilespmem:s5+$0x16820] =	vst v0;
	(pc) =	sbr.rel @p0 .LBB2_2-.Ltmp0, $4  }
0x29: {  	[tilespmem:s5+$0x16830] =	vst v0  }
0x2a: {  	[tilespmem:s5+$0x16840] =	vst v0  }
0x2b: {  	[tilespmem:s5+$0x16850] =	vst v0  }
0x2c: {  	[tilespmem:s5+$0x16860] =	vst v0;
	s5 =	sshra.s32 s16, $0x2;
	s16 =	sadd.s32 $0x200, s16  }
0x2d: {  	[tilespmem:s5+$0x16870] =	vst v0  }
0x2e: {  	[tilespmem:s5+$0x16800] =	vst v0  }
0x2f: {  	[tilespmem:s5+$0x16810] =	vst v0  }
0x30: {  	[tilespmem:s5+$0x16820] =	vst v0  }
0x31: {  	[tilespmem:s5+$0x16830] =	vst v0  }
0x32: {  	[tilespmem:s5+$0x16840] =	vst v0  }
0x33: {  	[tilespmem:s5+$0x16850] =	vst v0  }
0x34: {  	[tilespmem:s5+$0x16860] =	vst v0  }
0x35: {  	[spmem:s20] =	stream.linear.scatter [tilespmem:s21], [sflag:$0xD], $0x2000, $0x38;
	[tilespmem:$0x1EA00] =	vst v63  }
0x36: {  	_ =	swait.ge [sflag:s22], $0x2000  }
0x37: {  	[sflag:s22] =	ssyncset.done $0x0  }
0x38: {  	s0 =	rddreg [dreg:$0x5];
	[sflag:s22] =	ssyncadd.s32 $0xFFFFE000  }
0x39: {  	[spmem:s0] =	stream.linear.scatter [tilespmem:s21], [sflag:$0xD], $0x2000, $0x38;
	[tilespmem:$0x1EA00] =	vst v63  }
0x3a: {  	_ =	swait.ge [sflag:s22], $0x2000  }
0x3b: {  	[sflag:s22] =	ssyncset.done $0x0  }
0x3c: {  	s4 =	rddreg [dreg:$0x6];
	[sflag:s22] =	ssyncadd.s32 $0xFFFFE000  }
0x3d: {  	[spmem:s4] =	stream.linear.scatter [tilespmem:s21], [sflag:$0xD], $0x2000, $0x38;
	[tilespmem:$0x1EA00] =	vst v63  }
0x3e: {  	_ =	swait.ge [sflag:s22], $0x2000  }
0x3f: {  	[sflag:s22] =	ssyncset.done $0x0  }
0x40: {  	s16 =	rddreg [dreg:$0x7];
	[sflag:s22] =	ssyncadd.s32 $0xFFFFE000  }
0x41: {  	[spmem:s16] =	stream.linear.scatter [tilespmem:s21], [sflag:$0xD], $0x2000, $0x38;
	[tilespmem:$0x1EA00] =	vst v63  }
0x42: {  	_ =	swait.ge [sflag:s22], $0x2000  }
0x43: {  	[sflag:s22] =	ssyncset.done $0x0  }
0x44: {  	s20 =	rddreg [dreg:$0x8];
	[sflag:s22] =	ssyncadd.s32 $0xFFFFE000  }
0x45: {  	[spmem:s20] =	stream.linear.scatter [tilespmem:s21], [sflag:$0xD], $0x2000, $0x38;
	[tilespmem:$0x1EA00] =	vst v63  }
0x46: {  	_ =	swait.ge [sflag:s22], $0x2000  }
0x47: {  	[sflag:s22] =	ssyncset.done $0x0  }
0x48: {  	s0 =	rddreg [dreg:$0x9];
	[sflag:s22] =	ssyncadd.s32 $0xFFFFE000  }
0x49: {  	[spmem:s0] =	stream.linear.scatter [tilespmem:s21], [sflag:$0xD], $0x2000, $0x38;
	[tilespmem:$0x1EA00] =	vst v63  }
0x4a: {  	_ =	swait.ge [sflag:s22], $0x2000  }
0x4b: {  	[sflag:s22] =	ssyncset.done $0x0  }
0x4c: {  	s4 =	rddreg [dreg:$0xa];
	[sflag:s22] =	ssyncadd.s32 $0xFFFFE000  }
0x4d: {  	[spmem:s4] =	stream.linear.scatter [tilespmem:s21], [sflag:$0xD], $0x2000, $0x38;
	[tilespmem:$0x1EA00] =	vst v63  }
0x4e: {  	_ =	swait.ge [sflag:s22], $0x2000  }
0x4f: {  	[sflag:s22] =	ssyncset.done $0x0  }
0x50: {  	s16 =	rddreg [dreg:$0xb];
	[sflag:s22] =	ssyncadd.s32 $0xFFFFE000  }
0x51: {  	[spmem:s16] =	stream.linear.scatter [tilespmem:s21], [sflag:$0xD], $0x2000, $0x38;
	[tilespmem:$0x1EA00] =	vst v63  }
0x52: {  	_ =	swait.ge [sflag:s22], $0x2000  }
0x53: {  	[sflag:s22] =	ssyncset.done $0x0  }
0x54: {  	s20 =	rddreg [dreg:$0xc];
	[sflag:s22] =	ssyncadd.s32 $0xFFFFE000  }
0x55: {  	[spmem:s20] =	stream.linear.scatter [tilespmem:s21], [sflag:$0xD], $0x2000, $0x38;
	[tilespmem:$0x1EA00] =	vst v63  }
0x56: {  	_ =	swait.ge [sflag:s22], $0x2000  }
0x57: {  	[sflag:s22] =	ssyncset.done $0x0  }
0x58: {  	s0 =	rddreg [dreg:$0xd];
	[sflag:s22] =	ssyncadd.s32 $0xFFFFE000  }
0x59: {  	[spmem:s0] =	stream.linear.scatter [tilespmem:s21], [sflag:$0xD], $0x2000, $0x38;
	[tilespmem:$0x1EA00] =	vst v63  }
0x5a: {  	_ =	swait.ge [sflag:s22], $0x2000  }
0x5b: {  	[sflag:s22] =	ssyncset.done $0x0  }
0x5c: {  	[sflag:s22] =	ssyncadd.s32 $0xFFFFE000  }
0x5d: {  	[bflag:$0x0] =	sbarrier.arrive $0xFFFF  }
0x5e: {  	s5 =	simm.s32 $0x0;
	s4 =	simm.s32 $0x14000;
	s16 =	rddreg [dreg:$0xe]  }
0x5f: {  	[tilespmem:s4], [sflag:$0xD] =	stream.linear.gather [hbm4b:s16+s5], $0x2800, $0x38;
	[tilespmem:$0x1EA00] =	vst v63  }
0x60: {  	_ =	swait.ge [sflag:s22], $0x2800  }
0x61: {  	[sflag:s22] =	ssyncset.done $0x0  }
0x62: {  	s0 =	rddreg [dreg:$0xf];
	[sflag:s22] =	ssyncadd.s32 $0xFFFFD800  }
0x63: {  	[tilespmem:s23], [sflag:$0x5] =	stream.linear.gather [hbm4b:s0+s5], $0x40, $0x38;
	[tilespmem:$0x1EA00] =	vst v63  }
0x64: {  	_ = 	snop  }
0x65: {  	[tilespmem:s21], [sflag:$0x1] =	stream.indirect.gather [hbm4b:s26+s31], $0x80, s4, s31, $0xb8;
	[tilespmem:$0x1EA00] =	vst v63  }
0x66: {  	s4 =	rddreg [dreg:$0x10]  }
0x67: {  	[tilespmem:s2], [sflag:$0x6] =	stream.linear.gather [hbm4b:s4+s5], $0x40, $0x38;
	[tilespmem:$0x1EA00] =	vst v63  }
0x68: {  	s0 =	simm.s32 $0x14040  }
0x69: {  	[tilespmem:s28], [sflag:$0x2] =	stream.indirect.gather [hbm4b:s26+s31], $0x80, s0, s31, $0xb8;
	[tilespmem:$0x1EA00] =	vst v63  }
0x6a: {  	s20 =	rddreg [dreg:$0x11]  }
0x6b: {  	[tilespmem:s6], [sflag:$0x7] =	stream.linear.gather [hbm4b:s20+s5], $0x40, $0x38;
	[tilespmem:$0x1EA00] =	vst v63  }
0x6c: {  	s22 =	simm.s32 $0x14080  }
0x6d: {  	[tilespmem:s7], [sflag:$0x3] =	stream.indirect.gather [hbm4b:s26+s31], $0x80, s22, s31, $0xb8;
	[tilespmem:$0x1EA00] =	vst v63  }
0x6e: {  	s4 =	rddreg [dreg:$0x17]  }
0x6f: {  	[tilespmem:s8], [sflag:$0x8] =	stream.linear.gather [hbm4b:s4+s5], $0x40, $0x38;
	[tilespmem:$0x1EA00] =	vst v63  }
0x70: {  	s5 =	simm.s32 $0x140C0  }
0x71: {  	[tilespmem:s9], [sflag:$0x4] =	stream.indirect.gather [hbm4b:s26+s31], $0x80, s5, s31, $0xb8;
	[tilespmem:$0x1EA00] =	vst v63  }
0x72: {  	_ =	swait.ge [sflag:s10], $0x40  }
0x73: {  	[sflag:s10] =	ssyncset.done $0x0  }
0x74: {  	[sflag:s10] =	ssyncadd.s32 $0xFFFFFFC0  }
0x75: {  	_ =	swait.ge [sflag:s11], $0x2000  }
0x76: {  	[sflag:s11] =	ssyncset.done $0x0  }
0x77: {  	[sflag:s11] =	ssyncadd.s32 $0xFFFFE000  }
0x78: {  	[spmem:s3] =	stream.indirect.scatter.add.f32 [tilespmem:s21], [sflag:$0x9], $0x80, s23, s31, $0xb8;
	[tilespmem:$0x1EA00] =	vst v63  }
0x79: {  	_ =	swait.ge [sflag:s12], $0x40  }
0x7a: {  	[sflag:s12] =	ssyncset.done $0x0  }
0x7b: {  	[sflag:s12] =	ssyncadd.s32 $0xFFFFFFC0  }
0x7c: {  	_ =	swait.ge [sflag:s13], $0x2000  }
0x7d: {  	[sflag:s13] =	ssyncset.done $0x0  }
0x7e: {  	[sflag:s13] =	ssyncadd.s32 $0xFFFFE000  }
0x7f: {  	[spmem:s3] =	stream.indirect.scatter.add.f32 [tilespmem:s28], [sflag:$0xA], $0x80, s2, s31, $0xb8;
	[tilespmem:$0x1EA00] =	vst v63  }
0x80: {  	_ =	swait.ge [sflag:s14], $0x40  }
0x81: {  	[sflag:s14] =	ssyncset.done $0x0  }
0x82: {  	[sflag:s14] =	ssyncadd.s32 $0xFFFFFFC0  }
0x83: {  	_ =	swait.ge [sflag:s15], $0x2000  }
0x84: {  	[sflag:s15] =	ssyncset.done $0x0  }
0x85: {  	[sflag:s15] =	ssyncadd.s32 $0xFFFFE000  }
0x86: {  	[spmem:s3] =	stream.indirect.scatter.add.f32 [tilespmem:s7], [sflag:$0xB], $0x80, s6, s31, $0xb8;
	[tilespmem:$0x1EA00] =	vst v63  }
0x87: {  	_ =	swait.ge [sflag:s17], $0x40  }
0x88: {  	[sflag:s17] =	ssyncset.done $0x0  }
0x89: {  	[sflag:s17] =	ssyncadd.s32 $0xFFFFFFC0  }
0x8a: {  	_ =	swait.ge [sflag:s18], $0x2000  }
0x8b: {  	[sflag:s18] =	ssyncset.done $0x0  }
0x8c: {  	[sflag:s18] =	ssyncadd.s32 $0xFFFFE000  }
0x8d: {  	[spmem:s3] =	stream.indirect.scatter.add.f32 [tilespmem:s9], [sflag:$0xC], $0x80, s8, s31, $0xb8;
	[tilespmem:$0x1EA00] =	vst v63  }
0x8e: {  	_ =	swait.ge [sflag:s19], $0x2000  }
0x8f: {  	[sflag:s19] =	ssyncset.done $0x0  }
0x90: {  	s10 =	rddreg [dreg:$0x15];
	[sflag:s19] =	ssyncadd.s32 $0xFFFFE000  }
0x91: {  	[tilespmem:s23], [sflag:$0x5] =	stream.linear.gather [hbm4b:s10+s30], $0x40, $0x38;
	[tilespmem:$0x1EA00] =	vst v63  }
0x92: {  	s18 =	simm.s32 $0x14100  }
0x93: {  	[tilespmem:s21], [sflag:$0x1] =	stream.indirect.gather [hbm4b:s26+s31], $0x80, s18, s31, $0xb8;
	[tilespmem:$0x1EA00] =	vst v63  }
0x94: {  	s16 =	simm.s32 $0x141C0;
	_ =	swait.ge [sflag:s24], $0x2000  }
0x95: {  	s20 =	simm.s32 $0x400;
	s4 =	smov.u32 s3;
	[sflag:s24] =	ssyncset.done $0x0  }
0x96: {  	s11 =	simm.s32 $0x5;
	s19 =	rddreg [dreg:$0x14];
	[sflag:s24] =	ssyncadd.s32 $0xFFFFE000  }
0x97: {  	[tilespmem:s2], [sflag:$0x6] =	stream.linear.gather [hbm4b:s19+s30], $0x40, $0x38;
	[tilespmem:$0x1EA00] =	vst v63  }
0x98: {  	s12 =	simm.s32 $0x1;
	s3 =	smov.u32 s26;
	s23 =	simm.s32 $0x14140  }
0x99: {  	[tilespmem:s28], [sflag:$0x2] =	stream.indirect.gather [hbm4b:s3+s31], $0x80, s23, s31, $0xb8;
	[tilespmem:$0x1EA00] =	vst v63  }
0x9a: {  	s13 =	simm.s32 $0x6;
	s14 =	simm.s32 $0x2;
	_ =	swait.ge [sflag:s25], $0x2000  }
0x9b: {  	s15 =	simm.s32 $0x7;
	s17 =	simm.s32 $0x3;
	[sflag:s25] =	ssyncset.done $0x0  }
0x9c: {  	s18 =	simm.s32 $0x8;
	s24 =	rddreg [dreg:$0x13];
	[sflag:s25] =	ssyncadd.s32 $0xFFFFE000  }
0x9d: {  	[tilespmem:s6], [sflag:$0x7] =	stream.linear.gather [hbm4b:s24+s30], $0x40, $0x38;
	[tilespmem:$0x1EA00] =	vst v63  }
0x9e: {  	s21 =	sadd.s32 $0x20, s10;
	s10 =	simm.s32 $0x0;
	s25 =	simm.s32 $0x14180  }
0x9f: {  	[tilespmem:s7], [sflag:$0x3] =	stream.indirect.gather [hbm4b:s3+s31], $0x80, s25, s31, $0xb8;
	[tilespmem:$0x1EA00] =	vst v63  }
0xa0: {  	s26 =	smov.u32 s3;
	s5 =	sadd.s32 $0x20, s19;
	_ =	swait.ge [sflag:s1], $0x2000  }
0xa1: {  	s23 =	sadd.s32 $0x20, s24;
	[sflag:s1] =	ssyncset.done $0x0;
	s28 =	rddreg [dreg:$0x16]  }
0xa2: {  	s25 =	simm.s32 $0xB;
	[sflag:s1] =	ssyncadd.s32 $0xFFFFE000;
	s22 =	sadd.s32 $0x20, s28  }
0xa3: {  	[tilespmem:s8], [sflag:$0x8] =	stream.linear.gather [hbm4b:s28+s30], $0x40, $0x38;
	[tilespmem:$0x1EA00] =	vst v63  }
.LBB2_4:
0xa4: {  	s9 =	simm.s32 $0x1C800  }
0xa5: {  	[tilespmem:s9], [sflag:$0x4] =	stream.indirect.gather [hbm4b:s26+s31], $0x80, s16, s31, $0xb8;
	[tilespmem:$0x1EA00] =	vst v63  }
0xa6: {  	s28 =	smov.u32 s20;
	s16 =	smov.u32 s22  }
0xa7: {  	p0 =	sne.s32 s20, $0x9800;
	s20 =	sadd.s32 $0x400, s20;
	_ =	swait.ge [sflag:s11], $0x40  }
0xa8: {  	[sflag:s11] =	ssyncset.done $0x0  }
0xa9: {  	[sflag:s11] =	ssyncadd.s32 $0xFFFFFFC0  }
0xaa: {  	_ =	swait.ge [sflag:s12], $0x2000  }
0xab: {  	[sflag:s12] =	ssyncset.done $0x0  }
0xac: {  	s6 =	simm.s32 $0x1E800;
	s24 =	simm.s32 $0x16800;
	[sflag:s12] =	ssyncadd.s32 $0xFFFFE000  }
0xad: {  	[spmem:s4] =	stream.indirect.scatter.add.f32 [tilespmem:s24], [sflag:$0x9], $0x80, s6, s31, $0xb8;
	[tilespmem:$0x1EA00] =	vst v63  }
0xae: {  	_ =	swait.ge [sflag:s13], $0x40  }
0xaf: {  	[sflag:s13] =	ssyncset.done $0x0  }
0xb0: {  	[sflag:s13] =	ssyncadd.s32 $0xFFFFFFC0  }
0xb1: {  	_ =	swait.ge [sflag:s14], $0x2000  }
0xb2: {  	[sflag:s14] =	ssyncset.done $0x0  }
0xb3: {  	s8 =	simm.s32 $0x1E880;
	s19 =	simm.s32 $0x18800;
	[sflag:s14] =	ssyncadd.s32 $0xFFFFE000  }
0xb4: {  	[spmem:s4] =	stream.indirect.scatter.add.f32 [tilespmem:s19], [sflag:$0xA], $0x80, s8, s31, $0xb8;
	[tilespmem:$0x1EA00] =	vst v63  }
0xb5: {  	_ =	swait.ge [sflag:s15], $0x40  }
0xb6: {  	[sflag:s15] =	ssyncset.done $0x0  }
0xb7: {  	[sflag:s15] =	ssyncadd.s32 $0xFFFFFFC0  }
0xb8: {  	_ =	swait.ge [sflag:s17], $0x2000  }
0xb9: {  	[sflag:s17] =	ssyncset.done $0x0  }
0xba: {  	s2 =	simm.s32 $0x1A800;
	s30 =	simm.s32 $0x1E900;
	[sflag:s17] =	ssyncadd.s32 $0xFFFFE000  }
0xbb: {  	[spmem:s4] =	stream.indirect.scatter.add.f32 [tilespmem:s2], [sflag:$0xB], $0x80, s30, s31, $0xb8;
	[tilespmem:$0x1EA00] =	vst v63  }
0xbc: {  	_ =	swait.ge [sflag:s18], $0x40  }
0xbd: {  	[sflag:s18] =	ssyncset.done $0x0  }
0xbe: {  	s0 =	simm.s32 $0x4;
	[sflag:s18] =	ssyncadd.s32 $0xFFFFFFC0  }
0xbf: {  	_ =	swait.ge [sflag:s0], $0x2000  }
0xc0: {  	[sflag:s0] =	ssyncset.done $0x0  }
0xc1: {  	s7 =	simm.s32 $0x9;
	[sflag:s0] =	ssyncadd.s32 $0xFFFFE000;
	s0 =	simm.s32 $0x1E980  }
0xc2: {  	[spmem:s4] =	stream.indirect.scatter.add.f32 [tilespmem:s9], [sflag:$0xC], $0x80, s0, s31, $0xb8;
	[tilespmem:$0x1EA00] =	vst v63  }
0xc3: {  	_ =	swait.ge [sflag:s7], $0x2000  }
0xc4: {  	[sflag:s7] =	ssyncset.done $0x0  }
0xc5: {  	s28 =	sshra.s32 s28, $0x2;
	[sflag:s7] =	ssyncadd.s32 $0xFFFFE000  }
0xc6: {  	[tilespmem:s6], [sflag:$0x5] =	stream.linear.gather [hbm4b:s21+s10], $0x40, $0x38;
	[tilespmem:$0x1EA00] =	vst v63  }
0xc7: {  	s1 =	simm.s32 $0x16800;
	s26 =	sadd.s32 $0x14100, s28;
	s6 =	simm.s32 $0xA  }
0xc8: {  	[tilespmem:s24], [sflag:$0x1] =	stream.indirect.gather [hbm4b:s3+s31], $0x80, s26, s31, $0xb8;
	[tilespmem:$0x1EA00] =	vst v63  }
0xc9: {  	_ =	swait.ge [sflag:s6], $0x2000  }
0xca: {  	[sflag:s6] =	ssyncset.done $0x0  }
0xcb: {  	s7 =	simm.s32 $0x1E880;
	[sflag:s6] =	ssyncadd.s32 $0xFFFFE000  }
0xcc: {  	[tilespmem:s8], [sflag:$0x6] =	stream.linear.gather [hbm4b:s5+s10], $0x40, $0x38;
	[tilespmem:$0x1EA00] =	vst v63  }
0xcd: {  	s26 =	sadd.s32 $0x14140, s28;
	s24 =	simm.s32 $0x18800  }
0xce: {  	[tilespmem:s19], [sflag:$0x2] =	stream.indirect.gather [hbm4b:s3+s31], $0x80, s26, s31, $0xb8;
	[tilespmem:$0x1EA00] =	vst v63  }
0xcf: {  	_ =	swait.ge [sflag:s25], $0x2000  }
0xd0: {  	[sflag:s25] =	ssyncset.done $0x0  }
0xd1: {  	s6 =	simm.s32 $0x1E900;
	[sflag:s25] =	ssyncadd.s32 $0xFFFFE000  }
0xd2: {  	[tilespmem:s30], [sflag:$0x7] =	stream.linear.gather [hbm4b:s23+s10], $0x40, $0x38;
	[tilespmem:$0x1EA00] =	vst v63  }
0xd3: {  	s26 =	sadd.s32 $0x14180, s28  }
0xd4: {  	[tilespmem:s2], [sflag:$0x3] =	stream.indirect.gather [hbm4b:s3+s31], $0x80, s26, s31, $0xb8;
	[tilespmem:$0x1EA00] =	vst v63  }
0xd5: {  	s8 =	simm.s32 $0x1A800;
	s26 =	smov.u32 s3;
	s2 =	simm.s32 $0xC  }
.Ltmp1:
0xd6: {  	_ =	swait.ge [sflag:s2], $0x2000;
	(pc) =	sbr.rel @p0 .LBB2_4-.Ltmp1, $4  }
0xd7: {  	s22 =	sadd.s32 $0x20, s22;
	[sflag:s2] =	ssyncset.done $0x0  }
0xd8: {  	s9 =	simm.s32 $0x1E980;
	s21 =	sadd.s32 $0x20, s21;
	[sflag:s2] =	ssyncadd.s32 $0xFFFFE000  }
0xd9: {  	[tilespmem:s0], [sflag:$0x8] =	stream.linear.gather [hbm4b:s16+s10], $0x40, $0x38;
	[tilespmem:$0x1EA00] =	vst v63  }
0xda: {  	s5 =	sadd.s32 $0x20, s5;
	s23 =	sadd.s32 $0x20, s23;
	s16 =	sadd.s32 $0x141C0, s28  }
0xdb: {  	s3 =	simm.s32 $0x1C800  }
0xdc: {  	[tilespmem:s3], [sflag:$0x4] =	stream.indirect.gather [hbm4b:s26+s31], $0x80, s16, s31, $0xb8;
	[tilespmem:$0x1EA00] =	vst v63  }
0xdd: {  	_ =	swait.ge [sflag:s11], $0x40  }
0xde: {  	[sflag:s11] =	ssyncset.done $0x0  }
0xdf: {  	[sflag:s11] =	ssyncadd.s32 $0xFFFFFFC0  }
0xe0: {  	_ =	swait.ge [sflag:s12], $0x2000  }
0xe1: {  	[sflag:s12] =	ssyncset.done $0x0  }
0xe2: {  	[sflag:s12] =	ssyncadd.s32 $0xFFFFE000  }
0xe3: {  	[spmem:s4] =	stream.indirect.scatter.add.f32 [tilespmem:s1], [sflag:$0x9], $0x80, s29, s31, $0xb8;
	[tilespmem:$0x1EA00] =	vst v63  }
0xe4: {  	_ =	swait.ge [sflag:s13], $0x40  }
0xe5: {  	[sflag:s13] =	ssyncset.done $0x0  }
0xe6: {  	[sflag:s13] =	ssyncadd.s32 $0xFFFFFFC0  }
0xe7: {  	_ =	swait.ge [sflag:s14], $0x2000  }
0xe8: {  	[sflag:s14] =	ssyncset.done $0x0  }
0xe9: {  	[sflag:s14] =	ssyncadd.s32 $0xFFFFE000  }
0xea: {  	[spmem:s4] =	stream.indirect.scatter.add.f32 [tilespmem:s24], [sflag:$0xA], $0x80, s7, s31, $0xb8;
	[tilespmem:$0x1EA00] =	vst v63  }
0xeb: {  	_ =	swait.ge [sflag:s15], $0x40  }
0xec: {  	[sflag:s15] =	ssyncset.done $0x0  }
0xed: {  	[sflag:s15] =	ssyncadd.s32 $0xFFFFFFC0  }
0xee: {  	_ =	swait.ge [sflag:s17], $0x2000  }
0xef: {  	[sflag:s17] =	ssyncset.done $0x0  }
0xf0: {  	[sflag:s17] =	ssyncadd.s32 $0xFFFFE000  }
0xf1: {  	[spmem:s4] =	stream.indirect.scatter.add.f32 [tilespmem:s8], [sflag:$0xB], $0x80, s6, s31, $0xb8;
	[tilespmem:$0x1EA00] =	vst v63  }
0xf2: {  	_ =	swait.ge [sflag:s18], $0x40  }
0xf3: {  	[sflag:s18] =	ssyncset.done $0x0  }
0xf4: {  	s0 =	simm.s32 $0x4;
	[sflag:s18] =	ssyncadd.s32 $0xFFFFFFC0  }
0xf5: {  	_ =	swait.ge [sflag:s0], $0x2000  }
0xf6: {  	[sflag:s0] =	ssyncset.done $0x0  }
0xf7: {  	s20 =	simm.s32 $0x9;
	[sflag:s0] =	ssyncadd.s32 $0xFFFFE000  }
0xf8: {  	[spmem:s4] =	stream.indirect.scatter.add.f32 [tilespmem:s3], [sflag:$0xC], $0x80, s9, s31, $0xb8;
	[tilespmem:$0x1EA00] =	vst v63  }
0xf9: {  	_ =	swait.ge [sflag:s20], $0x2000  }
0xfa: {  	[sflag:s20] =	ssyncset.done $0x0  }
0xfb: {  	s21 =	simm.s32 $0xA;
	[sflag:s20] =	ssyncadd.s32 $0xFFFFE000  }
0xfc: {  	_ =	swait.ge [sflag:s21], $0x2000  }
0xfd: {  	[sflag:s21] =	ssyncset.done $0x0  }
0xfe: {  	[sflag:s21] =	ssyncadd.s32 $0xFFFFE000  }
0xff: {  	_ =	swait.ge [sflag:s25], $0x2000  }
0x100: {  	[sflag:s25] =	ssyncset.done $0x0  }
0x101: {  	s22 =	simm.s32 $0xC;
	[sflag:s25] =	ssyncadd.s32 $0xFFFFE000  }
0x102: {  	_ =	swait.ge [sflag:s22], $0x2000  }
0x103: {  	[sflag:s22] =	ssyncset.done $0x0  }
0x104: {  	s5 =	stileid.u32;
	s2 =	simm.s32 $0x1E880;
	[sflag:s22] =	ssyncadd.s32 $0xFFFFE000  }
0x105: {  	s28 =	simm.s32 $0x18800;
	s5 =	sshll.u32 s5, $0x6;
	[bflag:$0x0] =	sbarrier.arrive $0xFFFF  }
0x106: {  	s10 =	simm.s32 $0x5;
	s5 =	sor.u32 $0x1C0D, s5;
	s20 =	rddreg [dreg:$0x4]  }
0x107: {  	s22 =	simm.s32 $0xD;
	s21 =	rddreg [dreg:$0x12];
	s23 =	sshrl.u32 s20, $0x3  }
0x108: {  	[hbm:s21], [sflag:s5] =	dma.local [spmem:s23], $0x2800  }
0x109: {  	s19 =	simm.s32 $0x9;
	s30 =	simm.s32 $0x0;
	_ =	swait.ge [sflag:s22], $0x2800  }
0x10a: {  	s11 =	simm.s32 $0x1;
	s12 =	simm.s32 $0x6;
	s24 =	rddreg [dreg:$0x19]  }
0x10b: {  	s1 =	simm.s32 $0xC;
	s25 =	rddreg [dreg:$0x18];
	s0 =	sadd.s32 $0x1, s24  }
0x10c: {  	s13 =	simm.s32 $0x2;
	s14 =	simm.s32 $0x7;
	p0 =	sne.s32 s0, s25  }
.Ltmp2:
0x10d: {  	s7 =	simm.s32 $0x1A800;
	s15 =	simm.s32 $0x3;
	(pc) =	sbr.rel @p0 .LBB2_1-.Ltmp2, $4  }
0x10e: {  	s17 =	simm.s32 $0x8;
	s6 =	simm.s32 $0x1E900;
	s8 =	simm.s32 $0x1E980  }
0x10f: {  	s18 =	simm.s32 $0x4;
	s9 =	simm.s32 $0x1C800;
	s3 =	smov.u32 s4  }
0x110: {  	s21 =	simm.s32 $0x16800;
	s23 =	simm.s32 $0x1E800;
	[sflag:s22] =	ssyncset.done $0x0  }
0x111: {  	[sflag:s22] =	ssyncadd.s32 $0xFFFFD800;
	s24 =	simm.s32 $0xA;
	s25 =	simm.s32 $0xB  }
0x112: {  	_ =	sfence.sel $0x180000  }
0x113: {  	[bflag:$0x0] =	sbarrier.arrive $0xFFFF  }
0x114: {  	_ =	strace $0x90000047  }
0x115: {  	s0 =	stileid.u32;
	[bflag:$0x2] =	sbarrier.arrive $0xFFFF  }
0x116: {  	p0 =	sne.s32 s0, $0x0;
	s0 =	rddreg [dreg:$0x3]  }
0x117: {  	s0 =	sadd.s32 @!p0 $0x100000, s0  }
0x118: {  	[sflag:s0] =	ssyncadd.tile.s32 @!p0 $0x1;
	_ =	shalt  }
.Lfunc_end2:
_tile_overlayer_lowered:
.L_overlay_start_2:
0x119: {  	(tag) =	ssettag $0x2  }
0x11a: {  	s0 =	rddreg [dreg:$0x0];
	s2 =	stileid.u32  }
0x11b: {  	s1 =	rddreg [dreg:$0x1];
	p0 =	sne.s32 s2, $0x0  }
0x11c: {  	s3 =	rddreg [dreg:$0x2];
	[bflag:$0x3] =	sbarrier.arrive $0xFFFF;
	s2 =	simm.s32 @!p0 $0x1C0D  }
0x11d: {  	[timem:s3], [sflag:s2] =	dma.local @!p0 [hbm:s0], s1  }
0x11e: {  	s0 =	simm.s32 @!p0 $0xD  }
0x11f: {  	_ =	swait.ge @!p0 [sflag:s0], s1  }
0x120: {  	s1 =	ssub.s32 @!p0 $0x0, s1;
	[sflag:s0] =	ssyncset.done @!p0 $0x0  }
0x121: {  	[sflag:s0] =	ssyncadd.s32 @!p0 s1  }
0x122: {  	[bflag:$0x3] =	sbarrier.arrive $0xFFFF  }
0x123: {  	_ =	shalt  }

</sc_bundles>
